<compile_context>
chip_gen: v7x
topology: tpu7x:2x2x1
jax: 0.10.2.dev20260603
libtpu: 0.0.44.dev20260713+nightly
codegen_flags: <defaults>
</compile_context>

<pallas_src>
import functools

import jax
import jax.numpy as jnp
from jax import lax
from jax.experimental import pallas as pl
from jax.experimental.pallas import tpu as pltpu
import jax.experimental.pallas.tpu_sc as plsc

E = 320000
N = 10000
D = 128
RAD = 64
H = 16
DH = 8

BE = 640
BN = 1000

E2 = E // 2

NC = 2
NS = 16
NW = NC * NS
EPW = E2 // NW
CHUNK = 128
NFULL = EPW // CHUNK
TAIL = EPW - NFULL * CHUNK
NPAD = 10240
ROWS_PT = NPAD // NS


def _slrelu(x, a=0.2):
    return ((1.0 + a) / 2.0) * x + ((1.0 - a) / 2.0) * x * (
        2.0 * jax.nn.sigmoid(x) - 1.0)


def _edge_body(es_ref, msg_ref, ea_ref, w1_ref, b1_ref, w2e_ref, w2o_ref,
               b2_ref, wa_ref, ba_ref, wl_ref, bl_ref, wv_ref, bv_ref,
               g128_ref, attn_ref, p_ref):
    f32 = jnp.float32
    h2 = jax.nn.silu(
        jnp.dot(es_ref[...], w1_ref[...], preferred_element_type=f32)
        + b1_ref[...])
    we = jnp.dot(h2, w2e_ref[...], preferred_element_type=f32) + b2_ref[...]
    wo = jnp.dot(h2, w2o_ref[...], preferred_element_type=f32) + b2_ref[...]
    weight = jnp.stack([we, wo], axis=1).reshape(BE, D)
    eaq = ea_ref[0]
    a = jnp.broadcast_to(eaq.reshape(BE // 128, 1, 128),
                         (BE // 128, 128, 128)).reshape(BE, 128)
    lane = lax.broadcasted_iota(jnp.int32, (BE, 128), 1)
    sub = lax.broadcasted_iota(jnp.int32, (BE, 128), 0)
    ea = jnp.sum(jnp.where(lane == sub % 128, a, 0.0), axis=1, keepdims=True)
    msg = msg_ref[...] * ea * weight
    la_act = _slrelu(
        jnp.dot(msg, wa_ref[...], preferred_element_type=f32) + ba_ref[...])
    la128 = jnp.dot(la_act, g128_ref[...], preferred_element_type=f32)
    p128 = jnp.exp(la128)
    value = jax.nn.silu(
        jnp.dot(msg, wl_ref[...], preferred_element_type=f32) + bl_ref[...])
    val = jnp.dot(value * ea, wv_ref[...], preferred_element_type=f32) \
        + bv_ref[...]
    attn_ref[...] = val * p128
    p_ref[...] = p128


def _edge_pipeline(message, ea3, es2, W1d, b1d, W2e, W2o, b_rad2,
                   W_alpha, b_alpha, W_lin, b_lin, W_val, b_val, G128, half):
    full = lambda shape: pl.BlockSpec(shape, lambda i: (0, 0))
    grid = E2 // BE
    off = half * grid
    return pl.pallas_call(
        _edge_body,
        grid=(grid,),
        in_specs=[
            pl.BlockSpec((BE // 2, D), lambda i: (i + off, 0)),
            pl.BlockSpec((BE, D), lambda i: (i + off, 0)),
            pl.BlockSpec((1, BE // 128, 128), lambda i: (i + off, 0, 0)),
            full((D, D)), full((1, D)),
            full((D, D)), full((D, D)), full((1, D)),
            full((D, D)), full((1, D)),
            full((D, D)), full((1, D)),
            full((D, D)), full((1, D)),
            full((D, D)),
        ],
        out_specs=[
            pl.BlockSpec((BE, D), lambda i: (i, 0)),
            pl.BlockSpec((BE, D), lambda i: (i, 0)),
        ],
        out_shape=[
            jax.ShapeDtypeStruct((E2, D), jnp.float32),
            jax.ShapeDtypeStruct((E2, D), jnp.float32),
        ],
        compiler_params=pltpu.CompilerParams(
            dimension_semantics=("arbitrary",)),
    )(es2, message, ea3, W1d, b1d, W2e, W2o, b_rad2.reshape(1, D),
      W_alpha, b_alpha.reshape(1, D),
      W_lin, b_lin.reshape(1, D), W_val, b_val.reshape(1, D), G128)


def _sc_body(half, data_hbm, dst_hbm, out_hbm, acc,
             idx0, buf0, idx1, buf1, idxt, buft, si0, sd0, si1, sd1):
    c = lax.axis_index("c")
    s = lax.axis_index("s")
    wid = c * NS + s

    def zrow(i, carry):
        def zcol(j, carry2):
            buf0[i, pl.ds(j * 16, 16)] = jnp.zeros((16,), jnp.float32)
            return carry2
        lax.fori_loop(0, D // 16, zcol, 0)
        return carry
    lax.fori_loop(0, CHUNK, zrow, 0)

    def zslab(k, carry):
        pltpu.sync_copy(buf0, acc.at[pl.ds(s * ROWS_PT + k * CHUNK, CHUNK), :])
        return carry
    lax.fori_loop(0, ROWS_PT // CHUNK, zslab, 0)
    plsc.subcore_barrier()

    base = wid * EPW
    dbase = half * E2 + base

    def load(j, idxb, bufb, semi, semd):
        pltpu.async_copy(dst_hbm.at[pl.ds(dbase + j * CHUNK, CHUNK)],
                         idxb, semi)
        pltpu.async_copy(data_hbm.at[pl.ds(base + j * CHUNK, CHUNK), :],
                         bufb, semd)

    def wait(j, idxb, bufb, semi, semd):
        pltpu.make_async_copy(dst_hbm.at[pl.ds(dbase + j * CHUNK, CHUNK)],
                              idxb, semi).wait()
        pltpu.make_async_copy(data_hbm.at[pl.ds(base + j * CHUNK, CHUNK), :],
                              bufb, semd).wait()

    load(0, idx0, buf0, si0, sd0)

    def pair(g, carry):
        j0 = 2 * g
        wait(j0, idx0, buf0, si0, sd0)
        load(j0 + 1, idx1, buf1, si1, sd1)
        pltpu.sync_copy(buf0, acc.at[idx0], add=True)
        wait(j0 + 1, idx1, buf1, si1, sd1)
        load(j0 + 2, idx0, buf0, si0, sd0)
        pltpu.sync_copy(buf1, acc.at[idx1], add=True)
        return carry

    lax.fori_loop(0, (NFULL - 1) // 2, pair, 0)
    jlast = NFULL - 1
    wait(jlast, idx0, buf0, si0, sd0)
    pltpu.sync_copy(buf0, acc.at[idx0], add=True)
    pltpu.sync_copy(dst_hbm.at[pl.ds(dbase + NFULL * CHUNK, TAIL)], idxt)
    pltpu.sync_copy(data_hbm.at[pl.ds(base + NFULL * CHUNK, TAIL), :], buft)
    pltpu.sync_copy(buft, acc.at[idxt], add=True)
    plsc.subcore_barrier()

    def dslab(k, carry):
        r = s * ROWS_PT + k * CHUNK
        pltpu.sync_copy(acc.at[pl.ds(r, CHUNK), :], buf0)
        pltpu.sync_copy(buf0, out_hbm.at[c, pl.ds(r, CHUNK), :])
        return carry
    lax.fori_loop(0, ROWS_PT // CHUNK, dslab, 0)


def _sc_scatter_one(data, dst32, half):
    mesh = plsc.VectorSubcoreMesh(core_axis_name="c", subcore_axis_name="s")
    f = pl.kernel(
        functools.partial(_sc_body, half),
        out_type=jax.ShapeDtypeStruct((NC, NPAD, D), jnp.float32),
        mesh=mesh,
        scratch_types=[
            pltpu.VMEM_SHARED((NPAD, D), jnp.float32),
            pltpu.VMEM((CHUNK,), jnp.int32),
            pltpu.VMEM((CHUNK, D), jnp.float32),
            pltpu.VMEM((CHUNK,), jnp.int32),
            pltpu.VMEM((CHUNK, D), jnp.float32),
            pltpu.VMEM((TAIL,), jnp.int32),
            pltpu.VMEM((TAIL, D), jnp.float32),
            pltpu.SemaphoreType.DMA,
            pltpu.SemaphoreType.DMA,
            pltpu.SemaphoreType.DMA,
            pltpu.SemaphoreType.DMA,
        ],
        compiler_params=pltpu.CompilerParams(use_tc_tiling_on_sc=True),
    )
    return f(data, dst32)


def _combine_body(na_ref, da_ref, nb_ref, db_ref, wp_ref, bp_ref, out_ref):
    f32 = jnp.float32
    num = (na_ref[0] + na_ref[1]) + (nb_ref[0] + nb_ref[1])
    den = (da_ref[0] + da_ref[1]) + (db_ref[0] + db_ref[1])
    node = num / (den + 1e-16)
    out_ref[...] = jnp.dot(node, wp_ref[...], preferred_element_type=f32) \
        + bp_ref[...]


def _combine(num_a, den_a, num_b, den_b, W_proj, b_proj):
    full = lambda shape: pl.BlockSpec(shape, lambda i: (0, 0))
    part = pl.BlockSpec((NC, BN, D), lambda i: (0, i, 0))
    return pl.pallas_call(
        _combine_body,
        grid=(N // BN,),
        in_specs=[part, part, part, part, full((D, D)), full((1, D))],
        out_specs=pl.BlockSpec((BN, D), lambda i: (i, 0)),
        out_shape=jax.ShapeDtypeStruct((N, D), jnp.float32),
        compiler_params=pltpu.CompilerParams(
            dimension_semantics=("arbitrary",)),
    )(num_a, den_a, num_b, den_b, W_proj, b_proj.reshape(1, D))


def kernel(message, edge_dst, edge_attr, edge_scalars, n_nodes_dst,
           W_rad1, b_rad1, W_rad2, b_rad2, W_alpha, b_alpha,
           W_lin, b_lin, W_val, b_val, alpha_dot, W_proj, b_proj):
    dst32 = edge_dst.astype(jnp.int32)

    heads = jnp.arange(D, dtype=jnp.int32) // DH
    same = (heads[:, None] == heads[None, :]).astype(jnp.float32)
    G128 = same * alpha_dot.reshape(D)[:, None]
    ea3 = edge_attr.reshape(E // BE, BE // 128, 128)

    z64 = jnp.zeros((RAD, RAD), jnp.float32)
    W1d = jnp.block([[W_rad1, z64], [z64, W_rad1]])
    b1d = jnp.concatenate([b_rad1, b_rad1]).reshape(1, D)
    zw2 = jnp.zeros((RAD, D), jnp.float32)
    W2e = jnp.concatenate([W_rad2, zw2], axis=0)
    W2o = jnp.concatenate([zw2, W_rad2], axis=0)
    es2 = edge_scalars.reshape(E // 2, D)

    def edge_half(h):
        return _edge_pipeline(
            message, ea3, es2, W1d, b1d, W2e, W2o, b_rad2,
            W_alpha, b_alpha, W_lin, b_lin, W_val, b_val, G128, h)

    attn0, p0 = edge_half(0)
    attn1, p1 = edge_half(1)

    num_a = _sc_scatter_one(attn0, dst32, 0)
    p0b, num_a = lax.optimization_barrier((p0, num_a))
    den_a = _sc_scatter_one(p0b, dst32, 0)
    attn1b, den_a = lax.optimization_barrier((attn1, den_a))
    num_b = _sc_scatter_one(attn1b, dst32, 1)
    p1b, num_b = lax.optimization_barrier((p1, num_b))
    den_b = _sc_scatter_one(p1b, dst32, 1)

    out = _combine(num_a, den_a, num_b, den_b, W_proj, b_proj)
    out = out + jnp.zeros((), dtype=out.dtype) * n_nodes_dst
    return out

# --- scband reference (transcript-rebuilt; emitter-appended) ---
"""Pipeline reference for scband-graph-attention-mlp-33268816675089 (READ-ONLY COPY).

The authoritative reference and input builder live on the scoring server;
editing this copy changes nothing except your own understanding.
"""

import jax, jax.numpy as jnp
import numpy as np

E = 320000
N = 10000
D = 128
RAD = 64
H = 16
DH = 8


def setup_inputs(seed: int = 0) -> dict:
    key = jax.random.key(seed)
    ks = [jax.random.fold_in(key, i) for i in range(20)]
    inp = {}
    inp["message"] = jax.random.normal(ks[0], (E, D), dtype=jnp.float32)
    inp["edge_dst"] = jax.random.randint(ks[1], (E,), 0, N).astype(jnp.int64)
    inp["edge_attr"] = jax.random.normal(ks[2], (E, 1), dtype=jnp.float32)
    inp["edge_scalars"] = jax.random.normal(ks[3], (E, RAD), dtype=jnp.float32)
    inp["n_nodes_dst"] = N
    s = 1.0 / np.sqrt(D)
    sr = 1.0 / np.sqrt(RAD)
    inp["W_rad1"] = jax.random.normal(ks[4], (RAD, RAD), dtype=jnp.float32) * sr
    inp["b_rad1"] = jnp.zeros((RAD,), dtype=jnp.float32)
    inp["W_rad2"] = jax.random.normal(ks[5], (RAD, D), dtype=jnp.float32) * sr
    inp["b_rad2"] = jnp.zeros((D,), dtype=jnp.float32)
    inp["W_alpha"] = jax.random.normal(ks[6], (D, H * DH), dtype=jnp.float32) * s
    inp["b_alpha"] = jnp.zeros((H * DH,), dtype=jnp.float32)
    inp["W_lin"] = jax.random.normal(ks[7], (D, D), dtype=jnp.float32) * s
    inp["b_lin"] = jnp.zeros((D,), dtype=jnp.float32)
    inp["W_val"] = jax.random.normal(ks[8], (D, H * DH), dtype=jnp.float32) * s
    inp["b_val"] = jnp.zeros((H * DH,), dtype=jnp.float32)
    inp["alpha_dot"] = jax.random.normal(ks[9], (H, DH), dtype=jnp.float32) * (1.0 / np.sqrt(DH))
    inp["W_proj"] = jax.random.normal(ks[10], (H * DH, D), dtype=jnp.float32) * s
    inp["b_proj"] = jnp.zeros((D,), dtype=jnp.float32)
    return inp


def _smooth_leaky_relu(x, a=0.2):
    x1 = ((1.0 + a) / 2.0) * x
    x2 = ((1.0 - a) / 2.0) * x * (2.0 * jax.nn.sigmoid(x) - 1.0)
    return x1 + x2


def reference(message, edge_dst, edge_attr, edge_scalars, n_nodes_dst,
              W_rad1, b_rad1, W_rad2, b_rad2, W_alpha, b_alpha,
              W_lin, b_lin, W_val, b_val, alpha_dot, W_proj, b_proj):
    edge_dst = edge_dst.astype(jnp.int32)
    # sep_act.dtp_rad: radial MLP producing per-edge depthwise TP weights
    h = jax.nn.silu(edge_scalars @ W_rad1 + b_rad1)
    weight = h @ W_rad2 + b_rad2                       # [E, D]
    # sep_act.dtp: depthwise tensor product (scalar irreps -> elementwise)
    msg = message * edge_attr * weight                 # [E, D]
    # sep_alpha: LinearRS to mul_alpha scalars, then Vec2AttnHeads
    log_alpha = (msg @ W_alpha + b_alpha).reshape(-1, H, DH)  # [E, H, DH]
    # sep_act.lin + gate
    value = jax.nn.silu(msg @ W_lin + b_lin)           # [E, D]
    # sep_value: depthwise TP with internal weights + linear, then Vec2AttnHeads
    value = ((value * edge_attr) @ W_val + b_val).reshape(-1, H, DH)  # [E, H, DH]
    # alpha activation + dot
    log_alpha = _smooth_leaky_relu(log_alpha)
    log_alpha = jnp.einsum('ehk,hk->eh', log_alpha, alpha_dot)  # [E, H]
    # scatter_logsumexp over edge_dst
    m = jax.ops.segment_max(log_alpha, edge_dst, num_segments=N)  # [N, H]
    m = jnp.where(jnp.isfinite(m), m, 0.0)
    sums = jax.ops.segment_sum(jnp.exp(log_alpha - m[edge_dst]), edge_dst,
                               num_segments=N)
    log_Z = m + jnp.log(sums + 1e-16)                  # [N, H]
    alpha = jnp.exp(log_alpha - log_Z[edge_dst])       # [E, H]
    attn = value * alpha[:, :, None]                   # [E, H, DH]
    node = jax.ops.segment_sum(attn, edge_dst, num_segments=N)  # [N, H, DH]
    node = node.reshape(N, H * DH)                     # heads2vec
    out = node @ W_proj + b_proj                       # proj
    out = out + jnp.zeros((), dtype=out.dtype) * n_nodes_dst
    return out

if __name__ == "__main__":
    import jax
    _d = setup_inputs()
    print(jax.jit(kernel)(*tuple(_d.values())))

</pallas_src>

<mosaic_0001>
#map = affine_map<(d0, d1) -> (0, 0)>
#map1 = affine_map<(d0, d1) -> (0)>
#map2 = affine_map<(d0, d1) -> (0, 0, 0)>
module attributes {stable_mosaic.version = 14 : i64} {
  func.func @_sc_body(%arg0: i32, %arg1: i32, %arg2: memref<160000x128xf32, #tpu.memory_space<hbm>>, %arg3: memref<320000xi32, #tpu.memory_space<hbm>>, %arg4: memref<2x10240x128xf32, #tpu.memory_space<hbm>>, %arg5: memref<10240x128xf32, #tpu.memory_space<vmem_shared>>, %arg6: memref<128xi32, #tpu.memory_space<vmem>>, %arg7: memref<128x128xf32, #tpu.memory_space<vmem>>, %arg8: memref<128xi32, #tpu.memory_space<vmem>>, %arg9: memref<128x128xf32, #tpu.memory_space<vmem>>, %arg10: memref<8xi32, #tpu.memory_space<vmem>>, %arg11: memref<8x128xf32, #tpu.memory_space<vmem>>, %arg12: memref<!tpu.dma_semaphore, #tpu.memory_space<semaphore_mem>>, %arg13: memref<!tpu.dma_semaphore, #tpu.memory_space<semaphore_mem>>, %arg14: memref<!tpu.dma_semaphore, #tpu.memory_space<semaphore_mem>>, %arg15: memref<!tpu.dma_semaphore, #tpu.memory_space<semaphore_mem>>) attributes {dimension_semantics = [#tpu.dimension_semantics<core_parallel>, #tpu.dimension_semantics<subcore_parallel>], iteration_bounds = array<i64: 2, 16>, scalar_prefetch = 0 : i64, scratch_operands = 11 : i64, tpu.core_type = #tpu.core_type<sc_vector_subcore>, window_params = [{transform_indices = #map}, {transform_indices = #map1}, {transform_indices = #map2}]} {
    %mul3A = arith.constant 16 : i32
    %mul3A_0 = arith.muli %arg0, %mul3A : i32
    %add3A = arith.addi %mul3A_0, %arg1 : i32
    %scan3A = arith.constant 0 : i32
    %scan3A_1 = arith.constant 0 : i32
    %scan3A_2 = arith.constant 128 : i32
    %scan3A_3 = arith.addi %scan3A_1, %scan3A_2 : i32
    %scan3A_4 = arith.constant 1 : i32
    scf.for %scan3A_51 = %scan3A_1 to %scan3A_3 step %scan3A_4  : i32 {
      %scan3A_52 = arith.constant 0 : i32
      %scan3A_53 = arith.constant 0 : i32
      %scan3A_54 = arith.constant 8 : i32
      %scan3A_55 = arith.addi %scan3A_53, %scan3A_54 : i32
      %scan3A_56 = arith.constant 1 : i32
      scf.for %scan3A_58 = %scan3A_53 to %scan3A_55 step %scan3A_56  : i32 {
        %broadcast_in_dim3A = arith.constant 0.000000e+00 : f32
        %broadcast_in_dim3A_59 = vector.broadcast %broadcast_in_dim3A : f32 to vector<16xf32>
        %mul3A_60 = arith.constant 16 : i32
        %mul3A_61 = arith.muli %scan3A_58, %mul3A_60 : i32
        %swap3A = arith.index_cast %scan3A_51 : i32 to index
        %swap3A_62 = arith.index_cast %mul3A_61 : i32 to index
        %swap3A_63 = tpu.vector_load %arg7[%swap3A, %swap3A_62] {strides = array<i32>} : memref<128x128xf32, #tpu.memory_space<vmem>>, vector<1x16xf32>,
        %swap3A_64 = vector.shape_cast %swap3A_63 : vector<1x16xf32> to vector<16xf32>
        %swap3A_65 = vector.shape_cast %broadcast_in_dim3A_59 : vector<16xf32> to vector<1x16xf32>
        tpu.vector_store %arg7[%swap3A, %swap3A_62], %swap3A_65 {strides = array<i32>} : memref<128x128xf32, #tpu.memory_space<vmem>>, vector<1x16xf32>,
      }
      %scan3A_57 = arith.constant 8 : i32
    }
    %scan3A_5 = arith.constant 128 : i32
    %scan3A_6 = arith.constant 0 : i32
    %scan3A_7 = arith.constant 0 : i32
    %scan3A_8 = arith.constant 5 : i32
    %scan3A_9 = arith.addi %scan3A_7, %scan3A_8 : i32
    %scan3A_10 = arith.constant 1 : i32
    scf.for %scan3A_51 = %scan3A_7 to %scan3A_9 step %scan3A_10  : i32 {
      %mul3A_52 = arith.constant 640 : i32
      %mul3A_53 = arith.muli %arg1, %mul3A_52 : i32
      %mul3A_54 = arith.constant 128 : i32
      %mul3A_55 = arith.muli %scan3A_51, %mul3A_54 : i32
      %add3A_56 = arith.addi %mul3A_53, %mul3A_55 : i32
      "tpu.region"() ({
        %run_scoped3A = tpu.sem_alloc : memref<!tpu.dma_semaphore, #tpu.memory_space<semaphore_mem>>
        %dma_start3A_57 = arith.constant 0 : i32
        %dma_start3A_58 = tpu.memref_slice %arg5[%add3A_56, %dma_start3A_57] : memref<10240x128xf32, #tpu.memory_space<vmem_shared>> -> memref<128x128xf32, #tpu.memory_space<vmem_shared>>
        %dma_start3A_59 = arith.constant 0 : i32
        %dma_start3A_60 = tpu.memref_slice %arg5[%add3A_56, %dma_start3A_59] : memref<10240x128xf32, #tpu.memory_space<vmem_shared>> -> memref<128x128xf32, #tpu.memory_space<vmem_shared>>
        tpu.enqueue_dma source(%arg7 : memref<128x128xf32, #tpu.memory_space<vmem>>) target(%dma_start3A_60 : memref<128x128xf32, #tpu.memory_space<vmem_shared>>) target_semaphore(%run_scoped3A : memref<!tpu.dma_semaphore, #tpu.memory_space<semaphore_mem>>)
        %dma_wait3A_61 = arith.constant 0 : i32
        %dma_wait3A_62 = tpu.memref_slice %arg5[%add3A_56, %dma_wait3A_61] : memref<10240x128xf32, #tpu.memory_space<vmem_shared>> -> memref<128x128xf32, #tpu.memory_space<vmem_shared>>
        %dma_wait3A_63 = arith.constant 0 : i32
        %dma_wait3A_64 = tpu.memref_slice %arg5[%add3A_56, %dma_wait3A_63] : memref<10240x128xf32, #tpu.memory_space<vmem_shared>> -> memref<128x128xf32, #tpu.memory_space<vmem_shared>>
        tpu.wait_dma2 semaphore(%run_scoped3A : memref<!tpu.dma_semaphore, #tpu.memory_space<semaphore_mem>>) src(%arg7 : memref<128x128xf32, #tpu.memory_space<vmem>>) dst(%dma_wait3A_64 : memref<128x128xf32, #tpu.memory_space<vmem_shared>>)
        tpu.yield
      }) : () -> ()
    }
    %scan3A_11 = arith.constant 5 : i32
    %barrier3A = arith.constant 0 : index
    tpu.barrier barrier_id(%barrier3A)
    %mul3A_12 = arith.constant 5000 : i32
    %mul3A_13 = arith.muli %add3A, %mul3A_12 : i32
    %add3A_14 = arith.constant 0 : i32
    %add3A_15 = arith.addi %add3A_14, %mul3A_13 : i32
    %add3A_16 = arith.constant 0 : i32
    %add3A_17 = arith.addi %add3A_15, %add3A_16 : i32
    %dma_start3A = tpu.memref_slice %arg3[%add3A_17] : memref<320000xi32, #tpu.memory_space<hbm>> -> memref<128xi32, #tpu.memory_space<hbm>>
    %dma_start3A_18 = tpu.memref_slice %arg3[%add3A_17] : memref<320000xi32, #tpu.memory_space<hbm>> -> memref<128xi32, #tpu.memory_space<hbm>>
    tpu.enqueue_dma source(%dma_start3A_18 : memref<128xi32, #tpu.memory_space<hbm>>) target(%arg6 : memref<128xi32, #tpu.memory_space<vmem>>) target_semaphore(%arg12 : memref<!tpu.dma_semaphore, #tpu.memory_space<semaphore_mem>>)
    %add3A_19 = arith.constant 0 : i32
    %add3A_20 = arith.addi %mul3A_13, %add3A_19 : i32
    %dma_start3A_21 = arith.constant 0 : i32
    %dma_start3A_22 = tpu.memref_slice %arg2[%add3A_20, %dma_start3A_21] : memref<160000x128xf32, #tpu.memory_space<hbm>> -> memref<128x128xf32, #tpu.memory_space<hbm>>
    %dma_start3A_23 = arith.constant 0 : i32
    %dma_start3A_24 = tpu.memref_slice %arg2[%add3A_20, %dma_start3A_23] : memref<160000x128xf32, #tpu.memory_space<hbm>> -> memref<128x128xf32, #tpu.memory_space<hbm>>
    tpu.enqueue_dma source(%dma_start3A_24 : memref<128x128xf32, #tpu.memory_space<hbm>>) target(%arg7 : memref<128x128xf32, #tpu.memory_space<vmem>>) target_semaphore(%arg13 : memref<!tpu.dma_semaphore, #tpu.memory_space<semaphore_mem>>)
    %scan3A_25 = arith.constant 0 : i32
    %scan3A_26 = arith.constant 0 : i32
    %scan3A_27 = arith.constant 19 : i32
    %scan3A_28 = arith.addi %scan3A_26, %scan3A_27 : i32
    %scan3A_29 = arith.constant 1 : i32
    scf.for %scan3A_51 = %scan3A_26 to %scan3A_28 step %scan3A_29  : i32 {
      %mul3A_52 = arith.constant 2 : i32
      %mul3A_53 = arith.muli %mul3A_52, %scan3A_51 : i32
      %mul3A_54 = arith.constant 128 : i32
      %mul3A_55 = arith.muli %mul3A_53, %mul3A_54 : i32
      %add3A_56 = arith.addi %add3A_15, %mul3A_55 : i32
      %dma_wait3A_57 = tpu.memref_slice %arg3[%add3A_56] : memref<320000xi32, #tpu.memory_space<hbm>> -> memref<128xi32, #tpu.memory_space<hbm>>
      %dma_wait3A_58 = tpu.memref_slice %arg3[%add3A_56] : memref<320000xi32, #tpu.memory_space<hbm>> -> memref<128xi32, #tpu.memory_space<hbm>>
      tpu.wait_dma2 semaphore(%arg12 : memref<!tpu.dma_semaphore, #tpu.memory_space<semaphore_mem>>) src(%dma_wait3A_58 : memref<128xi32, #tpu.memory_space<hbm>>) dst(%arg6 : memref<128xi32, #tpu.memory_space<vmem>>)
      %mul3A_59 = arith.constant 128 : i32
      %mul3A_60 = arith.muli %mul3A_53, %mul3A_59 : i32
      %add3A_61 = arith.addi %mul3A_13, %mul3A_60 : i32
      %dma_wait3A_62 = arith.constant 0 : i32
      %dma_wait3A_63 = tpu.memref_slice %arg2[%add3A_61, %dma_wait3A_62] : memref<160000x128xf32, #tpu.memory_space<hbm>> -> memref<128x128xf32, #tpu.memory_space<hbm>>
      %dma_wait3A_64 = arith.constant 0 : i32
      %dma_wait3A_65 = tpu.memref_slice %arg2[%add3A_61, %dma_wait3A_64] : memref<160000x128xf32, #tpu.memory_space<hbm>> -> memref<128x128xf32, #tpu.memory_space<hbm>>
      tpu.wait_dma2 semaphore(%arg13 : memref<!tpu.dma_semaphore, #tpu.memory_space<semaphore_mem>>) src(%dma_wait3A_65 : memref<128x128xf32, #tpu.memory_space<hbm>>) dst(%arg7 : memref<128x128xf32, #tpu.memory_space<vmem>>)
      %add3A_66 = arith.constant 1 : i32
      %add3A_67 = arith.addi %mul3A_53, %add3A_66 : i32
      %mul3A_68 = arith.constant 128 : i32
      %mul3A_69 = arith.muli %add3A_67, %mul3A_68 : i32
      %add3A_70 = arith.addi %add3A_15, %mul3A_69 : i32
      %dma_start3A_71 = tpu.memref_slice %arg3[%add3A_70] : memref<320000xi32, #tpu.memory_space<hbm>> -> memref<128xi32, #tpu.memory_space<hbm>>
      %dma_start3A_72 = tpu.memref_slice %arg3[%add3A_70] : memref<320000xi32, #tpu.memory_space<hbm>> -> memref<128xi32, #tpu.memory_space<hbm>>
      tpu.enqueue_dma source(%dma_start3A_72 : memref<128xi32, #tpu.memory_space<hbm>>) target(%arg8 : memref<128xi32, #tpu.memory_space<vmem>>) target_semaphore(%arg14 : memref<!tpu.dma_semaphore, #tpu.memory_space<semaphore_mem>>)
      %mul3A_73 = arith.constant 128 : i32
      %mul3A_74 = arith.muli %add3A_67, %mul3A_73 : i32
      %add3A_75 = arith.addi %mul3A_13, %mul3A_74 : i32
      %dma_start3A_76 = arith.constant 0 : i32
      %dma_start3A_77 = tpu.memref_slice %arg2[%add3A_75, %dma_start3A_76] : memref<160000x128xf32, #tpu.memory_space<hbm>> -> memref<128x128xf32, #tpu.memory_space<hbm>>
      %dma_start3A_78 = arith.constant 0 : i32
      %dma_start3A_79 = tpu.memref_slice %arg2[%add3A_75, %dma_start3A_78] : memref<160000x128xf32, #tpu.memory_space<hbm>> -> memref<128x128xf32, #tpu.memory_space<hbm>>
      tpu.enqueue_dma source(%dma_start3A_79 : memref<128x128xf32, #tpu.memory_space<hbm>>) target(%arg9 : memref<128x128xf32, #tpu.memory_space<vmem>>) target_semaphore(%arg15 : memref<!tpu.dma_semaphore, #tpu.memory_space<semaphore_mem>>)
      "tpu.region"() ({
        %run_scoped3A = tpu.sem_alloc : memref<!tpu.dma_semaphore, #tpu.memory_space<semaphore_mem>>
        %dma_start3A_108 = arith.constant 0 : i32
        %dma_start3A_109 = arith.constant 0 : i32
        %dma_start3A_110 = tpu.memref_slice %arg5[%dma_start3A_108, %dma_start3A_109] : memref<10240x128xf32, #tpu.memory_space<vmem_shared>> -> memref<10240x128xf32, #tpu.memory_space<vmem_shared>>
        tpu.enqueue_indirect_dma source(%arg7 : memref<128x128xf32, #tpu.memory_space<vmem>>) target(%dma_start3A_110 : memref<10240x128xf32, #tpu.memory_space<vmem_shared>>) offsets(%arg6 : memref<128xi32, #tpu.memory_space<vmem>>) semaphore(%run_scoped3A : memref<!tpu.dma_semaphore, #tpu.memory_space<semaphore_mem>>) {add = true}
        %dma_wait3A_111 = arith.constant 0 : i32
        %dma_wait3A_112 = arith.constant 0 : i32
        %dma_wait3A_113 = tpu.memref_slice %arg5[%dma_wait3A_111, %dma_wait3A_112] : memref<10240x128xf32, #tpu.memory_space<vmem_shared>> -> memref<10240x128xf32, #tpu.memory_space<vmem_shared>>
        tpu.wait_indirect_dma semaphore(%run_scoped3A : memref<!tpu.dma_semaphore, #tpu.memory_space<semaphore_mem>>) src(%arg7 : memref<128x128xf32, #tpu.memory_space<vmem>>) dst(%dma_wait3A_113 : memref<10240x128xf32, #tpu.memory_space<vmem_shared>>)
        tpu.yield
      }) : () -> ()
      %add3A_80 = arith.constant 1 : i32
      %add3A_81 = arith.addi %mul3A_53, %add3A_80 : i32
      %mul3A_82 = arith.constant 128 : i32
      %mul3A_83 = arith.muli %add3A_81, %mul3A_82 : i32
      %add3A_84 = arith.addi %add3A_15, %mul3A_83 : i32
      %dma_wait3A_85 = tpu.memref_slice %arg3[%add3A_84] : memref<320000xi32, #tpu.memory_space<hbm>> -> memref<128xi32, #tpu.memory_space<hbm>>
      %dma_wait3A_86 = tpu.memref_slice %arg3[%add3A_84] : memref<320000xi32, #tpu.memory_space<hbm>> -> memref<128xi32, #tpu.memory_space<hbm>>
      tpu.wait_dma2 semaphore(%arg14 : memref<!tpu.dma_semaphore, #tpu.memory_space<semaphore_mem>>) src(%dma_wait3A_86 : memref<128xi32, #tpu.memory_space<hbm>>) dst(%arg8 : memref<128xi32, #tpu.memory_space<vmem>>)
      %mul3A_87 = arith.constant 128 : i32
      %mul3A_88 = arith.muli %add3A_81, %mul3A_87 : i32
      %add3A_89 = arith.addi %mul3A_13, %mul3A_88 : i32
      %dma_wait3A_90 = arith.constant 0 : i32
      %dma_wait3A_91 = tpu.memref_slice %arg2[%add3A_89, %dma_wait3A_90] : memref<160000x128xf32, #tpu.memory_space<hbm>> -> memref<128x128xf32, #tpu.memory_space<hbm>>
      %dma_wait3A_92 = arith.constant 0 : i32
      %dma_wait3A_93 = tpu.memref_slice %arg2[%add3A_89, %dma_wait3A_92] : memref<160000x128xf32, #tpu.memory_space<hbm>> -> memref<128x128xf32, #tpu.memory_space<hbm>>
      tpu.wait_dma2 semaphore(%arg15 : memref<!tpu.dma_semaphore, #tpu.memory_space<semaphore_mem>>) src(%dma_wait3A_93 : memref<128x128xf32, #tpu.memory_space<hbm>>) dst(%arg9 : memref<128x128xf32, #tpu.memory_space<vmem>>)
      %add3A_94 = arith.constant 2 : i32
      %add3A_95 = arith.addi %mul3A_53, %add3A_94 : i32
      %mul3A_96 = arith.constant 128 : i32
      %mul3A_97 = arith.muli %add3A_95, %mul3A_96 : i32
      %add3A_98 = arith.addi %add3A_15, %mul3A_97 : i32
      %dma_start3A_99 = tpu.memref_slice %arg3[%add3A_98] : memref<320000xi32, #tpu.memory_space<hbm>> -> memref<128xi32, #tpu.memory_space<hbm>>
      %dma_start3A_100 = tpu.memref_slice %arg3[%add3A_98] : memref<320000xi32, #tpu.memory_space<hbm>> -> memref<128xi32, #tpu.memory_space<hbm>>
      tpu.enqueue_dma source(%dma_start3A_100 : memref<128xi32, #tpu.memory_space<hbm>>) target(%arg6 : memref<128xi32, #tpu.memory_space<vmem>>) target_semaphore(%arg12 : memref<!tpu.dma_semaphore, #tpu.memory_space<semaphore_mem>>)
      %mul3A_101 = arith.constant 128 : i32
      %mul3A_102 = arith.muli %add3A_95, %mul3A_101 : i32
      %add3A_103 = arith.addi %mul3A_13, %mul3A_102 : i32
      %dma_start3A_104 = arith.constant 0 : i32
      %dma_start3A_105 = tpu.memref_slice %arg2[%add3A_103, %dma_start3A_104] : memref<160000x128xf32, #tpu.memory_space<hbm>> -> memref<128x128xf32, #tpu.memory_space<hbm>>
      %dma_start3A_106 = arith.constant 0 : i32
      %dma_start3A_107 = tpu.memref_slice %arg2[%add3A_103, %dma_start3A_106] : memref<160000x128xf32, #tpu.memory_space<hbm>> -> memref<128x128xf32, #tpu.memory_space<hbm>>
      tpu.enqueue_dma source(%dma_start3A_107 : memref<128x128xf32, #tpu.memory_space<hbm>>) target(%arg7 : memref<128x128xf32, #tpu.memory_space<vmem>>) target_semaphore(%arg13 : memref<!tpu.dma_semaphore, #tpu.memory_space<semaphore_mem>>)
      "tpu.region"() ({
        %run_scoped3A = tpu.sem_alloc : memref<!tpu.dma_semaphore, #tpu.memory_space<semaphore_mem>>
        %dma_start3A_108 = arith.constant 0 : i32
        %dma_start3A_109 = arith.constant 0 : i32
        %dma_start3A_110 = tpu.memref_slice %arg5[%dma_start3A_108, %dma_start3A_109] : memref<10240x128xf32, #tpu.memory_space<vmem_shared>> -> memref<10240x128xf32, #tpu.memory_space<vmem_shared>>
        tpu.enqueue_indirect_dma source(%arg9 : memref<128x128xf32, #tpu.memory_space<vmem>>) target(%dma_start3A_110 : memref<10240x128xf32, #tpu.memory_space<vmem_shared>>) offsets(%arg8 : memref<128xi32, #tpu.memory_space<vmem>>) semaphore(%run_scoped3A : memref<!tpu.dma_semaphore, #tpu.memory_space<semaphore_mem>>) {add = true}
        %dma_wait3A_111 = arith.constant 0 : i32
        %dma_wait3A_112 = arith.constant 0 : i32
        %dma_wait3A_113 = tpu.memref_slice %arg5[%dma_wait3A_111, %dma_wait3A_112] : memref<10240x128xf32, #tpu.memory_space<vmem_shared>> -> memref<10240x128xf32, #tpu.memory_space<vmem_shared>>
        tpu.wait_indirect_dma semaphore(%run_scoped3A : memref<!tpu.dma_semaphore, #tpu.memory_space<semaphore_mem>>) src(%arg9 : memref<128x128xf32, #tpu.memory_space<vmem>>) dst(%dma_wait3A_113 : memref<10240x128xf32, #tpu.memory_space<vmem_shared>>)
        tpu.yield
      }) : () -> ()
    }
    %scan3A_30 = arith.constant 19 : i32
    %add3A_31 = arith.constant 4864 : i32
    %add3A_32 = arith.addi %add3A_15, %add3A_31 : i32
    %dma_wait3A = tpu.memref_slice %arg3[%add3A_32] : memref<320000xi32, #tpu.memory_space<hbm>> -> memref<128xi32, #tpu.memory_space<hbm>>
    %dma_wait3A_33 = tpu.memref_slice %arg3[%add3A_32] : memref<320000xi32, #tpu.memory_space<hbm>> -> memref<128xi32, #tpu.memory_space<hbm>>
    tpu.wait_dma2 semaphore(%arg12 : memref<!tpu.dma_semaphore, #tpu.memory_space<semaphore_mem>>) src(%dma_wait3A_33 : memref<128xi32, #tpu.memory_space<hbm>>) dst(%arg6 : memref<128xi32, #tpu.memory_space<vmem>>)
    %add3A_34 = arith.constant 4864 : i32
    %add3A_35 = arith.addi %mul3A_13, %add3A_34 : i32
    %dma_wait3A_36 = arith.constant 0 : i32
    %dma_wait3A_37 = tpu.memref_slice %arg2[%add3A_35, %dma_wait3A_36] : memref<160000x128xf32, #tpu.memory_space<hbm>> -> memref<128x128xf32, #tpu.memory_space<hbm>>
    %dma_wait3A_38 = arith.constant 0 : i32
    %dma_wait3A_39 = tpu.memref_slice %arg2[%add3A_35, %dma_wait3A_38] : memref<160000x128xf32, #tpu.memory_space<hbm>> -> memref<128x128xf32, #tpu.memory_space<hbm>>
    tpu.wait_dma2 semaphore(%arg13 : memref<!tpu.dma_semaphore, #tpu.memory_space<semaphore_mem>>) src(%dma_wait3A_39 : memref<128x128xf32, #tpu.memory_space<hbm>>) dst(%arg7 : memref<128x128xf32, #tpu.memory_space<vmem>>)
    "tpu.region"() ({
      %run_scoped3A = tpu.sem_alloc : memref<!tpu.dma_semaphore, #tpu.memory_space<semaphore_mem>>
      %dma_start3A_51 = arith.constant 0 : i32
      %dma_start3A_52 = arith.constant 0 : i32
      %dma_start3A_53 = tpu.memref_slice %arg5[%dma_start3A_51, %dma_start3A_52] : memref<10240x128xf32, #tpu.memory_space<vmem_shared>> -> memref<10240x128xf32, #tpu.memory_space<vmem_shared>>
      tpu.enqueue_indirect_dma source(%arg7 : memref<128x128xf32, #tpu.memory_space<vmem>>) target(%dma_start3A_53 : memref<10240x128xf32, #tpu.memory_space<vmem_shared>>) offsets(%arg6 : memref<128xi32, #tpu.memory_space<vmem>>) semaphore(%run_scoped3A : memref<!tpu.dma_semaphore, #tpu.memory_space<semaphore_mem>>) {add = true}
      %dma_wait3A_54 = arith.constant 0 : i32
      %dma_wait3A_55 = arith.constant 0 : i32
      %dma_wait3A_56 = tpu.memref_slice %arg5[%dma_wait3A_54, %dma_wait3A_55] : memref<10240x128xf32, #tpu.memory_space<vmem_shared>> -> memref<10240x128xf32, #tpu.memory_space<vmem_shared>>
      tpu.wait_indirect_dma semaphore(%run_scoped3A : memref<!tpu.dma_semaphore, #tpu.memory_space<semaphore_mem>>) src(%arg7 : memref<128x128xf32, #tpu.memory_space<vmem>>) dst(%dma_wait3A_56 : memref<10240x128xf32, #tpu.memory_space<vmem_shared>>)
      tpu.yield
    }) : () -> ()
    %add3A_40 = arith.constant 4992 : i32
    %add3A_41 = arith.addi %add3A_15, %add3A_40 : i32
    "tpu.region"() ({
      %run_scoped3A = tpu.sem_alloc : memref<!tpu.dma_semaphore, #tpu.memory_space<semaphore_mem>>
      %dma_start3A_51 = tpu.memref_slice %arg3[%add3A_41] : memref<320000xi32, #tpu.memory_space<hbm>> -> memref<8xi32, #tpu.memory_space<hbm>>
      %dma_start3A_52 = tpu.memref_slice %arg3[%add3A_41] : memref<320000xi32, #tpu.memory_space<hbm>> -> memref<8xi32, #tpu.memory_space<hbm>>
      tpu.enqueue_dma source(%dma_start3A_52 : memref<8xi32, #tpu.memory_space<hbm>>) target(%arg10 : memref<8xi32, #tpu.memory_space<vmem>>) target_semaphore(%run_scoped3A : memref<!tpu.dma_semaphore, #tpu.memory_space<semaphore_mem>>)
      %dma_wait3A_53 = tpu.memref_slice %arg3[%add3A_41] : memref<320000xi32, #tpu.memory_space<hbm>> -> memref<8xi32, #tpu.memory_space<hbm>>
      %dma_wait3A_54 = tpu.memref_slice %arg3[%add3A_41] : memref<320000xi32, #tpu.memory_space<hbm>> -> memref<8xi32, #tpu.memory_space<hbm>>
      tpu.wait_dma2 semaphore(%run_scoped3A : memref<!tpu.dma_semaphore, #tpu.memory_space<semaphore_mem>>) src(%dma_wait3A_54 : memref<8xi32, #tpu.memory_space<hbm>>) dst(%arg10 : memref<8xi32, #tpu.memory_space<vmem>>)
      tpu.yield
    }) : () -> ()
    %add3A_42 = arith.constant 4992 : i32
    %add3A_43 = arith.addi %mul3A_13, %add3A_42 : i32
    "tpu.region"() ({
      %run_scoped3A = tpu.sem_alloc : memref<!tpu.dma_semaphore, #tpu.memory_space<semaphore_mem>>
      %dma_start3A_51 = arith.constant 0 : i32
      %dma_start3A_52 = tpu.memref_slice %arg2[%add3A_43, %dma_start3A_51] : memref<160000x128xf32, #tpu.memory_space<hbm>> -> memref<8x128xf32, #tpu.memory_space<hbm>>
      %dma_start3A_53 = arith.constant 0 : i32
      %dma_start3A_54 = tpu.memref_slice %arg2[%add3A_43, %dma_start3A_53] : memref<160000x128xf32, #tpu.memory_space<hbm>> -> memref<8x128xf32, #tpu.memory_space<hbm>>
      tpu.enqueue_dma source(%dma_start3A_54 : memref<8x128xf32, #tpu.memory_space<hbm>>) target(%arg11 : memref<8x128xf32, #tpu.memory_space<vmem>>) target_semaphore(%run_scoped3A : memref<!tpu.dma_semaphore, #tpu.memory_space<semaphore_mem>>)
      %dma_wait3A_55 = arith.constant 0 : i32
      %dma_wait3A_56 = tpu.memref_slice %arg2[%add3A_43, %dma_wait3A_55] : memref<160000x128xf32, #tpu.memory_space<hbm>> -> memref<8x128xf32, #tpu.memory_space<hbm>>
      %dma_wait3A_57 = arith.constant 0 : i32
      %dma_wait3A_58 = tpu.memref_slice %arg2[%add3A_43, %dma_wait3A_57] : memref<160000x128xf32, #tpu.memory_space<hbm>> -> memref<8x128xf32, #tpu.memory_space<hbm>>
      tpu.wait_dma2 semaphore(%run_scoped3A : memref<!tpu.dma_semaphore, #tpu.memory_space<semaphore_mem>>) src(%dma_wait3A_58 : memref<8x128xf32, #tpu.memory_space<hbm>>) dst(%arg11 : memref<8x128xf32, #tpu.memory_space<vmem>>)
      tpu.yield
    }) : () -> ()
    "tpu.region"() ({
      %run_scoped3A = tpu.sem_alloc : memref<!tpu.dma_semaphore, #tpu.memory_space<semaphore_mem>>
      %dma_start3A_51 = arith.constant 0 : i32
      %dma_start3A_52 = arith.constant 0 : i32
      %dma_start3A_53 = tpu.memref_slice %arg5[%dma_start3A_51, %dma_start3A_52] : memref<10240x128xf32, #tpu.memory_space<vmem_shared>> -> memref<10240x128xf32, #tpu.memory_space<vmem_shared>>
      tpu.enqueue_indirect_dma source(%arg11 : memref<8x128xf32, #tpu.memory_space<vmem>>) target(%dma_start3A_53 : memref<10240x128xf32, #tpu.memory_space<vmem_shared>>) offsets(%arg10 : memref<8xi32, #tpu.memory_space<vmem>>) semaphore(%run_scoped3A : memref<!tpu.dma_semaphore, #tpu.memory_space<semaphore_mem>>) {add = true}
      %dma_wait3A_54 = arith.constant 0 : i32
      %dma_wait3A_55 = arith.constant 0 : i32
      %dma_wait3A_56 = tpu.memref_slice %arg5[%dma_wait3A_54, %dma_wait3A_55] : memref<10240x128xf32, #tpu.memory_space<vmem_shared>> -> memref<10240x128xf32, #tpu.memory_space<vmem_shared>>
      tpu.wait_indirect_dma semaphore(%run_scoped3A : memref<!tpu.dma_semaphore, #tpu.memory_space<semaphore_mem>>) src(%arg11 : memref<8x128xf32, #tpu.memory_space<vmem>>) dst(%dma_wait3A_56 : memref<10240x128xf32, #tpu.memory_space<vmem_shared>>)
      tpu.yield
    }) : () -> ()
    %barrier3A_44 = arith.constant 0 : index
    tpu.barrier barrier_id(%barrier3A_44)
    %scan3A_45 = arith.constant 0 : i32
    %scan3A_46 = arith.constant 0 : i32
    %scan3A_47 = arith.constant 5 : i32
    %scan3A_48 = arith.addi %scan3A_46, %scan3A_47 : i32
    %scan3A_49 = arith.constant 1 : i32
    scf.for %scan3A_51 = %scan3A_46 to %scan3A_48 step %scan3A_49  : i32 {
      %mul3A_52 = arith.constant 640 : i32
      %mul3A_53 = arith.muli %arg1, %mul3A_52 : i32
      %mul3A_54 = arith.constant 128 : i32
      %mul3A_55 = arith.muli %scan3A_51, %mul3A_54 : i32
      %add3A_56 = arith.addi %mul3A_53, %mul3A_55 : i32
      "tpu.region"() ({
        %run_scoped3A = tpu.sem_alloc : memref<!tpu.dma_semaphore, #tpu.memory_space<semaphore_mem>>
        %dma_start3A_57 = arith.constant 0 : i32
        %dma_start3A_58 = tpu.memref_slice %arg5[%add3A_56, %dma_start3A_57] : memref<10240x128xf32, #tpu.memory_space<vmem_shared>> -> memref<128x128xf32, #tpu.memory_space<vmem_shared>>
        %dma_start3A_59 = arith.constant 0 : i32
        %dma_start3A_60 = tpu.memref_slice %arg5[%add3A_56, %dma_start3A_59] : memref<10240x128xf32, #tpu.memory_space<vmem_shared>> -> memref<128x128xf32, #tpu.memory_space<vmem_shared>>
        tpu.enqueue_dma source(%dma_start3A_60 : memref<128x128xf32, #tpu.memory_space<vmem_shared>>) target(%arg7 : memref<128x128xf32, #tpu.memory_space<vmem>>) target_semaphore(%run_scoped3A : memref<!tpu.dma_semaphore, #tpu.memory_space<semaphore_mem>>)
        %dma_wait3A_61 = arith.constant 0 : i32
        %dma_wait3A_62 = tpu.memref_slice %arg5[%add3A_56, %dma_wait3A_61] : memref<10240x128xf32, #tpu.memory_space<vmem_shared>> -> memref<128x128xf32, #tpu.memory_space<vmem_shared>>
        %dma_wait3A_63 = arith.constant 0 : i32
        %dma_wait3A_64 = tpu.memref_slice %arg5[%add3A_56, %dma_wait3A_63] : memref<10240x128xf32, #tpu.memory_space<vmem_shared>> -> memref<128x128xf32, #tpu.memory_space<vmem_shared>>
        tpu.wait_dma2 semaphore(%run_scoped3A : memref<!tpu.dma_semaphore, #tpu.memory_space<semaphore_mem>>) src(%dma_wait3A_64 : memref<128x128xf32, #tpu.memory_space<vmem_shared>>) dst(%arg7 : memref<128x128xf32, #tpu.memory_space<vmem>>)
        tpu.yield
      }) : () -> ()
      "tpu.region"() ({
        %run_scoped3A = tpu.sem_alloc : memref<!tpu.dma_semaphore, #tpu.memory_space<semaphore_mem>>
        %dma_start3A_57 = arith.constant 0 : i32
        %dma_start3A_58 = tpu.memref_slice %arg4[%arg0, %add3A_56, %dma_start3A_57] : memref<2x10240x128xf32, #tpu.memory_space<hbm>> -> memref<1x128x128xf32, #tpu.memory_space<hbm>>
        %dma_start3A_59 = tpu.memref_squeeze %dma_start3A_58 : memref<1x128x128xf32, #tpu.memory_space<hbm>> -> memref<128x128xf32, #tpu.memory_space<hbm>>
        %dma_start3A_60 = arith.constant 0 : i32
        %dma_start3A_61 = tpu.memref_slice %arg4[%arg0, %add3A_56, %dma_start3A_60] : memref<2x10240x128xf32, #tpu.memory_space<hbm>> -> memref<1x128x128xf32, #tpu.memory_space<hbm>>
        %dma_start3A_62 = tpu.memref_squeeze %dma_start3A_61 : memref<1x128x128xf32, #tpu.memory_space<hbm>> -> memref<128x128xf32, #tpu.memory_space<hbm>>
        tpu.enqueue_dma source(%arg7 : memref<128x128xf32, #tpu.memory_space<vmem>>) target(%dma_start3A_62 : memref<128x128xf32, #tpu.memory_space<hbm>>) target_semaphore(%run_scoped3A : memref<!tpu.dma_semaphore, #tpu.memory_space<semaphore_mem>>)
        %dma_wait3A_63 = arith.constant 0 : i32
        %dma_wait3A_64 = tpu.memref_slice %arg4[%arg0, %add3A_56, %dma_wait3A_63] : memref<2x10240x128xf32, #tpu.memory_space<hbm>> -> memref<1x128x128xf32, #tpu.memory_space<hbm>>
        %dma_wait3A_65 = tpu.memref_squeeze %dma_wait3A_64 : memref<1x128x128xf32, #tpu.memory_space<hbm>> -> memref<128x128xf32, #tpu.memory_space<hbm>>
        %dma_wait3A_66 = arith.constant 0 : i32
        %dma_wait3A_67 = tpu.memref_slice %arg4[%arg0, %add3A_56, %dma_wait3A_66] : memref<2x10240x128xf32, #tpu.memory_space<hbm>> -> memref<1x128x128xf32, #tpu.memory_space<hbm>>
        %dma_wait3A_68 = tpu.memref_squeeze %dma_wait3A_67 : memref<1x128x128xf32, #tpu.memory_space<hbm>> -> memref<128x128xf32, #tpu.memory_space<hbm>>
        tpu.wait_dma2 semaphore(%run_scoped3A : memref<!tpu.dma_semaphore, #tpu.memory_space<semaphore_mem>>) src(%arg7 : memref<128x128xf32, #tpu.memory_space<vmem>>) dst(%dma_wait3A_68 : memref<128x128xf32, #tpu.memory_space<hbm>>)
        tpu.yield
      }) : () -> ()
    }
    %scan3A_50 = arith.constant 5 : i32
    return
  }
}

#map = affine_map<(d0, d1) -> (0, 0)>
#map1 = affine_map<(d0, d1) -> (0)>
#map2 = affine_map<(d0, d1) -> (0, 0, 0)>
module attributes {stable_mosaic.version = 14 : i64} {
  func.func @_sc_body(%arg0: i32, %arg1: i32, %arg2: memref<160000x128xf32, #tpu.memory_space<hbm>>, %arg3: memref<320000xi32, #tpu.memory_space<hbm>>, %arg4: memref<2x10240x128xf32, #tpu.memory_space<hbm>>, %arg5: memref<10240x128xf32, #tpu.memory_space<vmem_shared>>, %arg6: memref<128xi32, #tpu.memory_space<vmem>>, %arg7: memref<128x128xf32, #tpu.memory_space<vmem>>, %arg8: memref<128xi32, #tpu.memory_space<vmem>>, %arg9: memref<128x128xf32, #tpu.memory_space<vmem>>, %arg10: memref<8xi32, #tpu.memory_space<vmem>>, %arg11: memref<8x128xf32, #tpu.memory_space<vmem>>, %arg12: memref<!tpu.dma_semaphore, #tpu.memory_space<semaphore_mem>>, %arg13: memref<!tpu.dma_semaphore, #tpu.memory_space<semaphore_mem>>, %arg14: memref<!tpu.dma_semaphore, #tpu.memory_space<semaphore_mem>>, %arg15: memref<!tpu.dma_semaphore, #tpu.memory_space<semaphore_mem>>) attributes {dimension_semantics = [#tpu.dimension_semantics<core_parallel>, #tpu.dimension_semantics<subcore_parallel>], iteration_bounds = array<i64: 2, 16>, scalar_prefetch = 0 : i64, scratch_operands = 11 : i64, tpu.core_type = #tpu.core_type<sc_vector_subcore>, window_params = [{transform_indices = #map}, {transform_indices = #map1}, {transform_indices = #map2}]} {
    %mul3A = arith.constant 16 : i32
    %mul3A_0 = arith.muli %arg0, %mul3A : i32
    %add3A = arith.addi %mul3A_0, %arg1 : i32
    %scan3A = arith.constant 0 : i32
    %scan3A_1 = arith.constant 0 : i32
    %scan3A_2 = arith.constant 128 : i32
    %scan3A_3 = arith.addi %scan3A_1, %scan3A_2 : i32
    %scan3A_4 = arith.constant 1 : i32
    scf.for %scan3A_51 = %scan3A_1 to %scan3A_3 step %scan3A_4  : i32 {
      %scan3A_52 = arith.constant 0 : i32
      %scan3A_53 = arith.constant 0 : i32
      %scan3A_54 = arith.constant 8 : i32
      %scan3A_55 = arith.addi %scan3A_53, %scan3A_54 : i32
      %scan3A_56 = arith.constant 1 : i32
      scf.for %scan3A_58 = %scan3A_53 to %scan3A_55 step %scan3A_56  : i32 {
        %broadcast_in_dim3A = arith.constant 0.000000e+00 : f32
        %broadcast_in_dim3A_59 = vector.broadcast %broadcast_in_dim3A : f32 to vector<16xf32>
        %mul3A_60 = arith.constant 16 : i32
        %mul3A_61 = arith.muli %scan3A_58, %mul3A_60 : i32
        %swap3A = arith.index_cast %scan3A_51 : i32 to index
        %swap3A_62 = arith.index_cast %mul3A_61 : i32 to index
        %swap3A_63 = tpu.vector_load %arg7[%swap3A, %swap3A_62] {strides = array<i32>} : memref<128x128xf32, #tpu.memory_space<vmem>>, vector<1x16xf32>,
        %swap3A_64 = vector.shape_cast %swap3A_63 : vector<1x16xf32> to vector<16xf32>
        %swap3A_65 = vector.shape_cast %broadcast_in_dim3A_59 : vector<16xf32> to vector<1x16xf32>
        tpu.vector_store %arg7[%swap3A, %swap3A_62], %swap3A_65 {strides = array<i32>} : memref<128x128xf32, #tpu.memory_space<vmem>>, vector<1x16xf32>,
      }
      %scan3A_57 = arith.constant 8 : i32
    }
    %scan3A_5 = arith.constant 128 : i32
    %scan3A_6 = arith.constant 0 : i32
    %scan3A_7 = arith.constant 0 : i32
    %scan3A_8 = arith.constant 5 : i32
    %scan3A_9 = arith.addi %scan3A_7, %scan3A_8 : i32
    %scan3A_10 = arith.constant 1 : i32
    scf.for %scan3A_51 = %scan3A_7 to %scan3A_9 step %scan3A_10  : i32 {
      %mul3A_52 = arith.constant 640 : i32
      %mul3A_53 = arith.muli %arg1, %mul3A_52 : i32
      %mul3A_54 = arith.constant 128 : i32
      %mul3A_55 = arith.muli %scan3A_51, %mul3A_54 : i32
      %add3A_56 = arith.addi %mul3A_53, %mul3A_55 : i32
      "tpu.region"() ({
        %run_scoped3A = tpu.sem_alloc : memref<!tpu.dma_semaphore, #tpu.memory_space<semaphore_mem>>
        %dma_start3A_57 = arith.constant 0 : i32
        %dma_start3A_58 = tpu.memref_slice %arg5[%add3A_56, %dma_start3A_57] : memref<10240x128xf32, #tpu.memory_space<vmem_shared>> -> memref<128x128xf32, #tpu.memory_space<vmem_shared>>
        %dma_start3A_59 = arith.constant 0 : i32
        %dma_start3A_60 = tpu.memref_slice %arg5[%add3A_56, %dma_start3A_59] : memref<10240x128xf32, #tpu.memory_space<vmem_shared>> -> memref<128x128xf32, #tpu.memory_space<vmem_shared>>
        tpu.enqueue_dma source(%arg7 : memref<128x128xf32, #tpu.memory_space<vmem>>) target(%dma_start3A_60 : memref<128x128xf32, #tpu.memory_space<vmem_shared>>) target_semaphore(%run_scoped3A : memref<!tpu.dma_semaphore, #tpu.memory_space<semaphore_mem>>)
        %dma_wait3A_61 = arith.constant 0 : i32
        %dma_wait3A_62 = tpu.memref_slice %arg5[%add3A_56, %dma_wait3A_61] : memref<10240x128xf32, #tpu.memory_space<vmem_shared>> -> memref<128x128xf32, #tpu.memory_space<vmem_shared>>
        %dma_wait3A_63 = arith.constant 0 : i32
        %dma_wait3A_64 = tpu.memref_slice %arg5[%add3A_56, %dma_wait3A_63] : memref<10240x128xf32, #tpu.memory_space<vmem_shared>> -> memref<128x128xf32, #tpu.memory_space<vmem_shared>>
        tpu.wait_dma2 semaphore(%run_scoped3A : memref<!tpu.dma_semaphore, #tpu.memory_space<semaphore_mem>>) src(%arg7 : memref<128x128xf32, #tpu.memory_space<vmem>>) dst(%dma_wait3A_64 : memref<128x128xf32, #tpu.memory_space<vmem_shared>>)
        tpu.yield
      }) : () -> ()
    }
    %scan3A_11 = arith.constant 5 : i32
    %barrier3A = arith.constant 0 : index
    tpu.barrier barrier_id(%barrier3A)
    %mul3A_12 = arith.constant 5000 : i32
    %mul3A_13 = arith.muli %add3A, %mul3A_12 : i32
    %add3A_14 = arith.constant 160000 : i32
    %add3A_15 = arith.addi %add3A_14, %mul3A_13 : i32
    %add3A_16 = arith.constant 0 : i32
    %add3A_17 = arith.addi %add3A_15, %add3A_16 : i32
    %dma_start3A = tpu.memref_slice %arg3[%add3A_17] : memref<320000xi32, #tpu.memory_space<hbm>> -> memref<128xi32, #tpu.memory_space<hbm>>
    %dma_start3A_18 = tpu.memref_slice %arg3[%add3A_17] : memref<320000xi32, #tpu.memory_space<hbm>> -> memref<128xi32, #tpu.memory_space<hbm>>
    tpu.enqueue_dma source(%dma_start3A_18 : memref<128xi32, #tpu.memory_space<hbm>>) target(%arg6 : memref<128xi32, #tpu.memory_space<vmem>>) target_semaphore(%arg12 : memref<!tpu.dma_semaphore, #tpu.memory_space<semaphore_mem>>)
    %add3A_19 = arith.constant 0 : i32
    %add3A_20 = arith.addi %mul3A_13, %add3A_19 : i32
    %dma_start3A_21 = arith.constant 0 : i32
    %dma_start3A_22 = tpu.memref_slice %arg2[%add3A_20, %dma_start3A_21] : memref<160000x128xf32, #tpu.memory_space<hbm>> -> memref<128x128xf32, #tpu.memory_space<hbm>>
    %dma_start3A_23 = arith.constant 0 : i32
    %dma_start3A_24 = tpu.memref_slice %arg2[%add3A_20, %dma_start3A_23] : memref<160000x128xf32, #tpu.memory_space<hbm>> -> memref<128x128xf32, #tpu.memory_space<hbm>>
    tpu.enqueue_dma source(%dma_start3A_24 : memref<128x128xf32, #tpu.memory_space<hbm>>) target(%arg7 : memref<128x128xf32, #tpu.memory_space<vmem>>) target_semaphore(%arg13 : memref<!tpu.dma_semaphore, #tpu.memory_space<semaphore_mem>>)
    %scan3A_25 = arith.constant 0 : i32
    %scan3A_26 = arith.constant 0 : i32
    %scan3A_27 = arith.constant 19 : i32
    %scan3A_28 = arith.addi %scan3A_26, %scan3A_27 : i32
    %scan3A_29 = arith.constant 1 : i32
    scf.for %scan3A_51 = %scan3A_26 to %scan3A_28 step %scan3A_29  : i32 {
      %mul3A_52 = arith.constant 2 : i32
      %mul3A_53 = arith.muli %mul3A_52, %scan3A_51 : i32
      %mul3A_54 = arith.constant 128 : i32
      %mul3A_55 = arith.muli %mul3A_53, %mul3A_54 : i32
      %add3A_56 = arith.addi %add3A_15, %mul3A_55 : i32
      %dma_wait3A_57 = tpu.memref_slice %arg3[%add3A_56] : memref<320000xi32, #tpu.memory_space<hbm>> -> memref<128xi32, #tpu.memory_space<hbm>>
      %dma_wait3A_58 = tpu.memref_slice %arg3[%add3A_56] : memref<320000xi32, #tpu.memory_space<hbm>> -> memref<128xi32, #tpu.memory_space<hbm>>
      tpu.wait_dma2 semaphore(%arg12 : memref<!tpu.dma_semaphore, #tpu.memory_space<semaphore_mem>>) src(%dma_wait3A_58 : memref<128xi32, #tpu.memory_space<hbm>>) dst(%arg6 : memref<128xi32, #tpu.memory_space<vmem>>)
      %mul3A_59 = arith.constant 128 : i32
      %mul3A_60 = arith.muli %mul3A_53, %mul3A_59 : i32
      %add3A_61 = arith.addi %mul3A_13, %mul3A_60 : i32
      %dma_wait3A_62 = arith.constant 0 : i32
      %dma_wait3A_63 = tpu.memref_slice %arg2[%add3A_61, %dma_wait3A_62] : memref<160000x128xf32, #tpu.memory_space<hbm>> -> memref<128x128xf32, #tpu.memory_space<hbm>>
      %dma_wait3A_64 = arith.constant 0 : i32
      %dma_wait3A_65 = tpu.memref_slice %arg2[%add3A_61, %dma_wait3A_64] : memref<160000x128xf32, #tpu.memory_space<hbm>> -> memref<128x128xf32, #tpu.memory_space<hbm>>
      tpu.wait_dma2 semaphore(%arg13 : memref<!tpu.dma_semaphore, #tpu.memory_space<semaphore_mem>>) src(%dma_wait3A_65 : memref<128x128xf32, #tpu.memory_space<hbm>>) dst(%arg7 : memref<128x128xf32, #tpu.memory_space<vmem>>)
      %add3A_66 = arith.constant 1 : i32
      %add3A_67 = arith.addi %mul3A_53, %add3A_66 : i32
      %mul3A_68 = arith.constant 128 : i32
      %mul3A_69 = arith.muli %add3A_67, %mul3A_68 : i32
      %add3A_70 = arith.addi %add3A_15, %mul3A_69 : i32
      %dma_start3A_71 = tpu.memref_slice %arg3[%add3A_70] : memref<320000xi32, #tpu.memory_space<hbm>> -> memref<128xi32, #tpu.memory_space<hbm>>
      %dma_start3A_72 = tpu.memref_slice %arg3[%add3A_70] : memref<320000xi32, #tpu.memory_space<hbm>> -> memref<128xi32, #tpu.memory_space<hbm>>
      tpu.enqueue_dma source(%dma_start3A_72 : memref<128xi32, #tpu.memory_space<hbm>>) target(%arg8 : memref<128xi32, #tpu.memory_space<vmem>>) target_semaphore(%arg14 : memref<!tpu.dma_semaphore, #tpu.memory_space<semaphore_mem>>)
      %mul3A_73 = arith.constant 128 : i32
      %mul3A_74 = arith.muli %add3A_67, %mul3A_73 : i32
      %add3A_75 = arith.addi %mul3A_13, %mul3A_74 : i32
      %dma_start3A_76 = arith.constant 0 : i32
      %dma_start3A_77 = tpu.memref_slice %arg2[%add3A_75, %dma_start3A_76] : memref<160000x128xf32, #tpu.memory_space<hbm>> -> memref<128x128xf32, #tpu.memory_space<hbm>>
      %dma_start3A_78 = arith.constant 0 : i32
      %dma_start3A_79 = tpu.memref_slice %arg2[%add3A_75, %dma_start3A_78] : memref<160000x128xf32, #tpu.memory_space<hbm>> -> memref<128x128xf32, #tpu.memory_space<hbm>>
      tpu.enqueue_dma source(%dma_start3A_79 : memref<128x128xf32, #tpu.memory_space<hbm>>) target(%arg9 : memref<128x128xf32, #tpu.memory_space<vmem>>) target_semaphore(%arg15 : memref<!tpu.dma_semaphore, #tpu.memory_space<semaphore_mem>>)
      "tpu.region"() ({
        %run_scoped3A = tpu.sem_alloc : memref<!tpu.dma_semaphore, #tpu.memory_space<semaphore_mem>>
        %dma_start3A_108 = arith.constant 0 : i32
        %dma_start3A_109 = arith.constant 0 : i32
        %dma_start3A_110 = tpu.memref_slice %arg5[%dma_start3A_108, %dma_start3A_109] : memref<10240x128xf32, #tpu.memory_space<vmem_shared>> -> memref<10240x128xf32, #tpu.memory_space<vmem_shared>>
        tpu.enqueue_indirect_dma source(%arg7 : memref<128x128xf32, #tpu.memory_space<vmem>>) target(%dma_start3A_110 : memref<10240x128xf32, #tpu.memory_space<vmem_shared>>) offsets(%arg6 : memref<128xi32, #tpu.memory_space<vmem>>) semaphore(%run_scoped3A : memref<!tpu.dma_semaphore, #tpu.memory_space<semaphore_mem>>) {add = true}
        %dma_wait3A_111 = arith.constant 0 : i32
        %dma_wait3A_112 = arith.constant 0 : i32
        %dma_wait3A_113 = tpu.memref_slice %arg5[%dma_wait3A_111, %dma_wait3A_112] : memref<10240x128xf32, #tpu.memory_space<vmem_shared>> -> memref<10240x128xf32, #tpu.memory_space<vmem_shared>>
        tpu.wait_indirect_dma semaphore(%run_scoped3A : memref<!tpu.dma_semaphore, #tpu.memory_space<semaphore_mem>>) src(%arg7 : memref<128x128xf32, #tpu.memory_space<vmem>>) dst(%dma_wait3A_113 : memref<10240x128xf32, #tpu.memory_space<vmem_shared>>)
        tpu.yield
      }) : () -> ()
      %add3A_80 = arith.constant 1 : i32
      %add3A_81 = arith.addi %mul3A_53, %add3A_80 : i32
      %mul3A_82 = arith.constant 128 : i32
      %mul3A_83 = arith.muli %add3A_81, %mul3A_82 : i32
      %add3A_84 = arith.addi %add3A_15, %mul3A_83 : i32
      %dma_wait3A_85 = tpu.memref_slice %arg3[%add3A_84] : memref<320000xi32, #tpu.memory_space<hbm>> -> memref<128xi32, #tpu.memory_space<hbm>>
      %dma_wait3A_86 = tpu.memref_slice %arg3[%add3A_84] : memref<320000xi32, #tpu.memory_space<hbm>> -> memref<128xi32, #tpu.memory_space<hbm>>
      tpu.wait_dma2 semaphore(%arg14 : memref<!tpu.dma_semaphore, #tpu.memory_space<semaphore_mem>>) src(%dma_wait3A_86 : memref<128xi32, #tpu.memory_space<hbm>>) dst(%arg8 : memref<128xi32, #tpu.memory_space<vmem>>)
      %mul3A_87 = arith.constant 128 : i32
      %mul3A_88 = arith.muli %add3A_81, %mul3A_87 : i32
      %add3A_89 = arith.addi %mul3A_13, %mul3A_88 : i32
      %dma_wait3A_90 = arith.constant 0 : i32
      %dma_wait3A_91 = tpu.memref_slice %arg2[%add3A_89, %dma_wait3A_90] : memref<160000x128xf32, #tpu.memory_space<hbm>> -> memref<128x128xf32, #tpu.memory_space<hbm>>
      %dma_wait3A_92 = arith.constant 0 : i32
      %dma_wait3A_93 = tpu.memref_slice %arg2[%add3A_89, %dma_wait3A_92] : memref<160000x128xf32, #tpu.memory_space<hbm>> -> memref<128x128xf32, #tpu.memory_space<hbm>>
      tpu.wait_dma2 semaphore(%arg15 : memref<!tpu.dma_semaphore, #tpu.memory_space<semaphore_mem>>) src(%dma_wait3A_93 : memref<128x128xf32, #tpu.memory_space<hbm>>) dst(%arg9 : memref<128x128xf32, #tpu.memory_space<vmem>>)
      %add3A_94 = arith.constant 2 : i32
      %add3A_95 = arith.addi %mul3A_53, %add3A_94 : i32
      %mul3A_96 = arith.constant 128 : i32
      %mul3A_97 = arith.muli %add3A_95, %mul3A_96 : i32
      %add3A_98 = arith.addi %add3A_15, %mul3A_97 : i32
      %dma_start3A_99 = tpu.memref_slice %arg3[%add3A_98] : memref<320000xi32, #tpu.memory_space<hbm>> -> memref<128xi32, #tpu.memory_space<hbm>>
      %dma_start3A_100 = tpu.memref_slice %arg3[%add3A_98] : memref<320000xi32, #tpu.memory_space<hbm>> -> memref<128xi32, #tpu.memory_space<hbm>>
      tpu.enqueue_dma source(%dma_start3A_100 : memref<128xi32, #tpu.memory_space<hbm>>) target(%arg6 : memref<128xi32, #tpu.memory_space<vmem>>) target_semaphore(%arg12 : memref<!tpu.dma_semaphore, #tpu.memory_space<semaphore_mem>>)
      %mul3A_101 = arith.constant 128 : i32
      %mul3A_102 = arith.muli %add3A_95, %mul3A_101 : i32
      %add3A_103 = arith.addi %mul3A_13, %mul3A_102 : i32
      %dma_start3A_104 = arith.constant 0 : i32
      %dma_start3A_105 = tpu.memref_slice %arg2[%add3A_103, %dma_start3A_104] : memref<160000x128xf32, #tpu.memory_space<hbm>> -> memref<128x128xf32, #tpu.memory_space<hbm>>
      %dma_start3A_106 = arith.constant 0 : i32
      %dma_start3A_107 = tpu.memref_slice %arg2[%add3A_103, %dma_start3A_106] : memref<160000x128xf32, #tpu.memory_space<hbm>> -> memref<128x128xf32, #tpu.memory_space<hbm>>
      tpu.enqueue_dma source(%dma_start3A_107 : memref<128x128xf32, #tpu.memory_space<hbm>>) target(%arg7 : memref<128x128xf32, #tpu.memory_space<vmem>>) target_semaphore(%arg13 : memref<!tpu.dma_semaphore, #tpu.memory_space<semaphore_mem>>)
      "tpu.region"() ({
        %run_scoped3A = tpu.sem_alloc : memref<!tpu.dma_semaphore, #tpu.memory_space<semaphore_mem>>
        %dma_start3A_108 = arith.constant 0 : i32
        %dma_start3A_109 = arith.constant 0 : i32
        %dma_start3A_110 = tpu.memref_slice %arg5[%dma_start3A_108, %dma_start3A_109] : memref<10240x128xf32, #tpu.memory_space<vmem_shared>> -> memref<10240x128xf32, #tpu.memory_space<vmem_shared>>
        tpu.enqueue_indirect_dma source(%arg9 : memref<128x128xf32, #tpu.memory_space<vmem>>) target(%dma_start3A_110 : memref<10240x128xf32, #tpu.memory_space<vmem_shared>>) offsets(%arg8 : memref<128xi32, #tpu.memory_space<vmem>>) semaphore(%run_scoped3A : memref<!tpu.dma_semaphore, #tpu.memory_space<semaphore_mem>>) {add = true}
        %dma_wait3A_111 = arith.constant 0 : i32
        %dma_wait3A_112 = arith.constant 0 : i32
        %dma_wait3A_113 = tpu.memref_slice %arg5[%dma_wait3A_111, %dma_wait3A_112] : memref<10240x128xf32, #tpu.memory_space<vmem_shared>> -> memref<10240x128xf32, #tpu.memory_space<vmem_shared>>
        tpu.wait_indirect_dma semaphore(%run_scoped3A : memref<!tpu.dma_semaphore, #tpu.memory_space<semaphore_mem>>) src(%arg9 : memref<128x128xf32, #tpu.memory_space<vmem>>) dst(%dma_wait3A_113 : memref<10240x128xf32, #tpu.memory_space<vmem_shared>>)
        tpu.yield
      }) : () -> ()
    }
    %scan3A_30 = arith.constant 19 : i32
    %add3A_31 = arith.constant 4864 : i32
    %add3A_32 = arith.addi %add3A_15, %add3A_31 : i32
    %dma_wait3A = tpu.memref_slice %arg3[%add3A_32] : memref<320000xi32, #tpu.memory_space<hbm>> -> memref<128xi32, #tpu.memory_space<hbm>>
    %dma_wait3A_33 = tpu.memref_slice %arg3[%add3A_32] : memref<320000xi32, #tpu.memory_space<hbm>> -> memref<128xi32, #tpu.memory_space<hbm>>
    tpu.wait_dma2 semaphore(%arg12 : memref<!tpu.dma_semaphore, #tpu.memory_space<semaphore_mem>>) src(%dma_wait3A_33 : memref<128xi32, #tpu.memory_space<hbm>>) dst(%arg6 : memref<128xi32, #tpu.memory_space<vmem>>)
    %add3A_34 = arith.constant 4864 : i32
    %add3A_35 = arith.addi %mul3A_13, %add3A_34 : i32
    %dma_wait3A_36 = arith.constant 0 : i32
    %dma_wait3A_37 = tpu.memref_slice %arg2[%add3A_35, %dma_wait3A_36] : memref<160000x128xf32, #tpu.memory_space<hbm>> -> memref<128x128xf32, #tpu.memory_space<hbm>>
    %dma_wait3A_38 = arith.constant 0 : i32
    %dma_wait3A_39 = tpu.memref_slice %arg2[%add3A_35, %dma_wait3A_38] : memref<160000x128xf32, #tpu.memory_space<hbm>> -> memref<128x128xf32, #tpu.memory_space<hbm>>
    tpu.wait_dma2 semaphore(%arg13 : memref<!tpu.dma_semaphore, #tpu.memory_space<semaphore_mem>>) src(%dma_wait3A_39 : memref<128x128xf32, #tpu.memory_space<hbm>>) dst(%arg7 : memref<128x128xf32, #tpu.memory_space<vmem>>)
    "tpu.region"() ({
      %run_scoped3A = tpu.sem_alloc : memref<!tpu.dma_semaphore, #tpu.memory_space<semaphore_mem>>
      %dma_start3A_51 = arith.constant 0 : i32
      %dma_start3A_52 = arith.constant 0 : i32
      %dma_start3A_53 = tpu.memref_slice %arg5[%dma_start3A_51, %dma_start3A_52] : memref<10240x128xf32, #tpu.memory_space<vmem_shared>> -> memref<10240x128xf32, #tpu.memory_space<vmem_shared>>
      tpu.enqueue_indirect_dma source(%arg7 : memref<128x128xf32, #tpu.memory_space<vmem>>) target(%dma_start3A_53 : memref<10240x128xf32, #tpu.memory_space<vmem_shared>>) offsets(%arg6 : memref<128xi32, #tpu.memory_space<vmem>>) semaphore(%run_scoped3A : memref<!tpu.dma_semaphore, #tpu.memory_space<semaphore_mem>>) {add = true}
      %dma_wait3A_54 = arith.constant 0 : i32
      %dma_wait3A_55 = arith.constant 0 : i32
      %dma_wait3A_56 = tpu.memref_slice %arg5[%dma_wait3A_54, %dma_wait3A_55] : memref<10240x128xf32, #tpu.memory_space<vmem_shared>> -> memref<10240x128xf32, #tpu.memory_space<vmem_shared>>
      tpu.wait_indirect_dma semaphore(%run_scoped3A : memref<!tpu.dma_semaphore, #tpu.memory_space<semaphore_mem>>) src(%arg7 : memref<128x128xf32, #tpu.memory_space<vmem>>) dst(%dma_wait3A_56 : memref<10240x128xf32, #tpu.memory_space<vmem_shared>>)
      tpu.yield
    }) : () -> ()
    %add3A_40 = arith.constant 4992 : i32
    %add3A_41 = arith.addi %add3A_15, %add3A_40 : i32
    "tpu.region"() ({
      %run_scoped3A = tpu.sem_alloc : memref<!tpu.dma_semaphore, #tpu.memory_space<semaphore_mem>>
      %dma_start3A_51 = tpu.memref_slice %arg3[%add3A_41] : memref<320000xi32, #tpu.memory_space<hbm>> -> memref<8xi32, #tpu.memory_space<hbm>>
      %dma_start3A_52 = tpu.memref_slice %arg3[%add3A_41] : memref<320000xi32, #tpu.memory_space<hbm>> -> memref<8xi32, #tpu.memory_space<hbm>>
      tpu.enqueue_dma source(%dma_start3A_52 : memref<8xi32, #tpu.memory_space<hbm>>) target(%arg10 : memref<8xi32, #tpu.memory_space<vmem>>) target_semaphore(%run_scoped3A : memref<!tpu.dma_semaphore, #tpu.memory_space<semaphore_mem>>)
      %dma_wait3A_53 = tpu.memref_slice %arg3[%add3A_41] : memref<320000xi32, #tpu.memory_space<hbm>> -> memref<8xi32, #tpu.memory_space<hbm>>
      %dma_wait3A_54 = tpu.memref_slice %arg3[%add3A_41] : memref<320000xi32, #tpu.memory_space<hbm>> -> memref<8xi32, #tpu.memory_space<hbm>>
      tpu.wait_dma2 semaphore(%run_scoped3A : memref<!tpu.dma_semaphore, #tpu.memory_space<semaphore_mem>>) src(%dma_wait3A_54 : memref<8xi32, #tpu.memory_space<hbm>>) dst(%arg10 : memref<8xi32, #tpu.memory_space<vmem>>)
      tpu.yield
    }) : () -> ()
    %add3A_42 = arith.constant 4992 : i32
    %add3A_43 = arith.addi %mul3A_13, %add3A_42 : i32
    "tpu.region"() ({
      %run_scoped3A = tpu.sem_alloc : memref<!tpu.dma_semaphore, #tpu.memory_space<semaphore_mem>>
      %dma_start3A_51 = arith.constant 0 : i32
      %dma_start3A_52 = tpu.memref_slice %arg2[%add3A_43, %dma_start3A_51] : memref<160000x128xf32, #tpu.memory_space<hbm>> -> memref<8x128xf32, #tpu.memory_space<hbm>>
      %dma_start3A_53 = arith.constant 0 : i32
      %dma_start3A_54 = tpu.memref_slice %arg2[%add3A_43, %dma_start3A_53] : memref<160000x128xf32, #tpu.memory_space<hbm>> -> memref<8x128xf32, #tpu.memory_space<hbm>>
      tpu.enqueue_dma source(%dma_start3A_54 : memref<8x128xf32, #tpu.memory_space<hbm>>) target(%arg11 : memref<8x128xf32, #tpu.memory_space<vmem>>) target_semaphore(%run_scoped3A : memref<!tpu.dma_semaphore, #tpu.memory_space<semaphore_mem>>)
      %dma_wait3A_55 = arith.constant 0 : i32
      %dma_wait3A_56 = tpu.memref_slice %arg2[%add3A_43, %dma_wait3A_55] : memref<160000x128xf32, #tpu.memory_space<hbm>> -> memref<8x128xf32, #tpu.memory_space<hbm>>
      %dma_wait3A_57 = arith.constant 0 : i32
      %dma_wait3A_58 = tpu.memref_slice %arg2[%add3A_43, %dma_wait3A_57] : memref<160000x128xf32, #tpu.memory_space<hbm>> -> memref<8x128xf32, #tpu.memory_space<hbm>>
      tpu.wait_dma2 semaphore(%run_scoped3A : memref<!tpu.dma_semaphore, #tpu.memory_space<semaphore_mem>>) src(%dma_wait3A_58 : memref<8x128xf32, #tpu.memory_space<hbm>>) dst(%arg11 : memref<8x128xf32, #tpu.memory_space<vmem>>)
      tpu.yield
    }) : () -> ()
    "tpu.region"() ({
      %run_scoped3A = tpu.sem_alloc : memref<!tpu.dma_semaphore, #tpu.memory_space<semaphore_mem>>
      %dma_start3A_51 = arith.constant 0 : i32
      %dma_start3A_52 = arith.constant 0 : i32
      %dma_start3A_53 = tpu.memref_slice %arg5[%dma_start3A_51, %dma_start3A_52] : memref<10240x128xf32, #tpu.memory_space<vmem_shared>> -> memref<10240x128xf32, #tpu.memory_space<vmem_shared>>
      tpu.enqueue_indirect_dma source(%arg11 : memref<8x128xf32, #tpu.memory_space<vmem>>) target(%dma_start3A_53 : memref<10240x128xf32, #tpu.memory_space<vmem_shared>>) offsets(%arg10 : memref<8xi32, #tpu.memory_space<vmem>>) semaphore(%run_scoped3A : memref<!tpu.dma_semaphore, #tpu.memory_space<semaphore_mem>>) {add = true}
      %dma_wait3A_54 = arith.constant 0 : i32
      %dma_wait3A_55 = arith.constant 0 : i32
      %dma_wait3A_56 = tpu.memref_slice %arg5[%dma_wait3A_54, %dma_wait3A_55] : memref<10240x128xf32, #tpu.memory_space<vmem_shared>> -> memref<10240x128xf32, #tpu.memory_space<vmem_shared>>
      tpu.wait_indirect_dma semaphore(%run_scoped3A : memref<!tpu.dma_semaphore, #tpu.memory_space<semaphore_mem>>) src(%arg11 : memref<8x128xf32, #tpu.memory_space<vmem>>) dst(%dma_wait3A_56 : memref<10240x128xf32, #tpu.memory_space<vmem_shared>>)
      tpu.yield
    }) : () -> ()
    %barrier3A_44 = arith.constant 0 : index
    tpu.barrier barrier_id(%barrier3A_44)
    %scan3A_45 = arith.constant 0 : i32
    %scan3A_46 = arith.constant 0 : i32
    %scan3A_47 = arith.constant 5 : i32
    %scan3A_48 = arith.addi %scan3A_46, %scan3A_47 : i32
    %scan3A_49 = arith.constant 1 : i32
    scf.for %scan3A_51 = %scan3A_46 to %scan3A_48 step %scan3A_49  : i32 {
      %mul3A_52 = arith.constant 640 : i32
      %mul3A_53 = arith.muli %arg1, %mul3A_52 : i32
      %mul3A_54 = arith.constant 128 : i32
      %mul3A_55 = arith.muli %scan3A_51, %mul3A_54 : i32
      %add3A_56 = arith.addi %mul3A_53, %mul3A_55 : i32
      "tpu.region"() ({
        %run_scoped3A = tpu.sem_alloc : memref<!tpu.dma_semaphore, #tpu.memory_space<semaphore_mem>>
        %dma_start3A_57 = arith.constant 0 : i32
        %dma_start3A_58 = tpu.memref_slice %arg5[%add3A_56, %dma_start3A_57] : memref<10240x128xf32, #tpu.memory_space<vmem_shared>> -> memref<128x128xf32, #tpu.memory_space<vmem_shared>>
        %dma_start3A_59 = arith.constant 0 : i32
        %dma_start3A_60 = tpu.memref_slice %arg5[%add3A_56, %dma_start3A_59] : memref<10240x128xf32, #tpu.memory_space<vmem_shared>> -> memref<128x128xf32, #tpu.memory_space<vmem_shared>>
        tpu.enqueue_dma source(%dma_start3A_60 : memref<128x128xf32, #tpu.memory_space<vmem_shared>>) target(%arg7 : memref<128x128xf32, #tpu.memory_space<vmem>>) target_semaphore(%run_scoped3A : memref<!tpu.dma_semaphore, #tpu.memory_space<semaphore_mem>>)
        %dma_wait3A_61 = arith.constant 0 : i32
        %dma_wait3A_62 = tpu.memref_slice %arg5[%add3A_56, %dma_wait3A_61] : memref<10240x128xf32, #tpu.memory_space<vmem_shared>> -> memref<128x128xf32, #tpu.memory_space<vmem_shared>>
        %dma_wait3A_63 = arith.constant 0 : i32
        %dma_wait3A_64 = tpu.memref_slice %arg5[%add3A_56, %dma_wait3A_63] : memref<10240x128xf32, #tpu.memory_space<vmem_shared>> -> memref<128x128xf32, #tpu.memory_space<vmem_shared>>
        tpu.wait_dma2 semaphore(%run_scoped3A : memref<!tpu.dma_semaphore, #tpu.memory_space<semaphore_mem>>) src(%dma_wait3A_64 : memref<128x128xf32, #tpu.memory_space<vmem_shared>>) dst(%arg7 : memref<128x128xf32, #tpu.memory_space<vmem>>)
        tpu.yield
      }) : () -> ()
      "tpu.region"() ({
        %run_scoped3A = tpu.sem_alloc : memref<!tpu.dma_semaphore, #tpu.memory_space<semaphore_mem>>
        %dma_start3A_57 = arith.constant 0 : i32
        %dma_start3A_58 = tpu.memref_slice %arg4[%arg0, %add3A_56, %dma_start3A_57] : memref<2x10240x128xf32, #tpu.memory_space<hbm>> -> memref<1x128x128xf32, #tpu.memory_space<hbm>>
        %dma_start3A_59 = tpu.memref_squeeze %dma_start3A_58 : memref<1x128x128xf32, #tpu.memory_space<hbm>> -> memref<128x128xf32, #tpu.memory_space<hbm>>
        %dma_start3A_60 = arith.constant 0 : i32
        %dma_start3A_61 = tpu.memref_slice %arg4[%arg0, %add3A_56, %dma_start3A_60] : memref<2x10240x128xf32, #tpu.memory_space<hbm>> -> memref<1x128x128xf32, #tpu.memory_space<hbm>>
        %dma_start3A_62 = tpu.memref_squeeze %dma_start3A_61 : memref<1x128x128xf32, #tpu.memory_space<hbm>> -> memref<128x128xf32, #tpu.memory_space<hbm>>
        tpu.enqueue_dma source(%arg7 : memref<128x128xf32, #tpu.memory_space<vmem>>) target(%dma_start3A_62 : memref<128x128xf32, #tpu.memory_space<hbm>>) target_semaphore(%run_scoped3A : memref<!tpu.dma_semaphore, #tpu.memory_space<semaphore_mem>>)
        %dma_wait3A_63 = arith.constant 0 : i32
        %dma_wait3A_64 = tpu.memref_slice %arg4[%arg0, %add3A_56, %dma_wait3A_63] : memref<2x10240x128xf32, #tpu.memory_space<hbm>> -> memref<1x128x128xf32, #tpu.memory_space<hbm>>
        %dma_wait3A_65 = tpu.memref_squeeze %dma_wait3A_64 : memref<1x128x128xf32, #tpu.memory_space<hbm>> -> memref<128x128xf32, #tpu.memory_space<hbm>>
        %dma_wait3A_66 = arith.constant 0 : i32
        %dma_wait3A_67 = tpu.memref_slice %arg4[%arg0, %add3A_56, %dma_wait3A_66] : memref<2x10240x128xf32, #tpu.memory_space<hbm>> -> memref<1x128x128xf32, #tpu.memory_space<hbm>>
        %dma_wait3A_68 = tpu.memref_squeeze %dma_wait3A_67 : memref<1x128x128xf32, #tpu.memory_space<hbm>> -> memref<128x128xf32, #tpu.memory_space<hbm>>
        tpu.wait_dma2 semaphore(%run_scoped3A : memref<!tpu.dma_semaphore, #tpu.memory_space<semaphore_mem>>) src(%arg7 : memref<128x128xf32, #tpu.memory_space<vmem>>) dst(%dma_wait3A_68 : memref<128x128xf32, #tpu.memory_space<hbm>>)
        tpu.yield
      }) : () -> ()
    }
    %scan3A_50 = arith.constant 5 : i32
    return
  }
}

#map = affine_map<(d0, d1) -> (0, 0)>
#map1 = affine_map<(d0, d1) -> (0)>
#map2 = affine_map<(d0, d1) -> (0, 0, 0)>
module attributes {stable_mosaic.version = 14 : i64} {
  func.func @_sc_body(%arg0: i32, %arg1: i32, %arg2: memref<160000x128xf32, #tpu.memory_space<hbm>>, %arg3: memref<320000xi32, #tpu.memory_space<hbm>>, %arg4: memref<2x10240x128xf32, #tpu.memory_space<hbm>>, %arg5: memref<10240x128xf32, #tpu.memory_space<vmem_shared>>, %arg6: memref<128xi32, #tpu.memory_space<vmem>>, %arg7: memref<128x128xf32, #tpu.memory_space<vmem>>, %arg8: memref<128xi32, #tpu.memory_space<vmem>>, %arg9: memref<128x128xf32, #tpu.memory_space<vmem>>, %arg10: memref<8xi32, #tpu.memory_space<vmem>>, %arg11: memref<8x128xf32, #tpu.memory_space<vmem>>, %arg12: memref<!tpu.dma_semaphore, #tpu.memory_space<semaphore_mem>>, %arg13: memref<!tpu.dma_semaphore, #tpu.memory_space<semaphore_mem>>, %arg14: memref<!tpu.dma_semaphore, #tpu.memory_space<semaphore_mem>>, %arg15: memref<!tpu.dma_semaphore, #tpu.memory_space<semaphore_mem>>) attributes {dimension_semantics = [#tpu.dimension_semantics<core_parallel>, #tpu.dimension_semantics<subcore_parallel>], iteration_bounds = array<i64: 2, 16>, scalar_prefetch = 0 : i64, scratch_operands = 11 : i64, tpu.core_type = #tpu.core_type<sc_vector_subcore>, window_params = [{transform_indices = #map}, {transform_indices = #map1}, {transform_indices = #map2}]} {
    %mul3A = arith.constant 16 : i32
    %mul3A_0 = arith.muli %arg0, %mul3A : i32
    %add3A = arith.addi %mul3A_0, %arg1 : i32
    %scan3A = arith.constant 0 : i32
    %scan3A_1 = arith.constant 0 : i32
    %scan3A_2 = arith.constant 128 : i32
    %scan3A_3 = arith.addi %scan3A_1, %scan3A_2 : i32
    %scan3A_4 = arith.constant 1 : i32
    scf.for %scan3A_51 = %scan3A_1 to %scan3A_3 step %scan3A_4  : i32 {
      %scan3A_52 = arith.constant 0 : i32
      %scan3A_53 = arith.constant 0 : i32
      %scan3A_54 = arith.constant 8 : i32
      %scan3A_55 = arith.addi %scan3A_53, %scan3A_54 : i32
      %scan3A_56 = arith.constant 1 : i32
      scf.for %scan3A_58 = %scan3A_53 to %scan3A_55 step %scan3A_56  : i32 {
        %broadcast_in_dim3A = arith.constant 0.000000e+00 : f32
        %broadcast_in_dim3A_59 = vector.broadcast %broadcast_in_dim3A : f32 to vector<16xf32>
        %mul3A_60 = arith.constant 16 : i32
        %mul3A_61 = arith.muli %scan3A_58, %mul3A_60 : i32
        %swap3A = arith.index_cast %scan3A_51 : i32 to index
        %swap3A_62 = arith.index_cast %mul3A_61 : i32 to index
        %swap3A_63 = tpu.vector_load %arg7[%swap3A, %swap3A_62] {strides = array<i32>} : memref<128x128xf32, #tpu.memory_space<vmem>>, vector<1x16xf32>,
        %swap3A_64 = vector.shape_cast %swap3A_63 : vector<1x16xf32> to vector<16xf32>
        %swap3A_65 = vector.shape_cast %broadcast_in_dim3A_59 : vector<16xf32> to vector<1x16xf32>
        tpu.vector_store %arg7[%swap3A, %swap3A_62], %swap3A_65 {strides = array<i32>} : memref<128x128xf32, #tpu.memory_space<vmem>>, vector<1x16xf32>,
      }
      %scan3A_57 = arith.constant 8 : i32
    }
    %scan3A_5 = arith.constant 128 : i32
    %scan3A_6 = arith.constant 0 : i32
    %scan3A_7 = arith.constant 0 : i32
    %scan3A_8 = arith.constant 5 : i32
    %scan3A_9 = arith.addi %scan3A_7, %scan3A_8 : i32
    %scan3A_10 = arith.constant 1 : i32
    scf.for %scan3A_51 = %scan3A_7 to %scan3A_9 step %scan3A_10  : i32 {
      %mul3A_52 = arith.constant 640 : i32
      %mul3A_53 = arith.muli %arg1, %mul3A_52 : i32
      %mul3A_54 = arith.constant 128 : i32
      %mul3A_55 = arith.muli %scan3A_51, %mul3A_54 : i32
      %add3A_56 = arith.addi %mul3A_53, %mul3A_55 : i32
      "tpu.region"() ({
        %run_scoped3A = tpu.sem_alloc : memref<!tpu.dma_semaphore, #tpu.memory_space<semaphore_mem>>
        %dma_start3A_57 = arith.constant 0 : i32
        %dma_start3A_58 = tpu.memref_slice %arg5[%add3A_56, %dma_start3A_57] : memref<10240x128xf32, #tpu.memory_space<vmem_shared>> -> memref<128x128xf32, #tpu.memory_space<vmem_shared>>
        %dma_start3A_59 = arith.constant 0 : i32
        %dma_start3A_60 = tpu.memref_slice %arg5[%add3A_56, %dma_start3A_59] : memref<10240x128xf32, #tpu.memory_space<vmem_shared>> -> memref<128x128xf32, #tpu.memory_space<vmem_shared>>
        tpu.enqueue_dma source(%arg7 : memref<128x128xf32, #tpu.memory_space<vmem>>) target(%dma_start3A_60 : memref<128x128xf32, #tpu.memory_space<vmem_shared>>) target_semaphore(%run_scoped3A : memref<!tpu.dma_semaphore, #tpu.memory_space<semaphore_mem>>)
        %dma_wait3A_61 = arith.constant 0 : i32
        %dma_wait3A_62 = tpu.memref_slice %arg5[%add3A_56, %dma_wait3A_61] : memref<10240x128xf32, #tpu.memory_space<vmem_shared>> -> memref<128x128xf32, #tpu.memory_space<vmem_shared>>
        %dma_wait3A_63 = arith.constant 0 : i32
        %dma_wait3A_64 = tpu.memref_slice %arg5[%add3A_56, %dma_wait3A_63] : memref<10240x128xf32, #tpu.memory_space<vmem_shared>> -> memref<128x128xf32, #tpu.memory_space<vmem_shared>>
        tpu.wait_dma2 semaphore(%run_scoped3A : memref<!tpu.dma_semaphore, #tpu.memory_space<semaphore_mem>>) src(%arg7 : memref<128x128xf32, #tpu.memory_space<vmem>>) dst(%dma_wait3A_64 : memref<128x128xf32, #tpu.memory_space<vmem_shared>>)
        tpu.yield
      }) : () -> ()
    }
    %scan3A_11 = arith.constant 5 : i32
    %barrier3A = arith.constant 0 : index
    tpu.barrier barrier_id(%barrier3A)
    %mul3A_12 = arith.constant 5000 : i32
    %mul3A_13 = arith.muli %add3A, %mul3A_12 : i32
    %add3A_14 = arith.constant 0 : i32
    %add3A_15 = arith.addi %add3A_14, %mul3A_13 : i32
    %add3A_16 = arith.constant 0 : i32
    %add3A_17 = arith.addi %add3A_15, %add3A_16 : i32
    %dma_start3A = tpu.memref_slice %arg3[%add3A_17] : memref<320000xi32, #tpu.memory_space<hbm>> -> memref<128xi32, #tpu.memory_space<hbm>>
    %dma_start3A_18 = tpu.memref_slice %arg3[%add3A_17] : memref<320000xi32, #tpu.memory_space<hbm>> -> memref<128xi32, #tpu.memory_space<hbm>>
    tpu.enqueue_dma source(%dma_start3A_18 : memref<128xi32, #tpu.memory_space<hbm>>) target(%arg6 : memref<128xi32, #tpu.memory_space<vmem>>) target_semaphore(%arg12 : memref<!tpu.dma_semaphore, #tpu.memory_space<semaphore_mem>>)
    %add3A_19 = arith.constant 0 : i32
    %add3A_20 = arith.addi %mul3A_13, %add3A_19 : i32
    %dma_start3A_21 = arith.constant 0 : i32
    %dma_start3A_22 = tpu.memref_slice %arg2[%add3A_20, %dma_start3A_21] : memref<160000x128xf32, #tpu.memory_space<hbm>> -> memref<128x128xf32, #tpu.memory_space<hbm>>
    %dma_start3A_23 = arith.constant 0 : i32
    %dma_start3A_24 = tpu.memref_slice %arg2[%add3A_20, %dma_start3A_23] : memref<160000x128xf32, #tpu.memory_space<hbm>> -> memref<128x128xf32, #tpu.memory_space<hbm>>
    tpu.enqueue_dma source(%dma_start3A_24 : memref<128x128xf32, #tpu.memory_space<hbm>>) target(%arg7 : memref<128x128xf32, #tpu.memory_space<vmem>>) target_semaphore(%arg13 : memref<!tpu.dma_semaphore, #tpu.memory_space<semaphore_mem>>)
    %scan3A_25 = arith.constant 0 : i32
    %scan3A_26 = arith.constant 0 : i32
    %scan3A_27 = arith.constant 19 : i32
    %scan3A_28 = arith.addi %scan3A_26, %scan3A_27 : i32
    %scan3A_29 = arith.constant 1 : i32
    scf.for %scan3A_51 = %scan3A_26 to %scan3A_28 step %scan3A_29  : i32 {
      %mul3A_52 = arith.constant 2 : i32
      %mul3A_53 = arith.muli %mul3A_52, %scan3A_51 : i32
      %mul3A_54 = arith.constant 128 : i32
      %mul3A_55 = arith.muli %mul3A_53, %mul3A_54 : i32
      %add3A_56 = arith.addi %add3A_15, %mul3A_55 : i32
      %dma_wait3A_57 = tpu.memref_slice %arg3[%add3A_56] : memref<320000xi32, #tpu.memory_space<hbm>> -> memref<128xi32, #tpu.memory_space<hbm>>
      %dma_wait3A_58 = tpu.memref_slice %arg3[%add3A_56] : memref<320000xi32, #tpu.memory_space<hbm>> -> memref<128xi32, #tpu.memory_space<hbm>>
      tpu.wait_dma2 semaphore(%arg12 : memref<!tpu.dma_semaphore, #tpu.memory_space<semaphore_mem>>) src(%dma_wait3A_58 : memref<128xi32, #tpu.memory_space<hbm>>) dst(%arg6 : memref<128xi32, #tpu.memory_space<vmem>>)
      %mul3A_59 = arith.constant 128 : i32
      %mul3A_60 = arith.muli %mul3A_53, %mul3A_59 : i32
      %add3A_61 = arith.addi %mul3A_13, %mul3A_60 : i32
      %dma_wait3A_62 = arith.constant 0 : i32
      %dma_wait3A_63 = tpu.memref_slice %arg2[%add3A_61, %dma_wait3A_62] : memref<160000x128xf32, #tpu.memory_space<hbm>> -> memref<128x128xf32, #tpu.memory_space<hbm>>
      %dma_wait3A_64 = arith.constant 0 : i32
      %dma_wait3A_65 = tpu.memref_slice %arg2[%add3A_61, %dma_wait3A_64] : memref<160000x128xf32, #tpu.memory_space<hbm>> -> memref<128x128xf32, #tpu.memory_space<hbm>>
      tpu.wait_dma2 semaphore(%arg13 : memref<!tpu.dma_semaphore, #tpu.memory_space<semaphore_mem>>) src(%dma_wait3A_65 : memref<128x128xf32, #tpu.memory_space<hbm>>) dst(%arg7 : memref<128x128xf32, #tpu.memory_space<vmem>>)
      %add3A_66 = arith.constant 1 : i32
      %add3A_67 = arith.addi %mul3A_53, %add3A_66 : i32
      %mul3A_68 = arith.constant 128 : i32
      %mul3A_69 = arith.muli %add3A_67, %mul3A_68 : i32
      %add3A_70 = arith.addi %add3A_15, %mul3A_69 : i32
      %dma_start3A_71 = tpu.memref_slice %arg3[%add3A_70] : memref<320000xi32, #tpu.memory_space<hbm>> -> memref<128xi32, #tpu.memory_space<hbm>>
      %dma_start3A_72 = tpu.memref_slice %arg3[%add3A_70] : memref<320000xi32, #tpu.memory_space<hbm>> -> memref<128xi32, #tpu.memory_space<hbm>>
      tpu.enqueue_dma source(%dma_start3A_72 : memref<128xi32, #tpu.memory_space<hbm>>) target(%arg8 : memref<128xi32, #tpu.memory_space<vmem>>) target_semaphore(%arg14 : memref<!tpu.dma_semaphore, #tpu.memory_space<semaphore_mem>>)
      %mul3A_73 = arith.constant 128 : i32
      %mul3A_74 = arith.muli %add3A_67, %mul3A_73 : i32
      %add3A_75 = arith.addi %mul3A_13, %mul3A_74 : i32
      %dma_start3A_76 = arith.constant 0 : i32
      %dma_start3A_77 = tpu.memref_slice %arg2[%add3A_75, %dma_start3A_76] : memref<160000x128xf32, #tpu.memory_space<hbm>> -> memref<128x128xf32, #tpu.memory_space<hbm>>
      %dma_start3A_78 = arith.constant 0 : i32
      %dma_start3A_79 = tpu.memref_slice %arg2[%add3A_75, %dma_start3A_78] : memref<160000x128xf32, #tpu.memory_space<hbm>> -> memref<128x128xf32, #tpu.memory_space<hbm>>
      tpu.enqueue_dma source(%dma_start3A_79 : memref<128x128xf32, #tpu.memory_space<hbm>>) target(%arg9 : memref<128x128xf32, #tpu.memory_space<vmem>>) target_semaphore(%arg15 : memref<!tpu.dma_semaphore, #tpu.memory_space<semaphore_mem>>)
      "tpu.region"() ({
        %run_scoped3A = tpu.sem_alloc : memref<!tpu.dma_semaphore, #tpu.memory_space<semaphore_mem>>
        %dma_start3A_108 = arith.constant 0 : i32
        %dma_start3A_109 = arith.constant 0 : i32
        %dma_start3A_110 = tpu.memref_slice %arg5[%dma_start3A_108, %dma_start3A_109] : memref<10240x128xf32, #tpu.memory_space<vmem_shared>> -> memref<10240x128xf32, #tpu.memory_space<vmem_shared>>
        tpu.enqueue_indirect_dma source(%arg7 : memref<128x128xf32, #tpu.memory_space<vmem>>) target(%dma_start3A_110 : memref<10240x128xf32, #tpu.memory_space<vmem_shared>>) offsets(%arg6 : memref<128xi32, #tpu.memory_space<vmem>>) semaphore(%run_scoped3A : memref<!tpu.dma_semaphore, #tpu.memory_space<semaphore_mem>>) {add = true}
        %dma_wait3A_111 = arith.constant 0 : i32
        %dma_wait3A_112 = arith.constant 0 : i32
        %dma_wait3A_113 = tpu.memref_slice %arg5[%dma_wait3A_111, %dma_wait3A_112] : memref<10240x128xf32, #tpu.memory_space<vmem_shared>> -> memref<10240x128xf32, #tpu.memory_space<vmem_shared>>
        tpu.wait_indirect_dma semaphore(%run_scoped3A : memref<!tpu.dma_semaphore, #tpu.memory_space<semaphore_mem>>) src(%arg7 : memref<128x128xf32, #tpu.memory_space<vmem>>) dst(%dma_wait3A_113 : memref<10240x128xf32, #tpu.memory_space<vmem_shared>>)
        tpu.yield
      }) : () -> ()
      %add3A_80 = arith.constant 1 : i32
      %add3A_81 = arith.addi %mul3A_53, %add3A_80 : i32
      %mul3A_82 = arith.constant 128 : i32
      %mul3A_83 = arith.muli %add3A_81, %mul3A_82 : i32
      %add3A_84 = arith.addi %add3A_15, %mul3A_83 : i32
      %dma_wait3A_85 = tpu.memref_slice %arg3[%add3A_84] : memref<320000xi32, #tpu.memory_space<hbm>> -> memref<128xi32, #tpu.memory_space<hbm>>
      %dma_wait3A_86 = tpu.memref_slice %arg3[%add3A_84] : memref<320000xi32, #tpu.memory_space<hbm>> -> memref<128xi32, #tpu.memory_space<hbm>>
      tpu.wait_dma2 semaphore(%arg14 : memref<!tpu.dma_semaphore, #tpu.memory_space<semaphore_mem>>) src(%dma_wait3A_86 : memref<128xi32, #tpu.memory_space<hbm>>) dst(%arg8 : memref<128xi32, #tpu.memory_space<vmem>>)
      %mul3A_87 = arith.constant 128 : i32
      %mul3A_88 = arith.muli %add3A_81, %mul3A_87 : i32
      %add3A_89 = arith.addi %mul3A_13, %mul3A_88 : i32
      %dma_wait3A_90 = arith.constant 0 : i32
      %dma_wait3A_91 = tpu.memref_slice %arg2[%add3A_89, %dma_wait3A_90] : memref<160000x128xf32, #tpu.memory_space<hbm>> -> memref<128x128xf32, #tpu.memory_space<hbm>>
      %dma_wait3A_92 = arith.constant 0 : i32
      %dma_wait3A_93 = tpu.memref_slice %arg2[%add3A_89, %dma_wait3A_92] : memref<160000x128xf32, #tpu.memory_space<hbm>> -> memref<128x128xf32, #tpu.memory_space<hbm>>
      tpu.wait_dma2 semaphore(%arg15 : memref<!tpu.dma_semaphore, #tpu.memory_space<semaphore_mem>>) src(%dma_wait3A_93 : memref<128x128xf32, #tpu.memory_space<hbm>>) dst(%arg9 : memref<128x128xf32, #tpu.memory_space<vmem>>)
      %add3A_94 = arith.constant 2 : i32
      %add3A_95 = arith.addi %mul3A_53, %add3A_94 : i32
      %mul3A_96 = arith.constant 128 : i32
      %mul3A_97 = arith.muli %add3A_95, %mul3A_96 : i32
      %add3A_98 = arith.addi %add3A_15, %mul3A_97 : i32
      %dma_start3A_99 = tpu.memref_slice %arg3[%add3A_98] : memref<320000xi32, #tpu.memory_space<hbm>> -> memref<128xi32, #tpu.memory_space<hbm>>
      %dma_start3A_100 = tpu.memref_slice %arg3[%add3A_98] : memref<320000xi32, #tpu.memory_space<hbm>> -> memref<128xi32, #tpu.memory_space<hbm>>
      tpu.enqueue_dma source(%dma_start3A_100 : memref<128xi32, #tpu.memory_space<hbm>>) target(%arg6 : memref<128xi32, #tpu.memory_space<vmem>>) target_semaphore(%arg12 : memref<!tpu.dma_semaphore, #tpu.memory_space<semaphore_mem>>)
      %mul3A_101 = arith.constant 128 : i32
      %mul3A_102 = arith.muli %add3A_95, %mul3A_101 : i32
      %add3A_103 = arith.addi %mul3A_13, %mul3A_102 : i32
      %dma_start3A_104 = arith.constant 0 : i32
      %dma_start3A_105 = tpu.memref_slice %arg2[%add3A_103, %dma_start3A_104] : memref<160000x128xf32, #tpu.memory_space<hbm>> -> memref<128x128xf32, #tpu.memory_space<hbm>>
      %dma_start3A_106 = arith.constant 0 : i32
      %dma_start3A_107 = tpu.memref_slice %arg2[%add3A_103, %dma_start3A_106] : memref<160000x128xf32, #tpu.memory_space<hbm>> -> memref<128x128xf32, #tpu.memory_space<hbm>>
      tpu.enqueue_dma source(%dma_start3A_107 : memref<128x128xf32, #tpu.memory_space<hbm>>) target(%arg7 : memref<128x128xf32, #tpu.memory_space<vmem>>) target_semaphore(%arg13 : memref<!tpu.dma_semaphore, #tpu.memory_space<semaphore_mem>>)
      "tpu.region"() ({
        %run_scoped3A = tpu.sem_alloc : memref<!tpu.dma_semaphore, #tpu.memory_space<semaphore_mem>>
        %dma_start3A_108 = arith.constant 0 : i32
        %dma_start3A_109 = arith.constant 0 : i32
        %dma_start3A_110 = tpu.memref_slice %arg5[%dma_start3A_108, %dma_start3A_109] : memref<10240x128xf32, #tpu.memory_space<vmem_shared>> -> memref<10240x128xf32, #tpu.memory_space<vmem_shared>>
        tpu.enqueue_indirect_dma source(%arg9 : memref<128x128xf32, #tpu.memory_space<vmem>>) target(%dma_start3A_110 : memref<10240x128xf32, #tpu.memory_space<vmem_shared>>) offsets(%arg8 : memref<128xi32, #tpu.memory_space<vmem>>) semaphore(%run_scoped3A : memref<!tpu.dma_semaphore, #tpu.memory_space<semaphore_mem>>) {add = true}
        %dma_wait3A_111 = arith.constant 0 : i32
        %dma_wait3A_112 = arith.constant 0 : i32
        %dma_wait3A_113 = tpu.memref_slice %arg5[%dma_wait3A_111, %dma_wait3A_112] : memref<10240x128xf32, #tpu.memory_space<vmem_shared>> -> memref<10240x128xf32, #tpu.memory_space<vmem_shared>>
        tpu.wait_indirect_dma semaphore(%run_scoped3A : memref<!tpu.dma_semaphore, #tpu.memory_space<semaphore_mem>>) src(%arg9 : memref<128x128xf32, #tpu.memory_space<vmem>>) dst(%dma_wait3A_113 : memref<10240x128xf32, #tpu.memory_space<vmem_shared>>)
        tpu.yield
      }) : () -> ()
    }
    %scan3A_30 = arith.constant 19 : i32
    %add3A_31 = arith.constant 4864 : i32
    %add3A_32 = arith.addi %add3A_15, %add3A_31 : i32
    %dma_wait3A = tpu.memref_slice %arg3[%add3A_32] : memref<320000xi32, #tpu.memory_space<hbm>> -> memref<128xi32, #tpu.memory_space<hbm>>
    %dma_wait3A_33 = tpu.memref_slice %arg3[%add3A_32] : memref<320000xi32, #tpu.memory_space<hbm>> -> memref<128xi32, #tpu.memory_space<hbm>>
    tpu.wait_dma2 semaphore(%arg12 : memref<!tpu.dma_semaphore, #tpu.memory_space<semaphore_mem>>) src(%dma_wait3A_33 : memref<128xi32, #tpu.memory_space<hbm>>) dst(%arg6 : memref<128xi32, #tpu.memory_space<vmem>>)
    %add3A_34 = arith.constant 4864 : i32
    %add3A_35 = arith.addi %mul3A_13, %add3A_34 : i32
    %dma_wait3A_36 = arith.constant 0 : i32
    %dma_wait3A_37 = tpu.memref_slice %arg2[%add3A_35, %dma_wait3A_36] : memref<160000x128xf32, #tpu.memory_space<hbm>> -> memref<128x128xf32, #tpu.memory_space<hbm>>
    %dma_wait3A_38 = arith.constant 0 : i32
    %dma_wait3A_39 = tpu.memref_slice %arg2[%add3A_35, %dma_wait3A_38] : memref<160000x128xf32, #tpu.memory_space<hbm>> -> memref<128x128xf32, #tpu.memory_space<hbm>>
    tpu.wait_dma2 semaphore(%arg13 : memref<!tpu.dma_semaphore, #tpu.memory_space<semaphore_mem>>) src(%dma_wait3A_39 : memref<128x128xf32, #tpu.memory_space<hbm>>) dst(%arg7 : memref<128x128xf32, #tpu.memory_space<vmem>>)
    "tpu.region"() ({
      %run_scoped3A = tpu.sem_alloc : memref<!tpu.dma_semaphore, #tpu.memory_space<semaphore_mem>>
      %dma_start3A_51 = arith.constant 0 : i32
      %dma_start3A_52 = arith.constant 0 : i32
      %dma_start3A_53 = tpu.memref_slice %arg5[%dma_start3A_51, %dma_start3A_52] : memref<10240x128xf32, #tpu.memory_space<vmem_shared>> -> memref<10240x128xf32, #tpu.memory_space<vmem_shared>>
      tpu.enqueue_indirect_dma source(%arg7 : memref<128x128xf32, #tpu.memory_space<vmem>>) target(%dma_start3A_53 : memref<10240x128xf32, #tpu.memory_space<vmem_shared>>) offsets(%arg6 : memref<128xi32, #tpu.memory_space<vmem>>) semaphore(%run_scoped3A : memref<!tpu.dma_semaphore, #tpu.memory_space<semaphore_mem>>) {add = true}
      %dma_wait3A_54 = arith.constant 0 : i32
      %dma_wait3A_55 = arith.constant 0 : i32
      %dma_wait3A_56 = tpu.memref_slice %arg5[%dma_wait3A_54, %dma_wait3A_55] : memref<10240x128xf32, #tpu.memory_space<vmem_shared>> -> memref<10240x128xf32, #tpu.memory_space<vmem_shared>>
      tpu.wait_indirect_dma semaphore(%run_scoped3A : memref<!tpu.dma_semaphore, #tpu.memory_space<semaphore_mem>>) src(%arg7 : memref<128x128xf32, #tpu.memory_space<vmem>>) dst(%dma_wait3A_56 : memref<10240x128xf32, #tpu.memory_space<vmem_shared>>)
      tpu.yield
    }) : () -> ()
    %add3A_40 = arith.constant 4992 : i32
    %add3A_41 = arith.addi %add3A_15, %add3A_40 : i32
    "tpu.region"() ({
      %run_scoped3A = tpu.sem_alloc : memref<!tpu.dma_semaphore, #tpu.memory_space<semaphore_mem>>
      %dma_start3A_51 = tpu.memref_slice %arg3[%add3A_41] : memref<320000xi32, #tpu.memory_space<hbm>> -> memref<8xi32, #tpu.memory_space<hbm>>
      %dma_start3A_52 = tpu.memref_slice %arg3[%add3A_41] : memref<320000xi32, #tpu.memory_space<hbm>> -> memref<8xi32, #tpu.memory_space<hbm>>
      tpu.enqueue_dma source(%dma_start3A_52 : memref<8xi32, #tpu.memory_space<hbm>>) target(%arg10 : memref<8xi32, #tpu.memory_space<vmem>>) target_semaphore(%run_scoped3A : memref<!tpu.dma_semaphore, #tpu.memory_space<semaphore_mem>>)
      %dma_wait3A_53 = tpu.memref_slice %arg3[%add3A_41] : memref<320000xi32, #tpu.memory_space<hbm>> -> memref<8xi32, #tpu.memory_space<hbm>>
      %dma_wait3A_54 = tpu.memref_slice %arg3[%add3A_41] : memref<320000xi32, #tpu.memory_space<hbm>> -> memref<8xi32, #tpu.memory_space<hbm>>
      tpu.wait_dma2 semaphore(%run_scoped3A : memref<!tpu.dma_semaphore, #tpu.memory_space<semaphore_mem>>) src(%dma_wait3A_54 : memref<8xi32, #tpu.memory_space<hbm>>) dst(%arg10 : memref<8xi32, #tpu.memory_space<vmem>>)
      tpu.yield
    }) : () -> ()
    %add3A_42 = arith.constant 4992 : i32
    %add3A_43 = arith.addi %mul3A_13, %add3A_42 : i32
    "tpu.region"() ({
      %run_scoped3A = tpu.sem_alloc : memref<!tpu.dma_semaphore, #tpu.memory_space<semaphore_mem>>
      %dma_start3A_51 = arith.constant 0 : i32
      %dma_start3A_52 = tpu.memref_slice %arg2[%add3A_43, %dma_start3A_51] : memref<160000x128xf32, #tpu.memory_space<hbm>> -> memref<8x128xf32, #tpu.memory_space<hbm>>
      %dma_start3A_53 = arith.constant 0 : i32
      %dma_start3A_54 = tpu.memref_slice %arg2[%add3A_43, %dma_start3A_53] : memref<160000x128xf32, #tpu.memory_space<hbm>> -> memref<8x128xf32, #tpu.memory_space<hbm>>
      tpu.enqueue_dma source(%dma_start3A_54 : memref<8x128xf32, #tpu.memory_space<hbm>>) target(%arg11 : memref<8x128xf32, #tpu.memory_space<vmem>>) target_semaphore(%run_scoped3A : memref<!tpu.dma_semaphore, #tpu.memory_space<semaphore_mem>>)
      %dma_wait3A_55 = arith.constant 0 : i32
      %dma_wait3A_56 = tpu.memref_slice %arg2[%add3A_43, %dma_wait3A_55] : memref<160000x128xf32, #tpu.memory_space<hbm>> -> memref<8x128xf32, #tpu.memory_space<hbm>>
      %dma_wait3A_57 = arith.constant 0 : i32
      %dma_wait3A_58 = tpu.memref_slice %arg2[%add3A_43, %dma_wait3A_57] : memref<160000x128xf32, #tpu.memory_space<hbm>> -> memref<8x128xf32, #tpu.memory_space<hbm>>
      tpu.wait_dma2 semaphore(%run_scoped3A : memref<!tpu.dma_semaphore, #tpu.memory_space<semaphore_mem>>) src(%dma_wait3A_58 : memref<8x128xf32, #tpu.memory_space<hbm>>) dst(%arg11 : memref<8x128xf32, #tpu.memory_space<vmem>>)
      tpu.yield
    }) : () -> ()
    "tpu.region"() ({
      %run_scoped3A = tpu.sem_alloc : memref<!tpu.dma_semaphore, #tpu.memory_space<semaphore_mem>>
      %dma_start3A_51 = arith.constant 0 : i32
      %dma_start3A_52 = arith.constant 0 : i32
      %dma_start3A_53 = tpu.memref_slice %arg5[%dma_start3A_51, %dma_start3A_52] : memref<10240x128xf32, #tpu.memory_space<vmem_shared>> -> memref<10240x128xf32, #tpu.memory_space<vmem_shared>>
      tpu.enqueue_indirect_dma source(%arg11 : memref<8x128xf32, #tpu.memory_space<vmem>>) target(%dma_start3A_53 : memref<10240x128xf32, #tpu.memory_space<vmem_shared>>) offsets(%arg10 : memref<8xi32, #tpu.memory_space<vmem>>) semaphore(%run_scoped3A : memref<!tpu.dma_semaphore, #tpu.memory_space<semaphore_mem>>) {add = true}
      %dma_wait3A_54 = arith.constant 0 : i32
      %dma_wait3A_55 = arith.constant 0 : i32
      %dma_wait3A_56 = tpu.memref_slice %arg5[%dma_wait3A_54, %dma_wait3A_55] : memref<10240x128xf32, #tpu.memory_space<vmem_shared>> -> memref<10240x128xf32, #tpu.memory_space<vmem_shared>>
      tpu.wait_indirect_dma semaphore(%run_scoped3A : memref<!tpu.dma_semaphore, #tpu.memory_space<semaphore_mem>>) src(%arg11 : memref<8x128xf32, #tpu.memory_space<vmem>>) dst(%dma_wait3A_56 : memref<10240x128xf32, #tpu.memory_space<vmem_shared>>)
      tpu.yield
    }) : () -> ()
    %barrier3A_44 = arith.constant 0 : index
    tpu.barrier barrier_id(%barrier3A_44)
    %scan3A_45 = arith.constant 0 : i32
    %scan3A_46 = arith.constant 0 : i32
    %scan3A_47 = arith.constant 5 : i32
    %scan3A_48 = arith.addi %scan3A_46, %scan3A_47 : i32
    %scan3A_49 = arith.constant 1 : i32
    scf.for %scan3A_51 = %scan3A_46 to %scan3A_48 step %scan3A_49  : i32 {
      %mul3A_52 = arith.constant 640 : i32
      %mul3A_53 = arith.muli %arg1, %mul3A_52 : i32
      %mul3A_54 = arith.constant 128 : i32
      %mul3A_55 = arith.muli %scan3A_51, %mul3A_54 : i32
      %add3A_56 = arith.addi %mul3A_53, %mul3A_55 : i32
      "tpu.region"() ({
        %run_scoped3A = tpu.sem_alloc : memref<!tpu.dma_semaphore, #tpu.memory_space<semaphore_mem>>
        %dma_start3A_57 = arith.constant 0 : i32
        %dma_start3A_58 = tpu.memref_slice %arg5[%add3A_56, %dma_start3A_57] : memref<10240x128xf32, #tpu.memory_space<vmem_shared>> -> memref<128x128xf32, #tpu.memory_space<vmem_shared>>
        %dma_start3A_59 = arith.constant 0 : i32
        %dma_start3A_60 = tpu.memref_slice %arg5[%add3A_56, %dma_start3A_59] : memref<10240x128xf32, #tpu.memory_space<vmem_shared>> -> memref<128x128xf32, #tpu.memory_space<vmem_shared>>
        tpu.enqueue_dma source(%dma_start3A_60 : memref<128x128xf32, #tpu.memory_space<vmem_shared>>) target(%arg7 : memref<128x128xf32, #tpu.memory_space<vmem>>) target_semaphore(%run_scoped3A : memref<!tpu.dma_semaphore, #tpu.memory_space<semaphore_mem>>)
        %dma_wait3A_61 = arith.constant 0 : i32
        %dma_wait3A_62 = tpu.memref_slice %arg5[%add3A_56, %dma_wait3A_61] : memref<10240x128xf32, #tpu.memory_space<vmem_shared>> -> memref<128x128xf32, #tpu.memory_space<vmem_shared>>
        %dma_wait3A_63 = arith.constant 0 : i32
        %dma_wait3A_64 = tpu.memref_slice %arg5[%add3A_56, %dma_wait3A_63] : memref<10240x128xf32, #tpu.memory_space<vmem_shared>> -> memref<128x128xf32, #tpu.memory_space<vmem_shared>>
        tpu.wait_dma2 semaphore(%run_scoped3A : memref<!tpu.dma_semaphore, #tpu.memory_space<semaphore_mem>>) src(%dma_wait3A_64 : memref<128x128xf32, #tpu.memory_space<vmem_shared>>) dst(%arg7 : memref<128x128xf32, #tpu.memory_space<vmem>>)
        tpu.yield
      }) : () -> ()
      "tpu.region"() ({
        %run_scoped3A = tpu.sem_alloc : memref<!tpu.dma_semaphore, #tpu.memory_space<semaphore_mem>>
        %dma_start3A_57 = arith.constant 0 : i32
        %dma_start3A_58 = tpu.memref_slice %arg4[%arg0, %add3A_56, %dma_start3A_57] : memref<2x10240x128xf32, #tpu.memory_space<hbm>> -> memref<1x128x128xf32, #tpu.memory_space<hbm>>
        %dma_start3A_59 = tpu.memref_squeeze %dma_start3A_58 : memref<1x128x128xf32, #tpu.memory_space<hbm>> -> memref<128x128xf32, #tpu.memory_space<hbm>>
        %dma_start3A_60 = arith.constant 0 : i32
        %dma_start3A_61 = tpu.memref_slice %arg4[%arg0, %add3A_56, %dma_start3A_60] : memref<2x10240x128xf32, #tpu.memory_space<hbm>> -> memref<1x128x128xf32, #tpu.memory_space<hbm>>
        %dma_start3A_62 = tpu.memref_squeeze %dma_start3A_61 : memref<1x128x128xf32, #tpu.memory_space<hbm>> -> memref<128x128xf32, #tpu.memory_space<hbm>>
        tpu.enqueue_dma source(%arg7 : memref<128x128xf32, #tpu.memory_space<vmem>>) target(%dma_start3A_62 : memref<128x128xf32, #tpu.memory_space<hbm>>) target_semaphore(%run_scoped3A : memref<!tpu.dma_semaphore, #tpu.memory_space<semaphore_mem>>)
        %dma_wait3A_63 = arith.constant 0 : i32
        %dma_wait3A_64 = tpu.memref_slice %arg4[%arg0, %add3A_56, %dma_wait3A_63] : memref<2x10240x128xf32, #tpu.memory_space<hbm>> -> memref<1x128x128xf32, #tpu.memory_space<hbm>>
        %dma_wait3A_65 = tpu.memref_squeeze %dma_wait3A_64 : memref<1x128x128xf32, #tpu.memory_space<hbm>> -> memref<128x128xf32, #tpu.memory_space<hbm>>
        %dma_wait3A_66 = arith.constant 0 : i32
        %dma_wait3A_67 = tpu.memref_slice %arg4[%arg0, %add3A_56, %dma_wait3A_66] : memref<2x10240x128xf32, #tpu.memory_space<hbm>> -> memref<1x128x128xf32, #tpu.memory_space<hbm>>
        %dma_wait3A_68 = tpu.memref_squeeze %dma_wait3A_67 : memref<1x128x128xf32, #tpu.memory_space<hbm>> -> memref<128x128xf32, #tpu.memory_space<hbm>>
        tpu.wait_dma2 semaphore(%run_scoped3A : memref<!tpu.dma_semaphore, #tpu.memory_space<semaphore_mem>>) src(%arg7 : memref<128x128xf32, #tpu.memory_space<vmem>>) dst(%dma_wait3A_68 : memref<128x128xf32, #tpu.memory_space<hbm>>)
        tpu.yield
      }) : () -> ()
    }
    %scan3A_50 = arith.constant 5 : i32
    return
  }
}

#map = affine_map<(d0, d1) -> (0, 0)>
#map1 = affine_map<(d0, d1) -> (0)>
#map2 = affine_map<(d0, d1) -> (0, 0, 0)>
module attributes {stable_mosaic.version = 14 : i64} {
  func.func @_sc_body(%arg0: i32, %arg1: i32, %arg2: memref<160000x128xf32, #tpu.memory_space<hbm>>, %arg3: memref<320000xi32, #tpu.memory_space<hbm>>, %arg4: memref<2x10240x128xf32, #tpu.memory_space<hbm>>, %arg5: memref<10240x128xf32, #tpu.memory_space<vmem_shared>>, %arg6: memref<128xi32, #tpu.memory_space<vmem>>, %arg7: memref<128x128xf32, #tpu.memory_space<vmem>>, %arg8: memref<128xi32, #tpu.memory_space<vmem>>, %arg9: memref<128x128xf32, #tpu.memory_space<vmem>>, %arg10: memref<8xi32, #tpu.memory_space<vmem>>, %arg11: memref<8x128xf32, #tpu.memory_space<vmem>>, %arg12: memref<!tpu.dma_semaphore, #tpu.memory_space<semaphore_mem>>, %arg13: memref<!tpu.dma_semaphore, #tpu.memory_space<semaphore_mem>>, %arg14: memref<!tpu.dma_semaphore, #tpu.memory_space<semaphore_mem>>, %arg15: memref<!tpu.dma_semaphore, #tpu.memory_space<semaphore_mem>>) attributes {dimension_semantics = [#tpu.dimension_semantics<core_parallel>, #tpu.dimension_semantics<subcore_parallel>], iteration_bounds = array<i64: 2, 16>, scalar_prefetch = 0 : i64, scratch_operands = 11 : i64, tpu.core_type = #tpu.core_type<sc_vector_subcore>, window_params = [{transform_indices = #map}, {transform_indices = #map1}, {transform_indices = #map2}]} {
    %mul3A = arith.constant 16 : i32
    %mul3A_0 = arith.muli %arg0, %mul3A : i32
    %add3A = arith.addi %mul3A_0, %arg1 : i32
    %scan3A = arith.constant 0 : i32
    %scan3A_1 = arith.constant 0 : i32
    %scan3A_2 = arith.constant 128 : i32
    %scan3A_3 = arith.addi %scan3A_1, %scan3A_2 : i32
    %scan3A_4 = arith.constant 1 : i32
    scf.for %scan3A_51 = %scan3A_1 to %scan3A_3 step %scan3A_4  : i32 {
      %scan3A_52 = arith.constant 0 : i32
      %scan3A_53 = arith.constant 0 : i32
      %scan3A_54 = arith.constant 8 : i32
      %scan3A_55 = arith.addi %scan3A_53, %scan3A_54 : i32
      %scan3A_56 = arith.constant 1 : i32
      scf.for %scan3A_58 = %scan3A_53 to %scan3A_55 step %scan3A_56  : i32 {
        %broadcast_in_dim3A = arith.constant 0.000000e+00 : f32
        %broadcast_in_dim3A_59 = vector.broadcast %broadcast_in_dim3A : f32 to vector<16xf32>
        %mul3A_60 = arith.constant 16 : i32
        %mul3A_61 = arith.muli %scan3A_58, %mul3A_60 : i32
        %swap3A = arith.index_cast %scan3A_51 : i32 to index
        %swap3A_62 = arith.index_cast %mul3A_61 : i32 to index
        %swap3A_63 = tpu.vector_load %arg7[%swap3A, %swap3A_62] {strides = array<i32>} : memref<128x128xf32, #tpu.memory_space<vmem>>, vector<1x16xf32>,
        %swap3A_64 = vector.shape_cast %swap3A_63 : vector<1x16xf32> to vector<16xf32>
        %swap3A_65 = vector.shape_cast %broadcast_in_dim3A_59 : vector<16xf32> to vector<1x16xf32>
        tpu.vector_store %arg7[%swap3A, %swap3A_62], %swap3A_65 {strides = array<i32>} : memref<128x128xf32, #tpu.memory_space<vmem>>, vector<1x16xf32>,
      }
      %scan3A_57 = arith.constant 8 : i32
    }
    %scan3A_5 = arith.constant 128 : i32
    %scan3A_6 = arith.constant 0 : i32
    %scan3A_7 = arith.constant 0 : i32
    %scan3A_8 = arith.constant 5 : i32
    %scan3A_9 = arith.addi %scan3A_7, %scan3A_8 : i32
    %scan3A_10 = arith.constant 1 : i32
    scf.for %scan3A_51 = %scan3A_7 to %scan3A_9 step %scan3A_10  : i32 {
      %mul3A_52 = arith.constant 640 : i32
      %mul3A_53 = arith.muli %arg1, %mul3A_52 : i32
      %mul3A_54 = arith.constant 128 : i32
      %mul3A_55 = arith.muli %scan3A_51, %mul3A_54 : i32
      %add3A_56 = arith.addi %mul3A_53, %mul3A_55 : i32
      "tpu.region"() ({
        %run_scoped3A = tpu.sem_alloc : memref<!tpu.dma_semaphore, #tpu.memory_space<semaphore_mem>>
        %dma_start3A_57 = arith.constant 0 : i32
        %dma_start3A_58 = tpu.memref_slice %arg5[%add3A_56, %dma_start3A_57] : memref<10240x128xf32, #tpu.memory_space<vmem_shared>> -> memref<128x128xf32, #tpu.memory_space<vmem_shared>>
        %dma_start3A_59 = arith.constant 0 : i32
        %dma_start3A_60 = tpu.memref_slice %arg5[%add3A_56, %dma_start3A_59] : memref<10240x128xf32, #tpu.memory_space<vmem_shared>> -> memref<128x128xf32, #tpu.memory_space<vmem_shared>>
        tpu.enqueue_dma source(%arg7 : memref<128x128xf32, #tpu.memory_space<vmem>>) target(%dma_start3A_60 : memref<128x128xf32, #tpu.memory_space<vmem_shared>>) target_semaphore(%run_scoped3A : memref<!tpu.dma_semaphore, #tpu.memory_space<semaphore_mem>>)
        %dma_wait3A_61 = arith.constant 0 : i32
        %dma_wait3A_62 = tpu.memref_slice %arg5[%add3A_56, %dma_wait3A_61] : memref<10240x128xf32, #tpu.memory_space<vmem_shared>> -> memref<128x128xf32, #tpu.memory_space<vmem_shared>>
        %dma_wait3A_63 = arith.constant 0 : i32
        %dma_wait3A_64 = tpu.memref_slice %arg5[%add3A_56, %dma_wait3A_63] : memref<10240x128xf32, #tpu.memory_space<vmem_shared>> -> memref<128x128xf32, #tpu.memory_space<vmem_shared>>
        tpu.wait_dma2 semaphore(%run_scoped3A : memref<!tpu.dma_semaphore, #tpu.memory_space<semaphore_mem>>) src(%arg7 : memref<128x128xf32, #tpu.memory_space<vmem>>) dst(%dma_wait3A_64 : memref<128x128xf32, #tpu.memory_space<vmem_shared>>)
        tpu.yield
      }) : () -> ()
    }
    %scan3A_11 = arith.constant 5 : i32
    %barrier3A = arith.constant 0 : index
    tpu.barrier barrier_id(%barrier3A)
    %mul3A_12 = arith.constant 5000 : i32
    %mul3A_13 = arith.muli %add3A, %mul3A_12 : i32
    %add3A_14 = arith.constant 160000 : i32
    %add3A_15 = arith.addi %add3A_14, %mul3A_13 : i32
    %add3A_16 = arith.constant 0 : i32
    %add3A_17 = arith.addi %add3A_15, %add3A_16 : i32
    %dma_start3A = tpu.memref_slice %arg3[%add3A_17] : memref<320000xi32, #tpu.memory_space<hbm>> -> memref<128xi32, #tpu.memory_space<hbm>>
    %dma_start3A_18 = tpu.memref_slice %arg3[%add3A_17] : memref<320000xi32, #tpu.memory_space<hbm>> -> memref<128xi32, #tpu.memory_space<hbm>>
    tpu.enqueue_dma source(%dma_start3A_18 : memref<128xi32, #tpu.memory_space<hbm>>) target(%arg6 : memref<128xi32, #tpu.memory_space<vmem>>) target_semaphore(%arg12 : memref<!tpu.dma_semaphore, #tpu.memory_space<semaphore_mem>>)
    %add3A_19 = arith.constant 0 : i32
    %add3A_20 = arith.addi %mul3A_13, %add3A_19 : i32
    %dma_start3A_21 = arith.constant 0 : i32
    %dma_start3A_22 = tpu.memref_slice %arg2[%add3A_20, %dma_start3A_21] : memref<160000x128xf32, #tpu.memory_space<hbm>> -> memref<128x128xf32, #tpu.memory_space<hbm>>
    %dma_start3A_23 = arith.constant 0 : i32
    %dma_start3A_24 = tpu.memref_slice %arg2[%add3A_20, %dma_start3A_23] : memref<160000x128xf32, #tpu.memory_space<hbm>> -> memref<128x128xf32, #tpu.memory_space<hbm>>
    tpu.enqueue_dma source(%dma_start3A_24 : memref<128x128xf32, #tpu.memory_space<hbm>>) target(%arg7 : memref<128x128xf32, #tpu.memory_space<vmem>>) target_semaphore(%arg13 : memref<!tpu.dma_semaphore, #tpu.memory_space<semaphore_mem>>)
    %scan3A_25 = arith.constant 0 : i32
    %scan3A_26 = arith.constant 0 : i32
    %scan3A_27 = arith.constant 19 : i32
    %scan3A_28 = arith.addi %scan3A_26, %scan3A_27 : i32
    %scan3A_29 = arith.constant 1 : i32
    scf.for %scan3A_51 = %scan3A_26 to %scan3A_28 step %scan3A_29  : i32 {
      %mul3A_52 = arith.constant 2 : i32
      %mul3A_53 = arith.muli %mul3A_52, %scan3A_51 : i32
      %mul3A_54 = arith.constant 128 : i32
      %mul3A_55 = arith.muli %mul3A_53, %mul3A_54 : i32
      %add3A_56 = arith.addi %add3A_15, %mul3A_55 : i32
      %dma_wait3A_57 = tpu.memref_slice %arg3[%add3A_56] : memref<320000xi32, #tpu.memory_space<hbm>> -> memref<128xi32, #tpu.memory_space<hbm>>
      %dma_wait3A_58 = tpu.memref_slice %arg3[%add3A_56] : memref<320000xi32, #tpu.memory_space<hbm>> -> memref<128xi32, #tpu.memory_space<hbm>>
      tpu.wait_dma2 semaphore(%arg12 : memref<!tpu.dma_semaphore, #tpu.memory_space<semaphore_mem>>) src(%dma_wait3A_58 : memref<128xi32, #tpu.memory_space<hbm>>) dst(%arg6 : memref<128xi32, #tpu.memory_space<vmem>>)
      %mul3A_59 = arith.constant 128 : i32
      %mul3A_60 = arith.muli %mul3A_53, %mul3A_59 : i32
      %add3A_61 = arith.addi %mul3A_13, %mul3A_60 : i32
      %dma_wait3A_62 = arith.constant 0 : i32
      %dma_wait3A_63 = tpu.memref_slice %arg2[%add3A_61, %dma_wait3A_62] : memref<160000x128xf32, #tpu.memory_space<hbm>> -> memref<128x128xf32, #tpu.memory_space<hbm>>
      %dma_wait3A_64 = arith.constant 0 : i32
      %dma_wait3A_65 = tpu.memref_slice %arg2[%add3A_61, %dma_wait3A_64] : memref<160000x128xf32, #tpu.memory_space<hbm>> -> memref<128x128xf32, #tpu.memory_space<hbm>>
      tpu.wait_dma2 semaphore(%arg13 : memref<!tpu.dma_semaphore, #tpu.memory_space<semaphore_mem>>) src(%dma_wait3A_65 : memref<128x128xf32, #tpu.memory_space<hbm>>) dst(%arg7 : memref<128x128xf32, #tpu.memory_space<vmem>>)
      %add3A_66 = arith.constant 1 : i32
      %add3A_67 = arith.addi %mul3A_53, %add3A_66 : i32
      %mul3A_68 = arith.constant 128 : i32
      %mul3A_69 = arith.muli %add3A_67, %mul3A_68 : i32
      %add3A_70 = arith.addi %add3A_15, %mul3A_69 : i32
      %dma_start3A_71 = tpu.memref_slice %arg3[%add3A_70] : memref<320000xi32, #tpu.memory_space<hbm>> -> memref<128xi32, #tpu.memory_space<hbm>>
      %dma_start3A_72 = tpu.memref_slice %arg3[%add3A_70] : memref<320000xi32, #tpu.memory_space<hbm>> -> memref<128xi32, #tpu.memory_space<hbm>>
      tpu.enqueue_dma source(%dma_start3A_72 : memref<128xi32, #tpu.memory_space<hbm>>) target(%arg8 : memref<128xi32, #tpu.memory_space<vmem>>) target_semaphore(%arg14 : memref<!tpu.dma_semaphore, #tpu.memory_space<semaphore_mem>>)
      %mul3A_73 = arith.constant 128 : i32
      %mul3A_74 = arith.muli %add3A_67, %mul3A_73 : i32
      %add3A_75 = arith.addi %mul3A_13, %mul3A_74 : i32
      %dma_start3A_76 = arith.constant 0 : i32
      %dma_start3A_77 = tpu.memref_slice %arg2[%add3A_75, %dma_start3A_76] : memref<160000x128xf32, #tpu.memory_space<hbm>> -> memref<128x128xf32, #tpu.memory_space<hbm>>
      %dma_start3A_78 = arith.constant 0 : i32
      %dma_start3A_79 = tpu.memref_slice %arg2[%add3A_75, %dma_start3A_78] : memref<160000x128xf32, #tpu.memory_space<hbm>> -> memref<128x128xf32, #tpu.memory_space<hbm>>
      tpu.enqueue_dma source(%dma_start3A_79 : memref<128x128xf32, #tpu.memory_space<hbm>>) target(%arg9 : memref<128x128xf32, #tpu.memory_space<vmem>>) target_semaphore(%arg15 : memref<!tpu.dma_semaphore, #tpu.memory_space<semaphore_mem>>)
      "tpu.region"() ({
        %run_scoped3A = tpu.sem_alloc : memref<!tpu.dma_semaphore, #tpu.memory_space<semaphore_mem>>
        %dma_start3A_108 = arith.constant 0 : i32
        %dma_start3A_109 = arith.constant 0 : i32
        %dma_start3A_110 = tpu.memref_slice %arg5[%dma_start3A_108, %dma_start3A_109] : memref<10240x128xf32, #tpu.memory_space<vmem_shared>> -> memref<10240x128xf32, #tpu.memory_space<vmem_shared>>
        tpu.enqueue_indirect_dma source(%arg7 : memref<128x128xf32, #tpu.memory_space<vmem>>) target(%dma_start3A_110 : memref<10240x128xf32, #tpu.memory_space<vmem_shared>>) offsets(%arg6 : memref<128xi32, #tpu.memory_space<vmem>>) semaphore(%run_scoped3A : memref<!tpu.dma_semaphore, #tpu.memory_space<semaphore_mem>>) {add = true}
        %dma_wait3A_111 = arith.constant 0 : i32
        %dma_wait3A_112 = arith.constant 0 : i32
        %dma_wait3A_113 = tpu.memref_slice %arg5[%dma_wait3A_111, %dma_wait3A_112] : memref<10240x128xf32, #tpu.memory_space<vmem_shared>> -> memref<10240x128xf32, #tpu.memory_space<vmem_shared>>
        tpu.wait_indirect_dma semaphore(%run_scoped3A : memref<!tpu.dma_semaphore, #tpu.memory_space<semaphore_mem>>) src(%arg7 : memref<128x128xf32, #tpu.memory_space<vmem>>) dst(%dma_wait3A_113 : memref<10240x128xf32, #tpu.memory_space<vmem_shared>>)
        tpu.yield
      }) : () -> ()
      %add3A_80 = arith.constant 1 : i32
      %add3A_81 = arith.addi %mul3A_53, %add3A_80 : i32
      %mul3A_82 = arith.constant 128 : i32
      %mul3A_83 = arith.muli %add3A_81, %mul3A_82 : i32
      %add3A_84 = arith.addi %add3A_15, %mul3A_83 : i32
      %dma_wait3A_85 = tpu.memref_slice %arg3[%add3A_84] : memref<320000xi32, #tpu.memory_space<hbm>> -> memref<128xi32, #tpu.memory_space<hbm>>
      %dma_wait3A_86 = tpu.memref_slice %arg3[%add3A_84] : memref<320000xi32, #tpu.memory_space<hbm>> -> memref<128xi32, #tpu.memory_space<hbm>>
      tpu.wait_dma2 semaphore(%arg14 : memref<!tpu.dma_semaphore, #tpu.memory_space<semaphore_mem>>) src(%dma_wait3A_86 : memref<128xi32, #tpu.memory_space<hbm>>) dst(%arg8 : memref<128xi32, #tpu.memory_space<vmem>>)
      %mul3A_87 = arith.constant 128 : i32
      %mul3A_88 = arith.muli %add3A_81, %mul3A_87 : i32
      %add3A_89 = arith.addi %mul3A_13, %mul3A_88 : i32
      %dma_wait3A_90 = arith.constant 0 : i32
      %dma_wait3A_91 = tpu.memref_slice %arg2[%add3A_89, %dma_wait3A_90] : memref<160000x128xf32, #tpu.memory_space<hbm>> -> memref<128x128xf32, #tpu.memory_space<hbm>>
      %dma_wait3A_92 = arith.constant 0 : i32
      %dma_wait3A_93 = tpu.memref_slice %arg2[%add3A_89, %dma_wait3A_92] : memref<160000x128xf32, #tpu.memory_space<hbm>> -> memref<128x128xf32, #tpu.memory_space<hbm>>
      tpu.wait_dma2 semaphore(%arg15 : memref<!tpu.dma_semaphore, #tpu.memory_space<semaphore_mem>>) src(%dma_wait3A_93 : memref<128x128xf32, #tpu.memory_space<hbm>>) dst(%arg9 : memref<128x128xf32, #tpu.memory_space<vmem>>)
      %add3A_94 = arith.constant 2 : i32
      %add3A_95 = arith.addi %mul3A_53, %add3A_94 : i32
      %mul3A_96 = arith.constant 128 : i32
      %mul3A_97 = arith.muli %add3A_95, %mul3A_96 : i32
      %add3A_98 = arith.addi %add3A_15, %mul3A_97 : i32
      %dma_start3A_99 = tpu.memref_slice %arg3[%add3A_98] : memref<320000xi32, #tpu.memory_space<hbm>> -> memref<128xi32, #tpu.memory_space<hbm>>
      %dma_start3A_100 = tpu.memref_slice %arg3[%add3A_98] : memref<320000xi32, #tpu.memory_space<hbm>> -> memref<128xi32, #tpu.memory_space<hbm>>
      tpu.enqueue_dma source(%dma_start3A_100 : memref<128xi32, #tpu.memory_space<hbm>>) target(%arg6 : memref<128xi32, #tpu.memory_space<vmem>>) target_semaphore(%arg12 : memref<!tpu.dma_semaphore, #tpu.memory_space<semaphore_mem>>)
      %mul3A_101 = arith.constant 128 : i32
      %mul3A_102 = arith.muli %add3A_95, %mul3A_101 : i32
      %add3A_103 = arith.addi %mul3A_13, %mul3A_102 : i32
      %dma_start3A_104 = arith.constant 0 : i32
      %dma_start3A_105 = tpu.memref_slice %arg2[%add3A_103, %dma_start3A_104] : memref<160000x128xf32, #tpu.memory_space<hbm>> -> memref<128x128xf32, #tpu.memory_space<hbm>>
      %dma_start3A_106 = arith.constant 0 : i32
      %dma_start3A_107 = tpu.memref_slice %arg2[%add3A_103, %dma_start3A_106] : memref<160000x128xf32, #tpu.memory_space<hbm>> -> memref<128x128xf32, #tpu.memory_space<hbm>>
      tpu.enqueue_dma source(%dma_start3A_107 : memref<128x128xf32, #tpu.memory_space<hbm>>) target(%arg7 : memref<128x128xf32, #tpu.memory_space<vmem>>) target_semaphore(%arg13 : memref<!tpu.dma_semaphore, #tpu.memory_space<semaphore_mem>>)
      "tpu.region"() ({
        %run_scoped3A = tpu.sem_alloc : memref<!tpu.dma_semaphore, #tpu.memory_space<semaphore_mem>>
        %dma_start3A_108 = arith.constant 0 : i32
        %dma_start3A_109 = arith.constant 0 : i32
        %dma_start3A_110 = tpu.memref_slice %arg5[%dma_start3A_108, %dma_start3A_109] : memref<10240x128xf32, #tpu.memory_space<vmem_shared>> -> memref<10240x128xf32, #tpu.memory_space<vmem_shared>>
        tpu.enqueue_indirect_dma source(%arg9 : memref<128x128xf32, #tpu.memory_space<vmem>>) target(%dma_start3A_110 : memref<10240x128xf32, #tpu.memory_space<vmem_shared>>) offsets(%arg8 : memref<128xi32, #tpu.memory_space<vmem>>) semaphore(%run_scoped3A : memref<!tpu.dma_semaphore, #tpu.memory_space<semaphore_mem>>) {add = true}
        %dma_wait3A_111 = arith.constant 0 : i32
        %dma_wait3A_112 = arith.constant 0 : i32
        %dma_wait3A_113 = tpu.memref_slice %arg5[%dma_wait3A_111, %dma_wait3A_112] : memref<10240x128xf32, #tpu.memory_space<vmem_shared>> -> memref<10240x128xf32, #tpu.memory_space<vmem_shared>>
        tpu.wait_indirect_dma semaphore(%run_scoped3A : memref<!tpu.dma_semaphore, #tpu.memory_space<semaphore_mem>>) src(%arg9 : memref<128x128xf32, #tpu.memory_space<vmem>>) dst(%dma_wait3A_113 : memref<10240x128xf32, #tpu.memory_space<vmem_shared>>)
        tpu.yield
      }) : () -> ()
    }
    %scan3A_30 = arith.constant 19 : i32
    %add3A_31 = arith.constant 4864 : i32
    %add3A_32 = arith.addi %add3A_15, %add3A_31 : i32
    %dma_wait3A = tpu.memref_slice %arg3[%add3A_32] : memref<320000xi32, #tpu.memory_space<hbm>> -> memref<128xi32, #tpu.memory_space<hbm>>
    %dma_wait3A_33 = tpu.memref_slice %arg3[%add3A_32] : memref<320000xi32, #tpu.memory_space<hbm>> -> memref<128xi32, #tpu.memory_space<hbm>>
    tpu.wait_dma2 semaphore(%arg12 : memref<!tpu.dma_semaphore, #tpu.memory_space<semaphore_mem>>) src(%dma_wait3A_33 : memref<128xi32, #tpu.memory_space<hbm>>) dst(%arg6 : memref<128xi32, #tpu.memory_space<vmem>>)
    %add3A_34 = arith.constant 4864 : i32
    %add3A_35 = arith.addi %mul3A_13, %add3A_34 : i32
    %dma_wait3A_36 = arith.constant 0 : i32
    %dma_wait3A_37 = tpu.memref_slice %arg2[%add3A_35, %dma_wait3A_36] : memref<160000x128xf32, #tpu.memory_space<hbm>> -> memref<128x128xf32, #tpu.memory_space<hbm>>
    %dma_wait3A_38 = arith.constant 0 : i32
    %dma_wait3A_39 = tpu.memref_slice %arg2[%add3A_35, %dma_wait3A_38] : memref<160000x128xf32, #tpu.memory_space<hbm>> -> memref<128x128xf32, #tpu.memory_space<hbm>>
    tpu.wait_dma2 semaphore(%arg13 : memref<!tpu.dma_semaphore, #tpu.memory_space<semaphore_mem>>) src(%dma_wait3A_39 : memref<128x128xf32, #tpu.memory_space<hbm>>) dst(%arg7 : memref<128x128xf32, #tpu.memory_space<vmem>>)
    "tpu.region"() ({
      %run_scoped3A = tpu.sem_alloc : memref<!tpu.dma_semaphore, #tpu.memory_space<semaphore_mem>>
      %dma_start3A_51 = arith.constant 0 : i32
      %dma_start3A_52 = arith.constant 0 : i32
      %dma_start3A_53 = tpu.memref_slice %arg5[%dma_start3A_51, %dma_start3A_52] : memref<10240x128xf32, #tpu.memory_space<vmem_shared>> -> memref<10240x128xf32, #tpu.memory_space<vmem_shared>>
      tpu.enqueue_indirect_dma source(%arg7 : memref<128x128xf32, #tpu.memory_space<vmem>>) target(%dma_start3A_53 : memref<10240x128xf32, #tpu.memory_space<vmem_shared>>) offsets(%arg6 : memref<128xi32, #tpu.memory_space<vmem>>) semaphore(%run_scoped3A : memref<!tpu.dma_semaphore, #tpu.memory_space<semaphore_mem>>) {add = true}
      %dma_wait3A_54 = arith.constant 0 : i32
      %dma_wait3A_55 = arith.constant 0 : i32
      %dma_wait3A_56 = tpu.memref_slice %arg5[%dma_wait3A_54, %dma_wait3A_55] : memref<10240x128xf32, #tpu.memory_space<vmem_shared>> -> memref<10240x128xf32, #tpu.memory_space<vmem_shared>>
      tpu.wait_indirect_dma semaphore(%run_scoped3A : memref<!tpu.dma_semaphore, #tpu.memory_space<semaphore_mem>>) src(%arg7 : memref<128x128xf32, #tpu.memory_space<vmem>>) dst(%dma_wait3A_56 : memref<10240x128xf32, #tpu.memory_space<vmem_shared>>)
      tpu.yield
    }) : () -> ()
    %add3A_40 = arith.constant 4992 : i32
    %add3A_41 = arith.addi %add3A_15, %add3A_40 : i32
    "tpu.region"() ({
      %run_scoped3A = tpu.sem_alloc : memref<!tpu.dma_semaphore, #tpu.memory_space<semaphore_mem>>
      %dma_start3A_51 = tpu.memref_slice %arg3[%add3A_41] : memref<320000xi32, #tpu.memory_space<hbm>> -> memref<8xi32, #tpu.memory_space<hbm>>
      %dma_start3A_52 = tpu.memref_slice %arg3[%add3A_41] : memref<320000xi32, #tpu.memory_space<hbm>> -> memref<8xi32, #tpu.memory_space<hbm>>
      tpu.enqueue_dma source(%dma_start3A_52 : memref<8xi32, #tpu.memory_space<hbm>>) target(%arg10 : memref<8xi32, #tpu.memory_space<vmem>>) target_semaphore(%run_scoped3A : memref<!tpu.dma_semaphore, #tpu.memory_space<semaphore_mem>>)
      %dma_wait3A_53 = tpu.memref_slice %arg3[%add3A_41] : memref<320000xi32, #tpu.memory_space<hbm>> -> memref<8xi32, #tpu.memory_space<hbm>>
      %dma_wait3A_54 = tpu.memref_slice %arg3[%add3A_41] : memref<320000xi32, #tpu.memory_space<hbm>> -> memref<8xi32, #tpu.memory_space<hbm>>
      tpu.wait_dma2 semaphore(%run_scoped3A : memref<!tpu.dma_semaphore, #tpu.memory_space<semaphore_mem>>) src(%dma_wait3A_54 : memref<8xi32, #tpu.memory_space<hbm>>) dst(%arg10 : memref<8xi32, #tpu.memory_space<vmem>>)
      tpu.yield
    }) : () -> ()
    %add3A_42 = arith.constant 4992 : i32
    %add3A_43 = arith.addi %mul3A_13, %add3A_42 : i32
    "tpu.region"() ({
      %run_scoped3A = tpu.sem_alloc : memref<!tpu.dma_semaphore, #tpu.memory_space<semaphore_mem>>
      %dma_start3A_51 = arith.constant 0 : i32
      %dma_start3A_52 = tpu.memref_slice %arg2[%add3A_43, %dma_start3A_51] : memref<160000x128xf32, #tpu.memory_space<hbm>> -> memref<8x128xf32, #tpu.memory_space<hbm>>
      %dma_start3A_53 = arith.constant 0 : i32
      %dma_start3A_54 = tpu.memref_slice %arg2[%add3A_43, %dma_start3A_53] : memref<160000x128xf32, #tpu.memory_space<hbm>> -> memref<8x128xf32, #tpu.memory_space<hbm>>
      tpu.enqueue_dma source(%dma_start3A_54 : memref<8x128xf32, #tpu.memory_space<hbm>>) target(%arg11 : memref<8x128xf32, #tpu.memory_space<vmem>>) target_semaphore(%run_scoped3A : memref<!tpu.dma_semaphore, #tpu.memory_space<semaphore_mem>>)
      %dma_wait3A_55 = arith.constant 0 : i32
      %dma_wait3A_56 = tpu.memref_slice %arg2[%add3A_43, %dma_wait3A_55] : memref<160000x128xf32, #tpu.memory_space<hbm>> -> memref<8x128xf32, #tpu.memory_space<hbm>>
      %dma_wait3A_57 = arith.constant 0 : i32
      %dma_wait3A_58 = tpu.memref_slice %arg2[%add3A_43, %dma_wait3A_57] : memref<160000x128xf32, #tpu.memory_space<hbm>> -> memref<8x128xf32, #tpu.memory_space<hbm>>
      tpu.wait_dma2 semaphore(%run_scoped3A : memref<!tpu.dma_semaphore, #tpu.memory_space<semaphore_mem>>) src(%dma_wait3A_58 : memref<8x128xf32, #tpu.memory_space<hbm>>) dst(%arg11 : memref<8x128xf32, #tpu.memory_space<vmem>>)
      tpu.yield
    }) : () -> ()
    "tpu.region"() ({
      %run_scoped3A = tpu.sem_alloc : memref<!tpu.dma_semaphore, #tpu.memory_space<semaphore_mem>>
      %dma_start3A_51 = arith.constant 0 : i32
      %dma_start3A_52 = arith.constant 0 : i32
      %dma_start3A_53 = tpu.memref_slice %arg5[%dma_start3A_51, %dma_start3A_52] : memref<10240x128xf32, #tpu.memory_space<vmem_shared>> -> memref<10240x128xf32, #tpu.memory_space<vmem_shared>>
      tpu.enqueue_indirect_dma source(%arg11 : memref<8x128xf32, #tpu.memory_space<vmem>>) target(%dma_start3A_53 : memref<10240x128xf32, #tpu.memory_space<vmem_shared>>) offsets(%arg10 : memref<8xi32, #tpu.memory_space<vmem>>) semaphore(%run_scoped3A : memref<!tpu.dma_semaphore, #tpu.memory_space<semaphore_mem>>) {add = true}
      %dma_wait3A_54 = arith.constant 0 : i32
      %dma_wait3A_55 = arith.constant 0 : i32
      %dma_wait3A_56 = tpu.memref_slice %arg5[%dma_wait3A_54, %dma_wait3A_55] : memref<10240x128xf32, #tpu.memory_space<vmem_shared>> -> memref<10240x128xf32, #tpu.memory_space<vmem_shared>>
      tpu.wait_indirect_dma semaphore(%run_scoped3A : memref<!tpu.dma_semaphore, #tpu.memory_space<semaphore_mem>>) src(%arg11 : memref<8x128xf32, #tpu.memory_space<vmem>>) dst(%dma_wait3A_56 : memref<10240x128xf32, #tpu.memory_space<vmem_shared>>)
      tpu.yield
    }) : () -> ()
    %barrier3A_44 = arith.constant 0 : index
    tpu.barrier barrier_id(%barrier3A_44)
    %scan3A_45 = arith.constant 0 : i32
    %scan3A_46 = arith.constant 0 : i32
    %scan3A_47 = arith.constant 5 : i32
    %scan3A_48 = arith.addi %scan3A_46, %scan3A_47 : i32
    %scan3A_49 = arith.constant 1 : i32
    scf.for %scan3A_51 = %scan3A_46 to %scan3A_48 step %scan3A_49  : i32 {
      %mul3A_52 = arith.constant 640 : i32
      %mul3A_53 = arith.muli %arg1, %mul3A_52 : i32
      %mul3A_54 = arith.constant 128 : i32
      %mul3A_55 = arith.muli %scan3A_51, %mul3A_54 : i32
      %add3A_56 = arith.addi %mul3A_53, %mul3A_55 : i32
      "tpu.region"() ({
        %run_scoped3A = tpu.sem_alloc : memref<!tpu.dma_semaphore, #tpu.memory_space<semaphore_mem>>
        %dma_start3A_57 = arith.constant 0 : i32
        %dma_start3A_58 = tpu.memref_slice %arg5[%add3A_56, %dma_start3A_57] : memref<10240x128xf32, #tpu.memory_space<vmem_shared>> -> memref<128x128xf32, #tpu.memory_space<vmem_shared>>
        %dma_start3A_59 = arith.constant 0 : i32
        %dma_start3A_60 = tpu.memref_slice %arg5[%add3A_56, %dma_start3A_59] : memref<10240x128xf32, #tpu.memory_space<vmem_shared>> -> memref<128x128xf32, #tpu.memory_space<vmem_shared>>
        tpu.enqueue_dma source(%dma_start3A_60 : memref<128x128xf32, #tpu.memory_space<vmem_shared>>) target(%arg7 : memref<128x128xf32, #tpu.memory_space<vmem>>) target_semaphore(%run_scoped3A : memref<!tpu.dma_semaphore, #tpu.memory_space<semaphore_mem>>)
        %dma_wait3A_61 = arith.constant 0 : i32
        %dma_wait3A_62 = tpu.memref_slice %arg5[%add3A_56, %dma_wait3A_61] : memref<10240x128xf32, #tpu.memory_space<vmem_shared>> -> memref<128x128xf32, #tpu.memory_space<vmem_shared>>
        %dma_wait3A_63 = arith.constant 0 : i32
        %dma_wait3A_64 = tpu.memref_slice %arg5[%add3A_56, %dma_wait3A_63] : memref<10240x128xf32, #tpu.memory_space<vmem_shared>> -> memref<128x128xf32, #tpu.memory_space<vmem_shared>>
        tpu.wait_dma2 semaphore(%run_scoped3A : memref<!tpu.dma_semaphore, #tpu.memory_space<semaphore_mem>>) src(%dma_wait3A_64 : memref<128x128xf32, #tpu.memory_space<vmem_shared>>) dst(%arg7 : memref<128x128xf32, #tpu.memory_space<vmem>>)
        tpu.yield
      }) : () -> ()
      "tpu.region"() ({
        %run_scoped3A = tpu.sem_alloc : memref<!tpu.dma_semaphore, #tpu.memory_space<semaphore_mem>>
        %dma_start3A_57 = arith.constant 0 : i32
        %dma_start3A_58 = tpu.memref_slice %arg4[%arg0, %add3A_56, %dma_start3A_57] : memref<2x10240x128xf32, #tpu.memory_space<hbm>> -> memref<1x128x128xf32, #tpu.memory_space<hbm>>
        %dma_start3A_59 = tpu.memref_squeeze %dma_start3A_58 : memref<1x128x128xf32, #tpu.memory_space<hbm>> -> memref<128x128xf32, #tpu.memory_space<hbm>>
        %dma_start3A_60 = arith.constant 0 : i32
        %dma_start3A_61 = tpu.memref_slice %arg4[%arg0, %add3A_56, %dma_start3A_60] : memref<2x10240x128xf32, #tpu.memory_space<hbm>> -> memref<1x128x128xf32, #tpu.memory_space<hbm>>
        %dma_start3A_62 = tpu.memref_squeeze %dma_start3A_61 : memref<1x128x128xf32, #tpu.memory_space<hbm>> -> memref<128x128xf32, #tpu.memory_space<hbm>>
        tpu.enqueue_dma source(%arg7 : memref<128x128xf32, #tpu.memory_space<vmem>>) target(%dma_start3A_62 : memref<128x128xf32, #tpu.memory_space<hbm>>) target_semaphore(%run_scoped3A : memref<!tpu.dma_semaphore, #tpu.memory_space<semaphore_mem>>)
        %dma_wait3A_63 = arith.constant 0 : i32
        %dma_wait3A_64 = tpu.memref_slice %arg4[%arg0, %add3A_56, %dma_wait3A_63] : memref<2x10240x128xf32, #tpu.memory_space<hbm>> -> memref<1x128x128xf32, #tpu.memory_space<hbm>>
        %dma_wait3A_65 = tpu.memref_squeeze %dma_wait3A_64 : memref<1x128x128xf32, #tpu.memory_space<hbm>> -> memref<128x128xf32, #tpu.memory_space<hbm>>
        %dma_wait3A_66 = arith.constant 0 : i32
        %dma_wait3A_67 = tpu.memref_slice %arg4[%arg0, %add3A_56, %dma_wait3A_66] : memref<2x10240x128xf32, #tpu.memory_space<hbm>> -> memref<1x128x128xf32, #tpu.memory_space<hbm>>
        %dma_wait3A_68 = tpu.memref_squeeze %dma_wait3A_67 : memref<1x128x128xf32, #tpu.memory_space<hbm>> -> memref<128x128xf32, #tpu.memory_space<hbm>>
        tpu.wait_dma2 semaphore(%run_scoped3A : memref<!tpu.dma_semaphore, #tpu.memory_space<semaphore_mem>>) src(%arg7 : memref<128x128xf32, #tpu.memory_space<vmem>>) dst(%dma_wait3A_68 : memref<128x128xf32, #tpu.memory_space<hbm>>)
        tpu.yield
      }) : () -> ()
    }
    %scan3A_50 = arith.constant 5 : i32
    return
  }
}

module attributes {stable_mosaic.version = 14 : i64} {
  func.func @_edge_body(%arg0: i32, %arg1: memref<320x128xf32, #tpu.memory_space<vmem>>, %arg2: memref<640x128xf32, #tpu.memory_space<vmem>>, %arg3: memref<1x5x128xf32, #tpu.memory_space<vmem>>, %arg4: memref<128x128xf32, #tpu.memory_space<vmem>>, %arg5: memref<1x128xf32, #tpu.memory_space<vmem>>, %arg6: memref<128x128xf32, #tpu.memory_space<vmem>>, %arg7: memref<128x128xf32, #tpu.memory_space<vmem>>, %arg8: memref<1x128xf32, #tpu.memory_space<vmem>>, %arg9: memref<128x128xf32, #tpu.memory_space<vmem>>, %arg10: memref<1x128xf32, #tpu.memory_space<vmem>>, %arg11: memref<128x128xf32, #tpu.memory_space<vmem>>, %arg12: memref<1x128xf32, #tpu.memory_space<vmem>>, %arg13: memref<128x128xf32, #tpu.memory_space<vmem>>, %arg14: memref<1x128xf32, #tpu.memory_space<vmem>>, %arg15: memref<128x128xf32, #tpu.memory_space<vmem>>, %arg16: memref<640x128xf32, #tpu.memory_space<vmem>>, %arg17: memref<640x128xf32, #tpu.memory_space<vmem>>) attributes {dimension_semantics = [#tpu.dimension_semantics<arbitrary>], iteration_bounds = array<i64: 250>, scalar_prefetch = 0 : i64, scratch_operands = 0 : i64, tpu.core_type = #tpu.core_type<tc>, window_params = [{transform_indices = @transform_0, window_bounds = array<i64: 320, 128>}, {transform_indices = @transform_1, window_bounds = array<i64: 640, 128>}, {transform_indices = @transform_2, window_bounds = array<i64: 1, 5, 128>}, {pipeline_mode = #tpu.pipeline_mode<synchronous>, transform_indices = @transform_3, window_bounds = array<i64: 128, 128>}, {pipeline_mode = #tpu.pipeline_mode<synchronous>, transform_indices = @transform_4, window_bounds = array<i64: 1, 128>}, {pipeline_mode = #tpu.pipeline_mode<synchronous>, transform_indices = @transform_5, window_bounds = array<i64: 128, 128>}, {pipeline_mode = #tpu.pipeline_mode<synchronous>, transform_indices = @transform_6, window_bounds = array<i64: 128, 128>}, {pipeline_mode = #tpu.pipeline_mode<synchronous>, transform_indices = @transform_7, window_bounds = array<i64: 1, 128>}, {pipeline_mode = #tpu.pipeline_mode<synchronous>, transform_indices = @transform_8, window_bounds = array<i64: 128, 128>}, {pipeline_mode = #tpu.pipeline_mode<synchronous>, transform_indices = @transform_9, window_bounds = array<i64: 1, 128>}, {pipeline_mode = #tpu.pipeline_mode<synchronous>, transform_indices = @transform_10, window_bounds = array<i64: 128, 128>}, {pipeline_mode = #tpu.pipeline_mode<synchronous>, transform_indices = @transform_11, window_bounds = array<i64: 1, 128>}, {pipeline_mode = #tpu.pipeline_mode<synchronous>, transform_indices = @transform_12, window_bounds = array<i64: 128, 128>}, {pipeline_mode = #tpu.pipeline_mode<synchronous>, transform_indices = @transform_13, window_bounds = array<i64: 1, 128>}, {pipeline_mode = #tpu.pipeline_mode<synchronous>, transform_indices = @transform_14, window_bounds = array<i64: 128, 128>}, {transform_indices = @transform_15, window_bounds = array<i64: 640, 128>}, {transform_indices = @transform_16, window_bounds = array<i64: 640, 128>}]} {
    %get3A = arith.constant 0 : index
    %get3A_0 = arith.constant 0 : index
    %get3A_1 = vector.load %arg1[%get3A, %get3A_0] : memref<320x128xf32, #tpu.memory_space<vmem>>, vector<320x128xf32>
    %get3A_2 = arith.constant 0 : index
    %get3A_3 = arith.constant 0 : index
    %get3A_4 = vector.load %arg4[%get3A_2, %get3A_3] : memref<128x128xf32, #tpu.memory_space<vmem>>, vector<128x128xf32>
    %dot_general3A = arith.constant dense<0.000000e+00> : vector<320x128xf32>
    %dot_general3A_5 = tpu.matmul %get3A_1, %get3A_4, %dot_general3A {dimension_numbers = #tpu.dot_dimension_numbers<[1], [0], [0], [1], [0, 0, 1, 1], [], []>, transpose_lhs_hint = false} : vector<320x128xf32>, vector<128x128xf32>, vector<320x128xf32> -> vector<320x128xf32>
    %get3A_6 = arith.constant 0 : index
    %get3A_7 = arith.constant 0 : index
    %get3A_8 = vector.load %arg5[%get3A_6, %get3A_7] : memref<1x128xf32, #tpu.memory_space<vmem>>, vector<1x128xf32>
    %add3A = vector.broadcast %get3A_8 : vector<1x128xf32> to vector<320x128xf32>
    %add3A_9 = arith.addf %dot_general3A_5, %add3A : vector<320x128xf32>
    %logistic3A = arith.negf %add3A_9 : vector<320x128xf32>
    %logistic3A_10 = math.exp %logistic3A : vector<320x128xf32>
    %logistic3A_11 = arith.constant 1.000000e+00 : f32
    %logistic3A_12 = vector.broadcast %logistic3A_11 : f32 to vector<320x128xf32>
    %logistic3A_13 = arith.addf %logistic3A_12, %logistic3A_10 : vector<320x128xf32>
    %logistic3A_14 = arith.divf %logistic3A_12, %logistic3A_13 : vector<320x128xf32>
    %mul3A = arith.mulf %add3A_9, %logistic3A_14 : vector<320x128xf32>
    %get3A_15 = arith.constant 0 : index
    %get3A_16 = arith.constant 0 : index
    %get3A_17 = vector.load %arg6[%get3A_15, %get3A_16] : memref<128x128xf32, #tpu.memory_space<vmem>>, vector<128x128xf32>
    %dot_general3A_18 = arith.constant dense<0.000000e+00> : vector<320x128xf32>
    %dot_general3A_19 = tpu.matmul %mul3A, %get3A_17, %dot_general3A_18 {dimension_numbers = #tpu.dot_dimension_numbers<[1], [0], [0], [1], [0, 0, 1, 1], [], []>, transpose_lhs_hint = false} : vector<320x128xf32>, vector<128x128xf32>, vector<320x128xf32> -> vector<320x128xf32>
    %get3A_20 = arith.constant 0 : index
    %get3A_21 = arith.constant 0 : index
    %get3A_22 = vector.load %arg8[%get3A_20, %get3A_21] : memref<1x128xf32, #tpu.memory_space<vmem>>, vector<1x128xf32>
    %add3A_23 = vector.broadcast %get3A_22 : vector<1x128xf32> to vector<320x128xf32>
    %add3A_24 = arith.addf %dot_general3A_19, %add3A_23 : vector<320x128xf32>
    %get3A_25 = arith.constant 0 : index
    %get3A_26 = arith.constant 0 : index
    %get3A_27 = vector.load %arg7[%get3A_25, %get3A_26] : memref<128x128xf32, #tpu.memory_space<vmem>>, vector<128x128xf32>
    %dot_general3A_28 = arith.constant dense<0.000000e+00> : vector<320x128xf32>
    %dot_general3A_29 = tpu.matmul %mul3A, %get3A_27, %dot_general3A_28 {dimension_numbers = #tpu.dot_dimension_numbers<[1], [0], [0], [1], [0, 0, 1, 1], [], []>, transpose_lhs_hint = false} : vector<320x128xf32>, vector<128x128xf32>, vector<320x128xf32> -> vector<320x128xf32>
    %get3A_30 = arith.constant 0 : index
    %get3A_31 = arith.constant 0 : index
    %get3A_32 = vector.load %arg8[%get3A_30, %get3A_31] : memref<1x128xf32, #tpu.memory_space<vmem>>, vector<1x128xf32>
    %add3A_33 = vector.broadcast %get3A_32 : vector<1x128xf32> to vector<320x128xf32>
    %add3A_34 = arith.addf %dot_general3A_29, %add3A_33 : vector<320x128xf32>
    %stack3A = vector.shape_cast %add3A_24 : vector<320x128xf32> to vector<320x1x128xf32>
    %stack3A_35 = vector.shape_cast %add3A_34 : vector<320x128xf32> to vector<320x1x128xf32>
    %stack3A_36 = tpu.concatenate %stack3A, %stack3A_35 in 1 : vector<320x1x128xf32>, vector<320x1x128xf32> -> vector<320x2x128xf32>
    %reshape3A = vector.shape_cast %stack3A_36 : vector<320x2x128xf32> to vector<640x128xf32>
    %get3A_37 = arith.constant 0 : index
    %get3A_38 = arith.constant 0 : index
    %get3A_39 = arith.constant 0 : index
    %get3A_40 = vector.load %arg3[%get3A_37, %get3A_38, %get3A_39] : memref<1x5x128xf32, #tpu.memory_space<vmem>>, vector<1x5x128xf32>
    %get3A_41 = vector.shape_cast %get3A_40 : vector<1x5x128xf32> to vector<5x128xf32>
    %reshape3A_42 = vector.shape_cast %get3A_41 : vector<5x128xf32> to vector<5x1x128xf32>
    %broadcast_in_dim3A = vector.shape_cast %reshape3A_42 : vector<5x1x128xf32> to vector<5x1x128xf32>
    %broadcast_in_dim3A_43 = vector.broadcast %broadcast_in_dim3A : vector<5x1x128xf32> to vector<5x128x128xf32>
    %reshape3A_44 = vector.shape_cast %broadcast_in_dim3A_43 : vector<5x128x128xf32> to vector<640x128xf32>
    %iota3A = tpu.iota {dimensions = array<i32: 1>} : vector<640x128xi32>
    %iota3A_45 = tpu.iota {dimensions = array<i32: 0>} : vector<640x128xi32>
    %jit3A = arith.constant 128 : i32
    %eq3A = arith.constant 0 : i32
    %eq3A_46 = arith.cmpi eq, %jit3A, %eq3A : i32
    %jit3A_47 = arith.constant 1 : i32
    %select_n3A = arith.select %eq3A_46, %jit3A_47, %jit3A : i32
    %rem3A = vector.broadcast %select_n3A : i32 to vector<640x128xi32>
    %rem3A_48 = arith.remsi %iota3A_45, %rem3A : vector<640x128xi32>
    %ne3A = arith.constant 0 : i32
    %ne3A_49 = vector.broadcast %ne3A : i32 to vector<640x128xi32>
    %ne3A_50 = arith.cmpi ne, %rem3A_48, %ne3A_49 : vector<640x128xi32>
    %lt3A = arith.constant 0 : i32
    %lt3A_51 = vector.broadcast %lt3A : i32 to vector<640x128xi32>
    %lt3A_52 = arith.cmpi slt, %rem3A_48, %lt3A_51 : vector<640x128xi32>
    %lt3A_53 = arith.constant 0 : i32
    %lt3A_54 = arith.cmpi slt, %select_n3A, %lt3A_53 : i32
    %ne3A_55 = vector.broadcast %lt3A_54 : i1 to vector<640x128xi1>
    %ne3A_56 = vector.broadcast %ne3A_55 : vector<640x128xi1> to vector<640x128xi1>
    %ne3A_57 = arith.xori %lt3A_52, %ne3A_56 : vector<640x128xi1>
    %and3A = arith.andi %ne3A_57, %ne3A_50 : vector<640x128xi1>
    %add3A_58 = vector.broadcast %select_n3A : i32 to vector<640x128xi32>
    %add3A_59 = arith.addi %rem3A_48, %add3A_58 : vector<640x128xi32>
    %select_n3A_60 = arith.select %and3A, %add3A_59, %rem3A_48 : vector<640x128xi1>, vector<640x128xi32>
    %eq3A_61 = arith.cmpi eq, %iota3A, %select_n3A_60 : vector<640x128xi32>
    %jit3A_62 = arith.constant 0.000000e+00 : f32
    %broadcast_in_dim3A_63 = vector.broadcast %jit3A_62 : f32 to vector<640x128xf32>
    %select_n3A_64 = arith.select %eq3A_61, %reshape3A_44, %broadcast_in_dim3A_63 : vector<640x128xi1>, vector<640x128xf32>
    %reduce_sum3A = arith.constant dense<0.000000e+00> : vector<640xf32>
    %reduce_sum3A_65 = vector.multi_reduction <add>, %select_n3A_64, %reduce_sum3A [1] : vector<640x128xf32> to vector<640xf32>
    %broadcast_in_dim3A_66 = vector.shape_cast %reduce_sum3A_65 : vector<640xf32> to vector<640x1xf32>
    %get3A_67 = arith.constant 0 : index
    %get3A_68 = arith.constant 0 : index
    %get3A_69 = vector.load %arg2[%get3A_67, %get3A_68] : memref<640x128xf32, #tpu.memory_space<vmem>>, vector<640x128xf32>
    %mul3A_70 = vector.broadcast %broadcast_in_dim3A_66 : vector<640x1xf32> to vector<640x128xf32>
    %mul3A_71 = arith.mulf %get3A_69, %mul3A_70 : vector<640x128xf32>
    %mul3A_72 = arith.mulf %mul3A_71, %reshape3A : vector<640x128xf32>
    %get3A_73 = arith.constant 0 : index
    %get3A_74 = arith.constant 0 : index
    %get3A_75 = vector.load %arg9[%get3A_73, %get3A_74] : memref<128x128xf32, #tpu.memory_space<vmem>>, vector<128x128xf32>
    %dot_general3A_76 = arith.constant dense<0.000000e+00> : vector<640x128xf32>
    %dot_general3A_77 = tpu.matmul %mul3A_72, %get3A_75, %dot_general3A_76 {dimension_numbers = #tpu.dot_dimension_numbers<[1], [0], [0], [1], [0, 0, 1, 1], [], []>, transpose_lhs_hint = false} : vector<640x128xf32>, vector<128x128xf32>, vector<640x128xf32> -> vector<640x128xf32>
    %get3A_78 = arith.constant 0 : index
    %get3A_79 = arith.constant 0 : index
    %get3A_80 = vector.load %arg10[%get3A_78, %get3A_79] : memref<1x128xf32, #tpu.memory_space<vmem>>, vector<1x128xf32>
    %add3A_81 = vector.broadcast %get3A_80 : vector<1x128xf32> to vector<640x128xf32>
    %add3A_82 = arith.addf %dot_general3A_77, %add3A_81 : vector<640x128xf32>
    %mul3A_83 = arith.constant 6.000000e-01 : f32
    %mul3A_84 = vector.broadcast %mul3A_83 : f32 to vector<640x128xf32>
    %mul3A_85 = arith.mulf %mul3A_84, %add3A_82 : vector<640x128xf32>
    %mul3A_86 = arith.constant 4.000000e-01 : f32
    %mul3A_87 = vector.broadcast %mul3A_86 : f32 to vector<640x128xf32>
    %mul3A_88 = arith.mulf %mul3A_87, %add3A_82 : vector<640x128xf32>
    %logistic3A_89 = arith.negf %add3A_82 : vector<640x128xf32>
    %logistic3A_90 = math.exp %logistic3A_89 : vector<640x128xf32>
    %logistic3A_91 = arith.constant 1.000000e+00 : f32
    %logistic3A_92 = vector.broadcast %logistic3A_91 : f32 to vector<640x128xf32>
    %logistic3A_93 = arith.addf %logistic3A_92, %logistic3A_90 : vector<640x128xf32>
    %logistic3A_94 = arith.divf %logistic3A_92, %logistic3A_93 : vector<640x128xf32>
    %mul3A_95 = arith.constant 2.000000e+00 : f32
    %mul3A_96 = vector.broadcast %mul3A_95 : f32 to vector<640x128xf32>
    %mul3A_97 = arith.mulf %mul3A_96, %logistic3A_94 : vector<640x128xf32>
    %sub3A = arith.constant 1.000000e+00 : f32
    %sub3A_98 = vector.broadcast %sub3A : f32 to vector<640x128xf32>
    %sub3A_99 = arith.subf %mul3A_97, %sub3A_98 : vector<640x128xf32>
    %mul3A_100 = arith.mulf %mul3A_88, %sub3A_99 : vector<640x128xf32>
    %add3A_101 = arith.addf %mul3A_85, %mul3A_100 : vector<640x128xf32>
    %get3A_102 = arith.constant 0 : index
    %get3A_103 = arith.constant 0 : index
    %get3A_104 = vector.load %arg15[%get3A_102, %get3A_103] : memref<128x128xf32, #tpu.memory_space<vmem>>, vector<128x128xf32>
    %dot_general3A_105 = arith.constant dense<0.000000e+00> : vector<640x128xf32>
    %dot_general3A_106 = tpu.matmul %add3A_101, %get3A_104, %dot_general3A_105 {dimension_numbers = #tpu.dot_dimension_numbers<[1], [0], [0], [1], [0, 0, 1, 1], [], []>, transpose_lhs_hint = false} : vector<640x128xf32>, vector<128x128xf32>, vector<640x128xf32> -> vector<640x128xf32>
    %exp3A = math.exp %dot_general3A_106 : vector<640x128xf32>
    %get3A_107 = arith.constant 0 : index
    %get3A_108 = arith.constant 0 : index
    %get3A_109 = vector.load %arg11[%get3A_107, %get3A_108] : memref<128x128xf32, #tpu.memory_space<vmem>>, vector<128x128xf32>
    %dot_general3A_110 = arith.constant dense<0.000000e+00> : vector<640x128xf32>
    %dot_general3A_111 = tpu.matmul %mul3A_72, %get3A_109, %dot_general3A_110 {dimension_numbers = #tpu.dot_dimension_numbers<[1], [0], [0], [1], [0, 0, 1, 1], [], []>, transpose_lhs_hint = false} : vector<640x128xf32>, vector<128x128xf32>, vector<640x128xf32> -> vector<640x128xf32>
    %get3A_112 = arith.constant 0 : index
    %get3A_113 = arith.constant 0 : index
    %get3A_114 = vector.load %arg12[%get3A_112, %get3A_113] : memref<1x128xf32, #tpu.memory_space<vmem>>, vector<1x128xf32>
    %add3A_115 = vector.broadcast %get3A_114 : vector<1x128xf32> to vector<640x128xf32>
    %add3A_116 = arith.addf %dot_general3A_111, %add3A_115 : vector<640x128xf32>
    %logistic3A_117 = arith.negf %add3A_116 : vector<640x128xf32>
    %logistic3A_118 = math.exp %logistic3A_117 : vector<640x128xf32>
    %logistic3A_119 = arith.constant 1.000000e+00 : f32
    %logistic3A_120 = vector.broadcast %logistic3A_119 : f32 to vector<640x128xf32>
    %logistic3A_121 = arith.addf %logistic3A_120, %logistic3A_118 : vector<640x128xf32>
    %logistic3A_122 = arith.divf %logistic3A_120, %logistic3A_121 : vector<640x128xf32>
    %mul3A_123 = arith.mulf %add3A_116, %logistic3A_122 : vector<640x128xf32>
    %mul3A_124 = vector.broadcast %broadcast_in_dim3A_66 : vector<640x1xf32> to vector<640x128xf32>
    %mul3A_125 = arith.mulf %mul3A_123, %mul3A_124 : vector<640x128xf32>
    %get3A_126 = arith.constant 0 : index
    %get3A_127 = arith.constant 0 : index
    %get3A_128 = vector.load %arg13[%get3A_126, %get3A_127] : memref<128x128xf32, #tpu.memory_space<vmem>>, vector<128x128xf32>
    %dot_general3A_129 = arith.constant dense<0.000000e+00> : vector<640x128xf32>
    %dot_general3A_130 = tpu.matmul %mul3A_125, %get3A_128, %dot_general3A_129 {dimension_numbers = #tpu.dot_dimension_numbers<[1], [0], [0], [1], [0, 0, 1, 1], [], []>, transpose_lhs_hint = false} : vector<640x128xf32>, vector<128x128xf32>, vector<640x128xf32> -> vector<640x128xf32>
    %get3A_131 = arith.constant 0 : index
    %get3A_132 = arith.constant 0 : index
    %get3A_133 = vector.load %arg14[%get3A_131, %get3A_132] : memref<1x128xf32, #tpu.memory_space<vmem>>, vector<1x128xf32>
    %add3A_134 = vector.broadcast %get3A_133 : vector<1x128xf32> to vector<640x128xf32>
    %add3A_135 = arith.addf %dot_general3A_130, %add3A_134 : vector<640x128xf32>
    %mul3A_136 = arith.mulf %add3A_135, %exp3A : vector<640x128xf32>
    %swap3A = arith.constant 0 : index
    %swap3A_137 = arith.constant 0 : index
    %swap3A_138 = vector.load %arg16[%swap3A, %swap3A_137] : memref<640x128xf32, #tpu.memory_space<vmem>>, vector<640x128xf32>
    tpu.vector_store %arg16[%swap3A, %swap3A_137], %mul3A_136 {strides = array<i32>} : memref<640x128xf32, #tpu.memory_space<vmem>>, vector<640x128xf32>,
    %swap3A_139 = arith.constant 0 : index
    %swap3A_140 = arith.constant 0 : index
    %swap3A_141 = vector.load %arg17[%swap3A_139, %swap3A_140] : memref<640x128xf32, #tpu.memory_space<vmem>>, vector<640x128xf32>
    tpu.vector_store %arg17[%swap3A_139, %swap3A_140], %exp3A {strides = array<i32>} : memref<640x128xf32, #tpu.memory_space<vmem>>, vector<640x128xf32>,
    return
  }
  func.func @transform_0(%arg0: i32) -> (i32, i32) {
    %add3A = arith.constant 0 : i32
    %add3A_0 = arith.addi %arg0, %add3A : i32
    %c0_i32 = arith.constant 0 : i32
    %c0_i32_1 = arith.constant 0 : i32
    return %add3A_0, %c0_i32 : i32, i32
  }
  func.func @transform_1(%arg0: i32) -> (i32, i32) {
    %add3A = arith.constant 0 : i32
    %add3A_0 = arith.addi %arg0, %add3A : i32
    %c0_i32 = arith.constant 0 : i32
    %c0_i32_1 = arith.constant 0 : i32
    return %add3A_0, %c0_i32 : i32, i32
  }
  func.func @transform_2(%arg0: i32) -> (i32, i32, i32) {
    %add3A = arith.constant 0 : i32
    %add3A_0 = arith.addi %arg0, %add3A : i32
    %c0_i32 = arith.constant 0 : i32
    %c0_i32_1 = arith.constant 0 : i32
    %c0_i32_2 = arith.constant 0 : i32
    return %add3A_0, %c0_i32, %c0_i32_1 : i32, i32, i32
  }
  func.func @transform_3(%arg0: i32) -> (i32, i32) {
    %c0_i32 = arith.constant 0 : i32
    %c0_i32_0 = arith.constant 0 : i32
    %c0_i32_1 = arith.constant 0 : i32
    return %c0_i32, %c0_i32_0 : i32, i32
  }
  func.func @transform_4(%arg0: i32) -> (i32, i32) {
    %c0_i32 = arith.constant 0 : i32
    %c0_i32_0 = arith.constant 0 : i32
    %c0_i32_1 = arith.constant 0 : i32
    return %c0_i32, %c0_i32_0 : i32, i32
  }
  func.func @transform_5(%arg0: i32) -> (i32, i32) {
    %c0_i32 = arith.constant 0 : i32
    %c0_i32_0 = arith.constant 0 : i32
    %c0_i32_1 = arith.constant 0 : i32
    return %c0_i32, %c0_i32_0 : i32, i32
  }
  func.func @transform_6(%arg0: i32) -> (i32, i32) {
    %c0_i32 = arith.constant 0 : i32
    %c0_i32_0 = arith.constant 0 : i32
    %c0_i32_1 = arith.constant 0 : i32
    return %c0_i32, %c0_i32_0 : i32, i32
  }
  func.func @transform_7(%arg0: i32) -> (i32, i32) {
    %c0_i32 = arith.constant 0 : i32
    %c0_i32_0 = arith.constant 0 : i32
    %c0_i32_1 = arith.constant 0 : i32
    return %c0_i32, %c0_i32_0 : i32, i32
  }
  func.func @transform_8(%arg0: i32) -> (i32, i32) {
    %c0_i32 = arith.constant 0 : i32
    %c0_i32_0 = arith.constant 0 : i32
    %c0_i32_1 = arith.constant 0 : i32
    return %c0_i32, %c0_i32_0 : i32, i32
  }
  func.func @transform_9(%arg0: i32) -> (i32, i32) {
    %c0_i32 = arith.constant 0 : i32
    %c0_i32_0 = arith.constant 0 : i32
    %c0_i32_1 = arith.constant 0 : i32
    return %c0_i32, %c0_i32_0 : i32, i32
  }
  func.func @transform_10(%arg0: i32) -> (i32, i32) {
    %c0_i32 = arith.constant 0 : i32
    %c0_i32_0 = arith.constant 0 : i32
    %c0_i32_1 = arith.constant 0 : i32
    return %c0_i32, %c0_i32_0 : i32, i32
  }
  func.func @transform_11(%arg0: i32) -> (i32, i32) {
    %c0_i32 = arith.constant 0 : i32
    %c0_i32_0 = arith.constant 0 : i32
    %c0_i32_1 = arith.constant 0 : i32
    return %c0_i32, %c0_i32_0 : i32, i32
  }
  func.func @transform_12(%arg0: i32) -> (i32, i32) {
    %c0_i32 = arith.constant 0 : i32
    %c0_i32_0 = arith.constant 0 : i32
    %c0_i32_1 = arith.constant 0 : i32
    return %c0_i32, %c0_i32_0 : i32, i32
  }
  func.func @transform_13(%arg0: i32) -> (i32, i32) {
    %c0_i32 = arith.constant 0 : i32
    %c0_i32_0 = arith.constant 0 : i32
    %c0_i32_1 = arith.constant 0 : i32
    return %c0_i32, %c0_i32_0 : i32, i32
  }
  func.func @transform_14(%arg0: i32) -> (i32, i32) {
    %c0_i32 = arith.constant 0 : i32
    %c0_i32_0 = arith.constant 0 : i32
    %c0_i32_1 = arith.constant 0 : i32
    return %c0_i32, %c0_i32_0 : i32, i32
  }
  func.func @transform_15(%arg0: i32) -> (i32, i32) {
    %c0_i32 = arith.constant 0 : i32
    %c0_i32_0 = arith.constant 0 : i32
    return %arg0, %c0_i32 : i32, i32
  }
  func.func @transform_16(%arg0: i32) -> (i32, i32) {
    %c0_i32 = arith.constant 0 : i32
    %c0_i32_0 = arith.constant 0 : i32
    return %arg0, %c0_i32 : i32, i32
  }
}

module attributes {stable_mosaic.version = 14 : i64} {
  func.func @_edge_body(%arg0: i32, %arg1: memref<320x128xf32, #tpu.memory_space<vmem>>, %arg2: memref<640x128xf32, #tpu.memory_space<vmem>>, %arg3: memref<1x5x128xf32, #tpu.memory_space<vmem>>, %arg4: memref<128x128xf32, #tpu.memory_space<vmem>>, %arg5: memref<1x128xf32, #tpu.memory_space<vmem>>, %arg6: memref<128x128xf32, #tpu.memory_space<vmem>>, %arg7: memref<128x128xf32, #tpu.memory_space<vmem>>, %arg8: memref<1x128xf32, #tpu.memory_space<vmem>>, %arg9: memref<128x128xf32, #tpu.memory_space<vmem>>, %arg10: memref<1x128xf32, #tpu.memory_space<vmem>>, %arg11: memref<128x128xf32, #tpu.memory_space<vmem>>, %arg12: memref<1x128xf32, #tpu.memory_space<vmem>>, %arg13: memref<128x128xf32, #tpu.memory_space<vmem>>, %arg14: memref<1x128xf32, #tpu.memory_space<vmem>>, %arg15: memref<128x128xf32, #tpu.memory_space<vmem>>, %arg16: memref<640x128xf32, #tpu.memory_space<vmem>>, %arg17: memref<640x128xf32, #tpu.memory_space<vmem>>) attributes {dimension_semantics = [#tpu.dimension_semantics<arbitrary>], iteration_bounds = array<i64: 250>, scalar_prefetch = 0 : i64, scratch_operands = 0 : i64, tpu.core_type = #tpu.core_type<tc>, window_params = [{transform_indices = @transform_0, window_bounds = array<i64: 320, 128>}, {transform_indices = @transform_1, window_bounds = array<i64: 640, 128>}, {transform_indices = @transform_2, window_bounds = array<i64: 1, 5, 128>}, {pipeline_mode = #tpu.pipeline_mode<synchronous>, transform_indices = @transform_3, window_bounds = array<i64: 128, 128>}, {pipeline_mode = #tpu.pipeline_mode<synchronous>, transform_indices = @transform_4, window_bounds = array<i64: 1, 128>}, {pipeline_mode = #tpu.pipeline_mode<synchronous>, transform_indices = @transform_5, window_bounds = array<i64: 128, 128>}, {pipeline_mode = #tpu.pipeline_mode<synchronous>, transform_indices = @transform_6, window_bounds = array<i64: 128, 128>}, {pipeline_mode = #tpu.pipeline_mode<synchronous>, transform_indices = @transform_7, window_bounds = array<i64: 1, 128>}, {pipeline_mode = #tpu.pipeline_mode<synchronous>, transform_indices = @transform_8, window_bounds = array<i64: 128, 128>}, {pipeline_mode = #tpu.pipeline_mode<synchronous>, transform_indices = @transform_9, window_bounds = array<i64: 1, 128>}, {pipeline_mode = #tpu.pipeline_mode<synchronous>, transform_indices = @transform_10, window_bounds = array<i64: 128, 128>}, {pipeline_mode = #tpu.pipeline_mode<synchronous>, transform_indices = @transform_11, window_bounds = array<i64: 1, 128>}, {pipeline_mode = #tpu.pipeline_mode<synchronous>, transform_indices = @transform_12, window_bounds = array<i64: 128, 128>}, {pipeline_mode = #tpu.pipeline_mode<synchronous>, transform_indices = @transform_13, window_bounds = array<i64: 1, 128>}, {pipeline_mode = #tpu.pipeline_mode<synchronous>, transform_indices = @transform_14, window_bounds = array<i64: 128, 128>}, {transform_indices = @transform_15, window_bounds = array<i64: 640, 128>}, {transform_indices = @transform_16, window_bounds = array<i64: 640, 128>}]} {
    %get3A = arith.constant 0 : index
    %get3A_0 = arith.constant 0 : index
    %get3A_1 = vector.load %arg1[%get3A, %get3A_0] : memref<320x128xf32, #tpu.memory_space<vmem>>, vector<320x128xf32>
    %get3A_2 = arith.constant 0 : index
    %get3A_3 = arith.constant 0 : index
    %get3A_4 = vector.load %arg4[%get3A_2, %get3A_3] : memref<128x128xf32, #tpu.memory_space<vmem>>, vector<128x128xf32>
    %dot_general3A = arith.constant dense<0.000000e+00> : vector<320x128xf32>
    %dot_general3A_5 = tpu.matmul %get3A_1, %get3A_4, %dot_general3A {dimension_numbers = #tpu.dot_dimension_numbers<[1], [0], [0], [1], [0, 0, 1, 1], [], []>, transpose_lhs_hint = false} : vector<320x128xf32>, vector<128x128xf32>, vector<320x128xf32> -> vector<320x128xf32>
    %get3A_6 = arith.constant 0 : index
    %get3A_7 = arith.constant 0 : index
    %get3A_8 = vector.load %arg5[%get3A_6, %get3A_7] : memref<1x128xf32, #tpu.memory_space<vmem>>, vector<1x128xf32>
    %add3A = vector.broadcast %get3A_8 : vector<1x128xf32> to vector<320x128xf32>
    %add3A_9 = arith.addf %dot_general3A_5, %add3A : vector<320x128xf32>
    %logistic3A = arith.negf %add3A_9 : vector<320x128xf32>
    %logistic3A_10 = math.exp %logistic3A : vector<320x128xf32>
    %logistic3A_11 = arith.constant 1.000000e+00 : f32
    %logistic3A_12 = vector.broadcast %logistic3A_11 : f32 to vector<320x128xf32>
    %logistic3A_13 = arith.addf %logistic3A_12, %logistic3A_10 : vector<320x128xf32>
    %logistic3A_14 = arith.divf %logistic3A_12, %logistic3A_13 : vector<320x128xf32>
    %mul3A = arith.mulf %add3A_9, %logistic3A_14 : vector<320x128xf32>
    %get3A_15 = arith.constant 0 : index
    %get3A_16 = arith.constant 0 : index
    %get3A_17 = vector.load %arg6[%get3A_15, %get3A_16] : memref<128x128xf32, #tpu.memory_space<vmem>>, vector<128x128xf32>
    %dot_general3A_18 = arith.constant dense<0.000000e+00> : vector<320x128xf32>
    %dot_general3A_19 = tpu.matmul %mul3A, %get3A_17, %dot_general3A_18 {dimension_numbers = #tpu.dot_dimension_numbers<[1], [0], [0], [1], [0, 0, 1, 1], [], []>, transpose_lhs_hint = false} : vector<320x128xf32>, vector<128x128xf32>, vector<320x128xf32> -> vector<320x128xf32>
    %get3A_20 = arith.constant 0 : index
    %get3A_21 = arith.constant 0 : index
    %get3A_22 = vector.load %arg8[%get3A_20, %get3A_21] : memref<1x128xf32, #tpu.memory_space<vmem>>, vector<1x128xf32>
    %add3A_23 = vector.broadcast %get3A_22 : vector<1x128xf32> to vector<320x128xf32>
    %add3A_24 = arith.addf %dot_general3A_19, %add3A_23 : vector<320x128xf32>
    %get3A_25 = arith.constant 0 : index
    %get3A_26 = arith.constant 0 : index
    %get3A_27 = vector.load %arg7[%get3A_25, %get3A_26] : memref<128x128xf32, #tpu.memory_space<vmem>>, vector<128x128xf32>
    %dot_general3A_28 = arith.constant dense<0.000000e+00> : vector<320x128xf32>
    %dot_general3A_29 = tpu.matmul %mul3A, %get3A_27, %dot_general3A_28 {dimension_numbers = #tpu.dot_dimension_numbers<[1], [0], [0], [1], [0, 0, 1, 1], [], []>, transpose_lhs_hint = false} : vector<320x128xf32>, vector<128x128xf32>, vector<320x128xf32> -> vector<320x128xf32>
    %get3A_30 = arith.constant 0 : index
    %get3A_31 = arith.constant 0 : index
    %get3A_32 = vector.load %arg8[%get3A_30, %get3A_31] : memref<1x128xf32, #tpu.memory_space<vmem>>, vector<1x128xf32>
    %add3A_33 = vector.broadcast %get3A_32 : vector<1x128xf32> to vector<320x128xf32>
    %add3A_34 = arith.addf %dot_general3A_29, %add3A_33 : vector<320x128xf32>
    %stack3A = vector.shape_cast %add3A_24 : vector<320x128xf32> to vector<320x1x128xf32>
    %stack3A_35 = vector.shape_cast %add3A_34 : vector<320x128xf32> to vector<320x1x128xf32>
    %stack3A_36 = tpu.concatenate %stack3A, %stack3A_35 in 1 : vector<320x1x128xf32>, vector<320x1x128xf32> -> vector<320x2x128xf32>
    %reshape3A = vector.shape_cast %stack3A_36 : vector<320x2x128xf32> to vector<640x128xf32>
    %get3A_37 = arith.constant 0 : index
    %get3A_38 = arith.constant 0 : index
    %get3A_39 = arith.constant 0 : index
    %get3A_40 = vector.load %arg3[%get3A_37, %get3A_38, %get3A_39] : memref<1x5x128xf32, #tpu.memory_space<vmem>>, vector<1x5x128xf32>
    %get3A_41 = vector.shape_cast %get3A_40 : vector<1x5x128xf32> to vector<5x128xf32>
    %reshape3A_42 = vector.shape_cast %get3A_41 : vector<5x128xf32> to vector<5x1x128xf32>
    %broadcast_in_dim3A = vector.shape_cast %reshape3A_42 : vector<5x1x128xf32> to vector<5x1x128xf32>
    %broadcast_in_dim3A_43 = vector.broadcast %broadcast_in_dim3A : vector<5x1x128xf32> to vector<5x128x128xf32>
    %reshape3A_44 = vector.shape_cast %broadcast_in_dim3A_43 : vector<5x128x128xf32> to vector<640x128xf32>
    %iota3A = tpu.iota {dimensions = array<i32: 1>} : vector<640x128xi32>
    %iota3A_45 = tpu.iota {dimensions = array<i32: 0>} : vector<640x128xi32>
    %jit3A = arith.constant 128 : i32
    %eq3A = arith.constant 0 : i32
    %eq3A_46 = arith.cmpi eq, %jit3A, %eq3A : i32
    %jit3A_47 = arith.constant 1 : i32
    %select_n3A = arith.select %eq3A_46, %jit3A_47, %jit3A : i32
    %rem3A = vector.broadcast %select_n3A : i32 to vector<640x128xi32>
    %rem3A_48 = arith.remsi %iota3A_45, %rem3A : vector<640x128xi32>
    %ne3A = arith.constant 0 : i32
    %ne3A_49 = vector.broadcast %ne3A : i32 to vector<640x128xi32>
    %ne3A_50 = arith.cmpi ne, %rem3A_48, %ne3A_49 : vector<640x128xi32>
    %lt3A = arith.constant 0 : i32
    %lt3A_51 = vector.broadcast %lt3A : i32 to vector<640x128xi32>
    %lt3A_52 = arith.cmpi slt, %rem3A_48, %lt3A_51 : vector<640x128xi32>
    %lt3A_53 = arith.constant 0 : i32
    %lt3A_54 = arith.cmpi slt, %select_n3A, %lt3A_53 : i32
    %ne3A_55 = vector.broadcast %lt3A_54 : i1 to vector<640x128xi1>
    %ne3A_56 = vector.broadcast %ne3A_55 : vector<640x128xi1> to vector<640x128xi1>
    %ne3A_57 = arith.xori %lt3A_52, %ne3A_56 : vector<640x128xi1>
    %and3A = arith.andi %ne3A_57, %ne3A_50 : vector<640x128xi1>
    %add3A_58 = vector.broadcast %select_n3A : i32 to vector<640x128xi32>
    %add3A_59 = arith.addi %rem3A_48, %add3A_58 : vector<640x128xi32>
    %select_n3A_60 = arith.select %and3A, %add3A_59, %rem3A_48 : vector<640x128xi1>, vector<640x128xi32>
    %eq3A_61 = arith.cmpi eq, %iota3A, %select_n3A_60 : vector<640x128xi32>
    %jit3A_62 = arith.constant 0.000000e+00 : f32
    %broadcast_in_dim3A_63 = vector.broadcast %jit3A_62 : f32 to vector<640x128xf32>
    %select_n3A_64 = arith.select %eq3A_61, %reshape3A_44, %broadcast_in_dim3A_63 : vector<640x128xi1>, vector<640x128xf32>
    %reduce_sum3A = arith.constant dense<0.000000e+00> : vector<640xf32>
    %reduce_sum3A_65 = vector.multi_reduction <add>, %select_n3A_64, %reduce_sum3A [1] : vector<640x128xf32> to vector<640xf32>
    %broadcast_in_dim3A_66 = vector.shape_cast %reduce_sum3A_65 : vector<640xf32> to vector<640x1xf32>
    %get3A_67 = arith.constant 0 : index
    %get3A_68 = arith.constant 0 : index
    %get3A_69 = vector.load %arg2[%get3A_67, %get3A_68] : memref<640x128xf32, #tpu.memory_space<vmem>>, vector<640x128xf32>
    %mul3A_70 = vector.broadcast %broadcast_in_dim3A_66 : vector<640x1xf32> to vector<640x128xf32>
    %mul3A_71 = arith.mulf %get3A_69, %mul3A_70 : vector<640x128xf32>
    %mul3A_72 = arith.mulf %mul3A_71, %reshape3A : vector<640x128xf32>
    %get3A_73 = arith.constant 0 : index
    %get3A_74 = arith.constant 0 : index
    %get3A_75 = vector.load %arg9[%get3A_73, %get3A_74] : memref<128x128xf32, #tpu.memory_space<vmem>>, vector<128x128xf32>
    %dot_general3A_76 = arith.constant dense<0.000000e+00> : vector<640x128xf32>
    %dot_general3A_77 = tpu.matmul %mul3A_72, %get3A_75, %dot_general3A_76 {dimension_numbers = #tpu.dot_dimension_numbers<[1], [0], [0], [1], [0, 0, 1, 1], [], []>, transpose_lhs_hint = false} : vector<640x128xf32>, vector<128x128xf32>, vector<640x128xf32> -> vector<640x128xf32>
    %get3A_78 = arith.constant 0 : index
    %get3A_79 = arith.constant 0 : index
    %get3A_80 = vector.load %arg10[%get3A_78, %get3A_79] : memref<1x128xf32, #tpu.memory_space<vmem>>, vector<1x128xf32>
    %add3A_81 = vector.broadcast %get3A_80 : vector<1x128xf32> to vector<640x128xf32>
    %add3A_82 = arith.addf %dot_general3A_77, %add3A_81 : vector<640x128xf32>
    %mul3A_83 = arith.constant 6.000000e-01 : f32
    %mul3A_84 = vector.broadcast %mul3A_83 : f32 to vector<640x128xf32>
    %mul3A_85 = arith.mulf %mul3A_84, %add3A_82 : vector<640x128xf32>
    %mul3A_86 = arith.constant 4.000000e-01 : f32
    %mul3A_87 = vector.broadcast %mul3A_86 : f32 to vector<640x128xf32>
    %mul3A_88 = arith.mulf %mul3A_87, %add3A_82 : vector<640x128xf32>
    %logistic3A_89 = arith.negf %add3A_82 : vector<640x128xf32>
    %logistic3A_90 = math.exp %logistic3A_89 : vector<640x128xf32>
    %logistic3A_91 = arith.constant 1.000000e+00 : f32
    %logistic3A_92 = vector.broadcast %logistic3A_91 : f32 to vector<640x128xf32>
    %logistic3A_93 = arith.addf %logistic3A_92, %logistic3A_90 : vector<640x128xf32>
    %logistic3A_94 = arith.divf %logistic3A_92, %logistic3A_93 : vector<640x128xf32>
    %mul3A_95 = arith.constant 2.000000e+00 : f32
    %mul3A_96 = vector.broadcast %mul3A_95 : f32 to vector<640x128xf32>
    %mul3A_97 = arith.mulf %mul3A_96, %logistic3A_94 : vector<640x128xf32>
    %sub3A = arith.constant 1.000000e+00 : f32
    %sub3A_98 = vector.broadcast %sub3A : f32 to vector<640x128xf32>
    %sub3A_99 = arith.subf %mul3A_97, %sub3A_98 : vector<640x128xf32>
    %mul3A_100 = arith.mulf %mul3A_88, %sub3A_99 : vector<640x128xf32>
    %add3A_101 = arith.addf %mul3A_85, %mul3A_100 : vector<640x128xf32>
    %get3A_102 = arith.constant 0 : index
    %get3A_103 = arith.constant 0 : index
    %get3A_104 = vector.load %arg15[%get3A_102, %get3A_103] : memref<128x128xf32, #tpu.memory_space<vmem>>, vector<128x128xf32>
    %dot_general3A_105 = arith.constant dense<0.000000e+00> : vector<640x128xf32>
    %dot_general3A_106 = tpu.matmul %add3A_101, %get3A_104, %dot_general3A_105 {dimension_numbers = #tpu.dot_dimension_numbers<[1], [0], [0], [1], [0, 0, 1, 1], [], []>, transpose_lhs_hint = false} : vector<640x128xf32>, vector<128x128xf32>, vector<640x128xf32> -> vector<640x128xf32>
    %exp3A = math.exp %dot_general3A_106 : vector<640x128xf32>
    %get3A_107 = arith.constant 0 : index
    %get3A_108 = arith.constant 0 : index
    %get3A_109 = vector.load %arg11[%get3A_107, %get3A_108] : memref<128x128xf32, #tpu.memory_space<vmem>>, vector<128x128xf32>
    %dot_general3A_110 = arith.constant dense<0.000000e+00> : vector<640x128xf32>
    %dot_general3A_111 = tpu.matmul %mul3A_72, %get3A_109, %dot_general3A_110 {dimension_numbers = #tpu.dot_dimension_numbers<[1], [0], [0], [1], [0, 0, 1, 1], [], []>, transpose_lhs_hint = false} : vector<640x128xf32>, vector<128x128xf32>, vector<640x128xf32> -> vector<640x128xf32>
    %get3A_112 = arith.constant 0 : index
    %get3A_113 = arith.constant 0 : index
    %get3A_114 = vector.load %arg12[%get3A_112, %get3A_113] : memref<1x128xf32, #tpu.memory_space<vmem>>, vector<1x128xf32>
    %add3A_115 = vector.broadcast %get3A_114 : vector<1x128xf32> to vector<640x128xf32>
    %add3A_116 = arith.addf %dot_general3A_111, %add3A_115 : vector<640x128xf32>
    %logistic3A_117 = arith.negf %add3A_116 : vector<640x128xf32>
    %logistic3A_118 = math.exp %logistic3A_117 : vector<640x128xf32>
    %logistic3A_119 = arith.constant 1.000000e+00 : f32
    %logistic3A_120 = vector.broadcast %logistic3A_119 : f32 to vector<640x128xf32>
    %logistic3A_121 = arith.addf %logistic3A_120, %logistic3A_118 : vector<640x128xf32>
    %logistic3A_122 = arith.divf %logistic3A_120, %logistic3A_121 : vector<640x128xf32>
    %mul3A_123 = arith.mulf %add3A_116, %logistic3A_122 : vector<640x128xf32>
    %mul3A_124 = vector.broadcast %broadcast_in_dim3A_66 : vector<640x1xf32> to vector<640x128xf32>
    %mul3A_125 = arith.mulf %mul3A_123, %mul3A_124 : vector<640x128xf32>
    %get3A_126 = arith.constant 0 : index
    %get3A_127 = arith.constant 0 : index
    %get3A_128 = vector.load %arg13[%get3A_126, %get3A_127] : memref<128x128xf32, #tpu.memory_space<vmem>>, vector<128x128xf32>
    %dot_general3A_129 = arith.constant dense<0.000000e+00> : vector<640x128xf32>
    %dot_general3A_130 = tpu.matmul %mul3A_125, %get3A_128, %dot_general3A_129 {dimension_numbers = #tpu.dot_dimension_numbers<[1], [0], [0], [1], [0, 0, 1, 1], [], []>, transpose_lhs_hint = false} : vector<640x128xf32>, vector<128x128xf32>, vector<640x128xf32> -> vector<640x128xf32>
    %get3A_131 = arith.constant 0 : index
    %get3A_132 = arith.constant 0 : index
    %get3A_133 = vector.load %arg14[%get3A_131, %get3A_132] : memref<1x128xf32, #tpu.memory_space<vmem>>, vector<1x128xf32>
    %add3A_134 = vector.broadcast %get3A_133 : vector<1x128xf32> to vector<640x128xf32>
    %add3A_135 = arith.addf %dot_general3A_130, %add3A_134 : vector<640x128xf32>
    %mul3A_136 = arith.mulf %add3A_135, %exp3A : vector<640x128xf32>
    %swap3A = arith.constant 0 : index
    %swap3A_137 = arith.constant 0 : index
    %swap3A_138 = vector.load %arg16[%swap3A, %swap3A_137] : memref<640x128xf32, #tpu.memory_space<vmem>>, vector<640x128xf32>
    tpu.vector_store %arg16[%swap3A, %swap3A_137], %mul3A_136 {strides = array<i32>} : memref<640x128xf32, #tpu.memory_space<vmem>>, vector<640x128xf32>,
    %swap3A_139 = arith.constant 0 : index
    %swap3A_140 = arith.constant 0 : index
    %swap3A_141 = vector.load %arg17[%swap3A_139, %swap3A_140] : memref<640x128xf32, #tpu.memory_space<vmem>>, vector<640x128xf32>
    tpu.vector_store %arg17[%swap3A_139, %swap3A_140], %exp3A {strides = array<i32>} : memref<640x128xf32, #tpu.memory_space<vmem>>, vector<640x128xf32>,
    return
  }
  func.func @transform_0(%arg0: i32) -> (i32, i32) {
    %add3A = arith.constant 250 : i32
    %add3A_0 = arith.addi %arg0, %add3A : i32
    %c0_i32 = arith.constant 0 : i32
    %c0_i32_1 = arith.constant 0 : i32
    return %add3A_0, %c0_i32 : i32, i32
  }
  func.func @transform_1(%arg0: i32) -> (i32, i32) {
    %add3A = arith.constant 250 : i32
    %add3A_0 = arith.addi %arg0, %add3A : i32
    %c0_i32 = arith.constant 0 : i32
    %c0_i32_1 = arith.constant 0 : i32
    return %add3A_0, %c0_i32 : i32, i32
  }
  func.func @transform_2(%arg0: i32) -> (i32, i32, i32) {
    %add3A = arith.constant 250 : i32
    %add3A_0 = arith.addi %arg0, %add3A : i32
    %c0_i32 = arith.constant 0 : i32
    %c0_i32_1 = arith.constant 0 : i32
    %c0_i32_2 = arith.constant 0 : i32
    return %add3A_0, %c0_i32, %c0_i32_1 : i32, i32, i32
  }
  func.func @transform_3(%arg0: i32) -> (i32, i32) {
    %c0_i32 = arith.constant 0 : i32
    %c0_i32_0 = arith.constant 0 : i32
    %c0_i32_1 = arith.constant 0 : i32
    return %c0_i32, %c0_i32_0 : i32, i32
  }
  func.func @transform_4(%arg0: i32) -> (i32, i32) {
    %c0_i32 = arith.constant 0 : i32
    %c0_i32_0 = arith.constant 0 : i32
    %c0_i32_1 = arith.constant 0 : i32
    return %c0_i32, %c0_i32_0 : i32, i32
  }
  func.func @transform_5(%arg0: i32) -> (i32, i32) {
    %c0_i32 = arith.constant 0 : i32
    %c0_i32_0 = arith.constant 0 : i32
    %c0_i32_1 = arith.constant 0 : i32
    return %c0_i32, %c0_i32_0 : i32, i32
  }
  func.func @transform_6(%arg0: i32) -> (i32, i32) {
    %c0_i32 = arith.constant 0 : i32
    %c0_i32_0 = arith.constant 0 : i32
    %c0_i32_1 = arith.constant 0 : i32
    return %c0_i32, %c0_i32_0 : i32, i32
  }
  func.func @transform_7(%arg0: i32) -> (i32, i32) {
    %c0_i32 = arith.constant 0 : i32
    %c0_i32_0 = arith.constant 0 : i32
    %c0_i32_1 = arith.constant 0 : i32
    return %c0_i32, %c0_i32_0 : i32, i32
  }
  func.func @transform_8(%arg0: i32) -> (i32, i32) {
    %c0_i32 = arith.constant 0 : i32
    %c0_i32_0 = arith.constant 0 : i32
    %c0_i32_1 = arith.constant 0 : i32
    return %c0_i32, %c0_i32_0 : i32, i32
  }
  func.func @transform_9(%arg0: i32) -> (i32, i32) {
    %c0_i32 = arith.constant 0 : i32
    %c0_i32_0 = arith.constant 0 : i32
    %c0_i32_1 = arith.constant 0 : i32
    return %c0_i32, %c0_i32_0 : i32, i32
  }
  func.func @transform_10(%arg0: i32) -> (i32, i32) {
    %c0_i32 = arith.constant 0 : i32
    %c0_i32_0 = arith.constant 0 : i32
    %c0_i32_1 = arith.constant 0 : i32
    return %c0_i32, %c0_i32_0 : i32, i32
  }
  func.func @transform_11(%arg0: i32) -> (i32, i32) {
    %c0_i32 = arith.constant 0 : i32
    %c0_i32_0 = arith.constant 0 : i32
    %c0_i32_1 = arith.constant 0 : i32
    return %c0_i32, %c0_i32_0 : i32, i32
  }
  func.func @transform_12(%arg0: i32) -> (i32, i32) {
    %c0_i32 = arith.constant 0 : i32
    %c0_i32_0 = arith.constant 0 : i32
    %c0_i32_1 = arith.constant 0 : i32
    return %c0_i32, %c0_i32_0 : i32, i32
  }
  func.func @transform_13(%arg0: i32) -> (i32, i32) {
    %c0_i32 = arith.constant 0 : i32
    %c0_i32_0 = arith.constant 0 : i32
    %c0_i32_1 = arith.constant 0 : i32
    return %c0_i32, %c0_i32_0 : i32, i32
  }
  func.func @transform_14(%arg0: i32) -> (i32, i32) {
    %c0_i32 = arith.constant 0 : i32
    %c0_i32_0 = arith.constant 0 : i32
    %c0_i32_1 = arith.constant 0 : i32
    return %c0_i32, %c0_i32_0 : i32, i32
  }
  func.func @transform_15(%arg0: i32) -> (i32, i32) {
    %c0_i32 = arith.constant 0 : i32
    %c0_i32_0 = arith.constant 0 : i32
    return %arg0, %c0_i32 : i32, i32
  }
  func.func @transform_16(%arg0: i32) -> (i32, i32) {
    %c0_i32 = arith.constant 0 : i32
    %c0_i32_0 = arith.constant 0 : i32
    return %arg0, %c0_i32 : i32, i32
  }
}

module attributes {stable_mosaic.version = 14 : i64} {
  func.func @_combine_body(%arg0: i32, %arg1: memref<2x1000x128xf32, #tpu.memory_space<vmem>>, %arg2: memref<2x1000x128xf32, #tpu.memory_space<vmem>>, %arg3: memref<2x1000x128xf32, #tpu.memory_space<vmem>>, %arg4: memref<2x1000x128xf32, #tpu.memory_space<vmem>>, %arg5: memref<128x128xf32, #tpu.memory_space<vmem>>, %arg6: memref<1x128xf32, #tpu.memory_space<vmem>>, %arg7: memref<1000x128xf32, #tpu.memory_space<vmem>>) attributes {dimension_semantics = [#tpu.dimension_semantics<arbitrary>], iteration_bounds = array<i64: 10>, scalar_prefetch = 0 : i64, scratch_operands = 0 : i64, tpu.core_type = #tpu.core_type<tc>, window_params = [{transform_indices = @transform_0, window_bounds = array<i64: 2, 1000, 128>}, {transform_indices = @transform_1, window_bounds = array<i64: 2, 1000, 128>}, {transform_indices = @transform_2, window_bounds = array<i64: 2, 1000, 128>}, {transform_indices = @transform_3, window_bounds = array<i64: 2, 1000, 128>}, {pipeline_mode = #tpu.pipeline_mode<synchronous>, transform_indices = @transform_4, window_bounds = array<i64: 128, 128>}, {pipeline_mode = #tpu.pipeline_mode<synchronous>, transform_indices = @transform_5, window_bounds = array<i64: 1, 128>}, {transform_indices = @transform_6, window_bounds = array<i64: 1000, 128>}]} {
    %get3A = arith.constant 0 : index
    %get3A_0 = arith.constant 0 : index
    %get3A_1 = arith.constant 0 : index
    %get3A_2 = vector.load %arg1[%get3A, %get3A_0, %get3A_1] : memref<2x1000x128xf32, #tpu.memory_space<vmem>>, vector<1x1000x128xf32>
    %get3A_3 = vector.shape_cast %get3A_2 : vector<1x1000x128xf32> to vector<1000x128xf32>
    %get3A_4 = arith.constant 1 : index
    %get3A_5 = arith.constant 0 : index
    %get3A_6 = arith.constant 0 : index
    %get3A_7 = vector.load %arg1[%get3A_4, %get3A_5, %get3A_6] : memref<2x1000x128xf32, #tpu.memory_space<vmem>>, vector<1x1000x128xf32>
    %get3A_8 = vector.shape_cast %get3A_7 : vector<1x1000x128xf32> to vector<1000x128xf32>
    %add3A = arith.addf %get3A_3, %get3A_8 : vector<1000x128xf32>
    %get3A_9 = arith.constant 0 : index
    %get3A_10 = arith.constant 0 : index
    %get3A_11 = arith.constant 0 : index
    %get3A_12 = vector.load %arg3[%get3A_9, %get3A_10, %get3A_11] : memref<2x1000x128xf32, #tpu.memory_space<vmem>>, vector<1x1000x128xf32>
    %get3A_13 = vector.shape_cast %get3A_12 : vector<1x1000x128xf32> to vector<1000x128xf32>
    %get3A_14 = arith.constant 1 : index
    %get3A_15 = arith.constant 0 : index
    %get3A_16 = arith.constant 0 : index
    %get3A_17 = vector.load %arg3[%get3A_14, %get3A_15, %get3A_16] : memref<2x1000x128xf32, #tpu.memory_space<vmem>>, vector<1x1000x128xf32>
    %get3A_18 = vector.shape_cast %get3A_17 : vector<1x1000x128xf32> to vector<1000x128xf32>
    %add3A_19 = arith.addf %get3A_13, %get3A_18 : vector<1000x128xf32>
    %add3A_20 = arith.addf %add3A, %add3A_19 : vector<1000x128xf32>
    %get3A_21 = arith.constant 0 : index
    %get3A_22 = arith.constant 0 : index
    %get3A_23 = arith.constant 0 : index
    %get3A_24 = vector.load %arg2[%get3A_21, %get3A_22, %get3A_23] : memref<2x1000x128xf32, #tpu.memory_space<vmem>>, vector<1x1000x128xf32>
    %get3A_25 = vector.shape_cast %get3A_24 : vector<1x1000x128xf32> to vector<1000x128xf32>
    %get3A_26 = arith.constant 1 : index
    %get3A_27 = arith.constant 0 : index
    %get3A_28 = arith.constant 0 : index
    %get3A_29 = vector.load %arg2[%get3A_26, %get3A_27, %get3A_28] : memref<2x1000x128xf32, #tpu.memory_space<vmem>>, vector<1x1000x128xf32>
    %get3A_30 = vector.shape_cast %get3A_29 : vector<1x1000x128xf32> to vector<1000x128xf32>
    %add3A_31 = arith.addf %get3A_25, %get3A_30 : vector<1000x128xf32>
    %get3A_32 = arith.constant 0 : index
    %get3A_33 = arith.constant 0 : index
    %get3A_34 = arith.constant 0 : index
    %get3A_35 = vector.load %arg4[%get3A_32, %get3A_33, %get3A_34] : memref<2x1000x128xf32, #tpu.memory_space<vmem>>, vector<1x1000x128xf32>
    %get3A_36 = vector.shape_cast %get3A_35 : vector<1x1000x128xf32> to vector<1000x128xf32>
    %get3A_37 = arith.constant 1 : index
    %get3A_38 = arith.constant 0 : index
    %get3A_39 = arith.constant 0 : index
    %get3A_40 = vector.load %arg4[%get3A_37, %get3A_38, %get3A_39] : memref<2x1000x128xf32, #tpu.memory_space<vmem>>, vector<1x1000x128xf32>
    %get3A_41 = vector.shape_cast %get3A_40 : vector<1x1000x128xf32> to vector<1000x128xf32>
    %add3A_42 = arith.addf %get3A_36, %get3A_41 : vector<1000x128xf32>
    %add3A_43 = arith.addf %add3A_31, %add3A_42 : vector<1000x128xf32>
    %add3A_44 = arith.constant 1.000000e-16 : f32
    %add3A_45 = vector.broadcast %add3A_44 : f32 to vector<1000x128xf32>
    %add3A_46 = arith.addf %add3A_43, %add3A_45 : vector<1000x128xf32>
    %div3A = arith.divf %add3A_20, %add3A_46 : vector<1000x128xf32>
    %get3A_47 = arith.constant 0 : index
    %get3A_48 = arith.constant 0 : index
    %get3A_49 = vector.load %arg5[%get3A_47, %get3A_48] : memref<128x128xf32, #tpu.memory_space<vmem>>, vector<128x128xf32>
    %dot_general3A = arith.constant dense<0.000000e+00> : vector<1000x128xf32>
    %dot_general3A_50 = tpu.matmul %div3A, %get3A_49, %dot_general3A {dimension_numbers = #tpu.dot_dimension_numbers<[1], [0], [0], [1], [0, 0, 1, 1], [], []>, transpose_lhs_hint = false} : vector<1000x128xf32>, vector<128x128xf32>, vector<1000x128xf32> -> vector<1000x128xf32>
    %get3A_51 = arith.constant 0 : index
    %get3A_52 = arith.constant 0 : index
    %get3A_53 = vector.load %arg6[%get3A_51, %get3A_52] : memref<1x128xf32, #tpu.memory_space<vmem>>, vector<1x128xf32>
    %add3A_54 = vector.broadcast %get3A_53 : vector<1x128xf32> to vector<1000x128xf32>
    %add3A_55 = arith.addf %dot_general3A_50, %add3A_54 : vector<1000x128xf32>
    %swap3A = arith.constant 0 : index
    %swap3A_56 = arith.constant 0 : index
    %swap3A_57 = vector.load %arg7[%swap3A, %swap3A_56] : memref<1000x128xf32, #tpu.memory_space<vmem>>, vector<1000x128xf32>
    tpu.vector_store %arg7[%swap3A, %swap3A_56], %add3A_55 {strides = array<i32>} : memref<1000x128xf32, #tpu.memory_space<vmem>>, vector<1000x128xf32>,
    return
  }
  func.func @transform_0(%arg0: i32) -> (i32, i32, i32) {
    %c0_i32 = arith.constant 0 : i32
    %c0_i32_0 = arith.constant 0 : i32
    %c0_i32_1 = arith.constant 0 : i32
    return %c0_i32, %arg0, %c0_i32_0 : i32, i32, i32
  }
  func.func @transform_1(%arg0: i32) -> (i32, i32, i32) {
    %c0_i32 = arith.constant 0 : i32
    %c0_i32_0 = arith.constant 0 : i32
    %c0_i32_1 = arith.constant 0 : i32
    return %c0_i32, %arg0, %c0_i32_0 : i32, i32, i32
  }
  func.func @transform_2(%arg0: i32) -> (i32, i32, i32) {
    %c0_i32 = arith.constant 0 : i32
    %c0_i32_0 = arith.constant 0 : i32
    %c0_i32_1 = arith.constant 0 : i32
    return %c0_i32, %arg0, %c0_i32_0 : i32, i32, i32
  }
  func.func @transform_3(%arg0: i32) -> (i32, i32, i32) {
    %c0_i32 = arith.constant 0 : i32
    %c0_i32_0 = arith.constant 0 : i32
    %c0_i32_1 = arith.constant 0 : i32
    return %c0_i32, %arg0, %c0_i32_0 : i32, i32, i32
  }
  func.func @transform_4(%arg0: i32) -> (i32, i32) {
    %c0_i32 = arith.constant 0 : i32
    %c0_i32_0 = arith.constant 0 : i32
    %c0_i32_1 = arith.constant 0 : i32
    return %c0_i32, %c0_i32_0 : i32, i32
  }
  func.func @transform_5(%arg0: i32) -> (i32, i32) {
    %c0_i32 = arith.constant 0 : i32
    %c0_i32_0 = arith.constant 0 : i32
    %c0_i32_1 = arith.constant 0 : i32
    return %c0_i32, %c0_i32_0 : i32, i32
  }
  func.func @transform_6(%arg0: i32) -> (i32, i32) {
    %c0_i32 = arith.constant 0 : i32
    %c0_i32_0 = arith.constant 0 : i32
    return %arg0, %c0_i32 : i32, i32
  }
}

</mosaic_0001>

<sc_bundles>
// kernel: kernel.12.cloned.1.call-start
scs
__scs_entry_jumppad:
0x0: {  	(pc) =	sbr.rel $0x88, $3  }
0x1: {  	(tag) =	ssettag $0x0;
	lr =	simm.s32 $0x1  }
0x2: {  	[smem:$0x3F8F] =	sst lr;
	_ =	strace $0xD0000000  }
0x3: {  	_ = 	snop  }
0x4: {  	_ = 	snop  }
0x5: {  	_ = 	snop  }
0x6: {  	_ = 	snop  }
0x7: {  	_ = 	snop  }
__scs_overlays_trampoline_lowered:
0x8: {  	[smem:$0x3F9E] =	sst s0  }
0x9: {  	[smem:$0x3F9F] =	sst s1  }
0xa: {  	[smem:$0x3FA0] =	sst s2  }
0xb: {  	[smem:$0x3FA1] =	sst s3  }
0xc: {  	[smem:$0x3FA2] =	sst s4  }
0xd: {  	[smem:$0x3FA3] =	sst s5  }
0xe: {  	[smem:$0x3FA4] =	sst s6  }
0xf: {  	[smem:$0x3FA5] =	sst s7  }
0x10: {  	[smem:$0x3FA6] =	sst s8  }
0x11: {  	[smem:$0x3FA7] =	sst s9;
	s0 =	simm.s32 @!p0 $0x0  }
0x12: {  	s1 =	sld [smem:$0x3F8D];
	s0 =	simm.s32 @p0 $0x1  }
0x13: {  	[smem:$0x3FA8] =	sst s0;
	s0 =	simm.s32 @!p1 $0x0  }
0x14: {  	s2 =	sld [smem:$0x3F8C];
	s0 =	simm.s32 @p1 $0x1  }
0x15: {  	[smem:$0x3FA9] =	sst s0;
	s0 =	simm.s32 @!p2 $0x0  }
0x16: {  	s3 =	sld [smem:$0x3FDB];
	s0 =	simm.s32 @p2 $0x1  }
0x17: {  	s4 =	simm.s32 $0x1BF5;
	[smem:$0x3FAB] =	sst s0  }
0x18: {  	s0 =	sld [smem:$0x3F8E];
	_ =	swait.ge [sflag:s4], $0x0  }
0x19: {  	s7 =	sld [smem:$0x3F8F]  }
0x1a: {  	s8 =	sadd.s32 $0xFFFFE003, lr  }
0x1b: {  	s9 =	sadd.s32 $0xFFFFFEF7, lr;
	s5 =	simm.s32 $0xFFFFFFFF;
	p2 =	slt.u32 s8, $0xFFFFF086  }
0x1c: {  	p1 =	slt.u32 s9, $0xF7A;
	s5 =	simm.s32 @!p2 $0x0  }
0x1d: {  	s5 =	simm.s32 @p1 $0x1;
	p0 =	seq.s32 s7, s2  }
0x1e: {  	s7 =	smul.u32 @!p0 $0xF7A, s2;
	p2 =	seq.s32 @!p0 s5, $0x0  }
0x1f: {  	s9 =	smul.u32 $0xF7A, s1;
	s8 =	simm.s32 @!p0 $0x1BF5;
	p2 =	por !p2, p0  }
0x20: {  	[sflag:s8] =	ssyncset.s32 @!p0 $0xFFFFF086;
	s6 =	sadd.s32 @!p0 s3, s7;
	s7 =	simm.s32 @!p0 $0x108  }
0x21: {  	s3 =	sadd.s32 s3, s9;
	s6 =	sadd.s32 @!p0 $0x88, s6;
	s7 =	simm.s32 @p2 $0x1082  }
0x22: {  	[simem:s7], [sflag:s8] =	dma.local @!p0 [hbm:s6], $0xF7A  }
0x23: {  	s9 =	sor.u32 $0xD0000000, s2;
	s6 =	simm.s32 $0x108;
	_ =	swait.ge @!p0 [sflag:s8], $0x0  }
0x24: {  	s3 =	sadd.s32 $0x88, s3;
	s6 =	simm.s32 @!p1 $0x1082;
	[sflag:s4] =	ssyncset.s32 $0xFFFFF086  }
0x25: {  	[simem:s6], [sflag:s4] =	dma.local [hbm:s3], $0xF7A  }
0x26: {  	[smem:$0x3F8F] =	sst s1;
	(tag) =	ssettag s2;
	_ =	strace s9  }
0x27: {  	s1 =	sld [smem:$0x3F9F]  }
0x28: {  	s2 =	sld [smem:$0x3FA0]  }
0x29: {  	s4 =	sld [smem:$0x3FA2]  }
0x2a: {  	p0 =	seq.s32 s5, $0x0;
	s5 =	sld [smem:$0x3FA3]  }
0x2b: {  	s6 =	sld [smem:$0x3FA4]  }
0x2c: {  	s7 =	sld [smem:$0x3FA5]  }
0x2d: {  	s3 =	simm.s32 $0x108;
	s8 =	sld [smem:$0x3FA6]  }
0x2e: {  	s3 =	simm.s32 @!p0 $0x1082;
	s9 =	sld [smem:$0x3FA7]  }
0x2f: {  	lr =	sadd.s32 s0, s3;
	s0 =	sld [smem:$0x3F9E]  }
0x30: {  	s3 =	sld [smem:$0x3FA1]  }
0x31: {  	[smem:$0x3FAA] =	sst s10  }
0x32: {  	s10 =	sld [smem:$0x3FA8];
	_ =	sdelay $0x3  }
0x33: {  	p0 =	seq.s32 s10, $0x1;
	s10 =	sld [smem:$0x3FAA];
	_ =	sdelay $0x3  }
0x34: {  	[smem:$0x3FAA] =	sst s10  }
0x35: {  	s10 =	sld [smem:$0x3FA9];
	_ =	sdelay $0x3  }
0x36: {  	p1 =	seq.s32 s10, $0x1;
	s10 =	sld [smem:$0x3FAA];
	_ =	sdelay $0x3  }
0x37: {  	[smem:$0x3FAA] =	sst s10  }
0x38: {  	s10 =	sld [smem:$0x3FAB]  }
0x39: {  	_ = 	snop;
	(pc) =	sbr.ind lr, $3  }
0x3a: {  	_ = 	snop  }
0x3b: {  	_ = 	snop  }
0x3c: {  	p2 =	seq.s32 s10, $0x1;
	s10 =	sld [smem:$0x3FAA]  }
0x3d: {  	_ =	shalt  }
0x3e: {  	_ =	shalt  }
0x3f: {  	_ =	shalt  }
0x40: {  	_ =	shalt  }
0x41: {  	_ =	shalt  }
0x42: {  	_ =	shalt  }
0x43: {  	_ =	shalt  }
0x44: {  	_ =	shalt  }
0x45: {  	_ =	shalt  }
0x46: {  	_ =	shalt  }
0x47: {  	_ =	shalt  }
0x48: {  	_ =	shalt  }
0x49: {  	_ =	shalt  }
0x4a: {  	_ =	shalt  }
0x4b: {  	_ =	shalt  }
0x4c: {  	_ =	shalt  }
0x4d: {  	_ =	shalt  }
0x4e: {  	_ =	shalt  }
0x4f: {  	_ =	shalt  }
0x50: {  	_ =	shalt  }
0x51: {  	_ =	shalt  }
0x52: {  	_ =	shalt  }
0x53: {  	_ =	shalt  }
0x54: {  	_ =	shalt  }
0x55: {  	_ =	shalt  }
0x56: {  	_ =	shalt  }
0x57: {  	_ =	shalt  }
0x58: {  	_ =	shalt  }
0x59: {  	_ =	shalt  }
0x5a: {  	_ =	shalt  }
0x5b: {  	_ =	shalt  }
0x5c: {  	_ =	shalt  }
0x5d: {  	_ =	shalt  }
0x5e: {  	_ =	shalt  }
0x5f: {  	_ =	shalt  }
0x60: {  	_ =	shalt  }
0x61: {  	_ =	shalt  }
0x62: {  	_ =	shalt  }
0x63: {  	_ =	shalt  }
0x64: {  	_ =	shalt  }
0x65: {  	_ =	shalt  }
0x66: {  	_ =	shalt  }
0x67: {  	_ =	shalt  }
0x68: {  	_ =	shalt  }
0x69: {  	_ =	shalt  }
0x6a: {  	_ =	shalt  }
0x6b: {  	_ =	shalt  }
0x6c: {  	_ =	shalt  }
0x6d: {  	_ =	shalt  }
0x6e: {  	_ =	shalt  }
0x6f: {  	_ =	shalt  }
0x70: {  	_ =	shalt  }
0x71: {  	_ =	shalt  }
0x72: {  	_ =	shalt  }
0x73: {  	_ =	shalt  }
0x74: {  	_ =	shalt  }
0x75: {  	_ =	shalt  }
0x76: {  	_ =	shalt  }
0x77: {  	_ =	shalt  }
0x78: {  	_ =	shalt  }
0x79: {  	_ =	shalt  }
0x7a: {  	_ =	shalt  }
0x7b: {  	_ =	shalt  }
0x7c: {  	_ =	shalt  }
0x7d: {  	_ =	shalt  }
0x7e: {  	_ =	shalt  }
0x7f: {  	_ =	shalt  }
0x80: {  	_ =	shalt  }
0x81: {  	_ =	shalt  }
0x82: {  	_ =	shalt  }
0x83: {  	_ =	shalt  }
0x84: {  	_ =	shalt  }
0x85: {  	_ =	shalt  }
0x86: {  	_ =	shalt  }
0x87: {  	_ =	shalt  }
.Lfunc_end0:
.L_simem_size_0:
called_computation.1_lowered:
.L_overlay_start_0:
0x88: {  	s2 =	sld [smem:$0x3FD9]  }
0x89: {  	s3 =	sld [smem:$0x3FFE];
	_ =	sdelay $0x1  }
0x8a: {  	s1 =	srdreg.scid  }
0x8b: {  	s0 =	sand.u32 $0x1, s1  }
0x8c: {  	s17 =	sshll.u32 s0, $0xA;
	s2 =	sadd.s32 s3, s2  }
0x8d: {  	s2 =	sadd.s32 s2, s17  }
0x8e: {  	[smem:$0x3FB6] =	sst s2  }
0x8f: {  	_ = 	snop  }
0x90: {  	s2 =	sld [smem:$0x3FC8];
	(tm) =	ssettm $0x1  }
0x91: {  	s18 =	sld [smem:$0x3FFB];
	_ =	sdelay $0x3  }
0x92: {  	_ =	strace s18  }
0x93: {  	s3 =	sld [smem:$0x3FFC];
	_ =	sdelay $0x3  }
0x94: {  	_ =	strace s3  }
0x95: {  	s3 =	sld [smem:$0x3FFD];
	_ =	sdelay $0x3  }
0x96: {  	_ =	strace s3  }
0x97: {  	_ =	strace $0x8FFFFFFF  }
0x98: {  	s19 =	sld [smem:$0x3FDB];
	_ =	sdelay $0x1  }
0x99: {  	s4 =	simm.s32 $_scs_section_size  }
0x9a: {  	s5 =	simm.s32 $_size__tile_overlayer_lowered;
	s6 =	simm.s32 $_tile_overlayer_lowered  }
0x9b: {  	s22 =	simm.s32 $0x1BFF;
	s21 =	sshll.u32 s6, $0x1;
	s3 =	sadd.s32 s4, s19  }
0x9c: {  	s7 =	simm.s32 $0x0;
	s20 =	sshll.u32 s5, $0x1;
	s5 =	sadd.s32 s21, s3  }
0x9d: {  	[timem:s7], [sflag:s22] =	dma.local [hbm:s5], s20  }
0x9e: {  	_ =	swait.ge [sflag:s22], s20  }
0x9f: {  	s4 =	ssub.s32 $0x0, s20;
	[sflag:s22] =	ssyncset.done $0x0  }
0xa0: {  	[sflag:s22] =	ssyncadd.s32 s4;
	_ =	sdelay $0x1  }
0xa1: {  	s23 =	simm.s32 $0x1B8B  }
0xa2: {  	_ =	swait.ge [sflag:s23], $0x1  }
0xa3: {  	[sflag:s23] =	ssyncset.done $0x0  }
0xa4: {  	s25 =	simm.s32 $0x1B8E;
	s24 =	sld [smem:$0x3FFE];
	[sflag:s23] =	ssyncadd.s32 $0xFFFFFFFF  }
0xa5: {  	s26 =	simm.s32 $execute0_lowered;
	[smem:$0x3FD2] =	sst s25  }
0xa6: {  	s5 =	sshll.u32 s26, $0x1;
	_ =	strace $0x80000049;
	[dreg:$0x1] =	wrdreg $0xFFFFFFFF  }
0xa7: {  	s28 =	simm.s32 $_size_execute0_lowered;
	s3 =	sadd.s32 s3, s5;
	[dreg:$0x0] =	wrdreg $0x0  }
0xa8: {  	s5 =	sshll.u32 s28, $0x1;
	[dreg:$0x2] =	wrdreg s3  }
0xa9: {  	[dreg:$0x3] =	wrdreg s5  }
0xaa: {  	[dreg:$0x4] =	wrdreg $0xC0  }
0xab: {  	_ =	task [dreg:s7], $0x5FFFF  }
0xac: {  	[dreg:$0x1] =	wrdreg $0xFFFFFFFF  }
0xad: {  	[dreg:$0x0] =	wrdreg $0x60  }
0xae: {  	[dreg:$0x2] =	wrdreg s24  }
0xaf: {  	[dreg:$0x3] =	wrdreg s2  }
0xb0: {  	[dreg:$0x4] =	wrdreg $0x0  }
0xb1: {  	[dreg:$0x5] =	wrdreg $0x9  }
0xb2: {  	_ =	task.clear_ibuf [dreg:s7], $0x6FFFF;
	_ =	strace $0x90000049  }
0xb3: {  	s29 =	simm.s32 $0x9;
	_ =	strace $0x8000004B  }
0xb4: {  	_ =	swait.ge [sflag:s29], $0x1  }
0xb5: {  	[sflag:s29] =	ssyncadd.s32 $0xFFFFFFFF  }
0xb6: {  	_ =	strace $0x9000004B  }
0xb7: {  	_ =	sfence  }
0xb8: {  	s30 =	sld [smem:$0x0];
	_ =	sdelay $0x2  }
0xb9: {  	s31 =	sshll.u32 s1, $0xD;
	s1 =	sshrl.u32 s1, $0x2  }
0xba: {  	s3 =	sand.u32 $0x4000, s31;
	s1 =	sadd.s32 s1, s30  }
0xbb: {  	s0 =	sor.u32 s3, s0;
	s1 =	sshll.u32 s1, $0x11  }
0xbc: {  	s0 =	sor.u32 s1, s0  }
0xbd: {  	s0 =	sadd.s32 $0x8F2B, s0  }
0xbe: {  	[sflag:s0] =	ssyncadd.remote.s32 $0x1  }
0xbf: {  	_ =	sfence.sel $0xFFFF  }
0xc0: {  	[dreg:$0x0] =	wrdreg $0xFFFFFFFF;
	(pc) =	sbr.abs _section_cstart, $3  }
0xc1: {  	[dreg:$0x1] =	wrdreg $0xFFFFFFFF  }
0xc2: {  	_ =	task.clear_ibuf [dreg:s7], $0x2FFFF;
	_ =	strace $0x9FFFFFFF  }
0xc3: {  	(tm) =	ssettm $0x7FFFFFFF  }
tec
execute0_lowered:
.L_overlay_start_1:
0x0: {  	(tag) =	ssettag $0x1  }
0x1: {  	s0 =	rddreg [dreg:$0x0]  }
0x2: {  	s1 =	rddreg [dreg:$0x1]  }
0x3: {  	s2 =	rddreg [dreg:$0x2];
	s3 =	simm.s32 $0x0;
	s14 =	stileid.u32  }
0x4: {  	s4 =	srdreg.scid;
	s28 =	simm.s32 $0x14080;
	s7 =	smul.u32 $0x50000, s14  }
0x5: {  	s29 =	simm.s32 $0x5;
	s30 =	simm.s32 $0x14000;
	s17 =	smul.u32 $0x14000, s14  }
0x6: {  	[smem:$0x7FF] =	sst s3;
	s6 =	sadd.s32 $0x759400, s0;
	s23 =	smul.u32 $0x1388, s14  }
0x7: {  	s4 =	sand.u32 $0x1, s4;
	s0 =	sadd.s32 $0x2C8600, s0;
	s24 =	smul.u32 $0x13880, s14  }
0x8: {  	s31 =	simm.s32 $0x1;
	_ =	strace $0x8000004A;
	s18 =	smul.u32 $0x140000, s4  }
0x9: {  	s5 =	sshll.u32 s4, $0x4;
	s8 =	ssub.s32 $0x2, s4;
	s22 =	smul.u32 $0x138800, s4  }
0xa: {  	s4 =	smul.u32 $0x13880, s4;
	s5 =	sor.u32 s14, s5;
	s10 =	sshrl.u32 s8, $0x1  }
0xb: {  	s7 =	sshrl.u32 s7, $0x2;
	s20 =	sadd.s32 $0x4000, s17;
	s9 =	smul.u32 $0x1388, s5  }
0xc: {  	s12 =	sadd.s32 $0x8000, s17;
	s11 =	smul.u32 $0x13880, s5;
	s8 =	ssub.s32 s8, s10  }
0xd: {  	s5 =	sadd.s32 s7, s2;
	s25 =	sadd.s32 s18, s17;
	s26 =	sadd.s32 s18, s20  }
0xe: {  	s10 =	sadd.s32 $0x10000, s17;
	s8 =	smax.u32 s8, $0x1;
	s19 =	sadd.s32 $0x4000, s5  }
0xf: {  	s13 =	sshrl.u32 s9, $0x3;
	s15 =	sadd.s32 s6, s11;
	[dreg:$0x8] =	wrdreg s8  }
0x10: {  	s16 =	sadd.s32 $0x1380, s9;
	[dreg:$0x9] =	wrdreg s19;
	s11 =	sshrl.u32 s26, $0x3  }
0x11: {  	s19 =	sadd.s32 s20, s2;
	s20 =	sadd.s32 s12, s2;
	s8 =	simm.s32 $0x3  }
0x12: {  	s7 =	sadd.s32 s1, s13;
	[dreg:$0x5] =	wrdreg s15;
	s9 =	sshrl.u32 s16, $0x3  }
0x13: {  	s13 =	sadd.s32 s18, s12;
	s11 =	sadd.s32 s0, s11;
	s12 =	simm.s32 $0x0  }
0x14: {  	[dreg:$0x4] =	wrdreg s7;
	s7 =	sshll.u32 s16, $0x4;
	s9 =	sadd.s32 s1, s9  }
0x15: {  	[dreg:$0xb] =	wrdreg s11;
	s15 =	sshrl.u32 s13, $0x3;
	s16 =	sadd.s32 $0xC000, s17  }
0x16: {  	s17 =	sadd.s32 $0x8000, s5;
	[dreg:$0x6] =	wrdreg s9;
	s7 =	sadd.s32 s6, s7  }
0x17: {  	s9 =	sshrl.u32 s25, $0x3;
	s21 =	sadd.s32 s18, s16;
	s6 =	sadd.s32 s22, s6  }
0x18: {  	s22 =	sadd.s32 s10, s2;
	[dreg:$0x7] =	wrdreg s7;
	s9 =	sadd.s32 s0, s9  }
0x19: {  	s7 =	sadd.s32 s18, s10;
	s11 =	sshrl.u32 s21, $0x3;
	s18 =	sadd.s32 $0xC000, s5  }
0x1a: {  	s25 =	sadd.s32 s24, s6;
	s21 =	sadd.s32 s16, s2;
	s10 =	simm.s32 $0x1C100  }
0x1b: {  	[dreg:$0xa] =	wrdreg s9;
	s9 =	sadd.s32 s0, s15;
	s7 =	sshrl.u32 s7, $0x3  }
0x1c: {  	s11 =	sadd.s32 s0, s11;
	s14 =	sadd.s32 $0x1000, s25;
	[dreg:$0xc] =	wrdreg s9  }
0x1d: {  	[dreg:$0xd] =	wrdreg s11;
	s0 =	sadd.s32 s0, s7;
	s7 =	simm.s32 $0x80  }
0x1e: {  	s9 =	simm.s32 $0x4;
	[dreg:$0xe] =	wrdreg s0;
	s0 =	sadd.s32 s23, s4  }
0x1f: {  	s11 =	simm.s32 $0x1C180;
	s4 =	simm.s32 $0x18080;
	s26 =	sadd.s32 $0x80, s0  }
0x20: {  	s15 =	sadd.s32 $0x100, s0;
	s0 =	simm.s32 $0x2;
	s6 =	sshrl.u32 s26, $0x3  }
0x21: {  	v0 =	vimm.f32 $0.0e+00;
	s26 =	sadd.s32 $0x10000, s5;
	s25 =	sadd.s32 s6, s1;
	s6 =	simm.s32 $0x18100  }
.LBB2_1:
0x22: {  	s13 =	simm.s32 $0x0;
	s23 =	simm.s32 $0x200  }
.LBB2_2:
0x23: {  	p0 =	sne.s32 s23, $0xFE00;
	[tilespmem:s13+$0x140F0] =	vst v0  }
0x24: {  	[tilespmem:s13+$0x14080] =	vst v0  }
0x25: {  	[tilespmem:s13+$0x14090] =	vst v0  }
.Ltmp0:
0x26: {  	[tilespmem:s13+$0x140A0] =	vst v0;
	(pc) =	sbr.rel @p0 .LBB2_2-.Ltmp0, $4  }
0x27: {  	[tilespmem:s13+$0x140B0] =	vst v0  }
0x28: {  	[tilespmem:s13+$0x140C0] =	vst v0  }
0x29: {  	[tilespmem:s13+$0x140D0] =	vst v0  }
0x2a: {  	[tilespmem:s13+$0x140E0] =	vst v0;
	s13 =	sshra.s32 s23, $0x2;
	s23 =	sadd.s32 $0x200, s23  }
0x2b: {  	[tilespmem:s13+$0x140F0] =	vst v0  }
0x2c: {  	[tilespmem:s13+$0x14080] =	vst v0  }
0x2d: {  	[tilespmem:s13+$0x14090] =	vst v0  }
0x2e: {  	[tilespmem:s13+$0x140A0] =	vst v0  }
0x2f: {  	[tilespmem:s13+$0x140B0] =	vst v0  }
0x30: {  	[tilespmem:s13+$0x140C0] =	vst v0  }
0x31: {  	[tilespmem:s13+$0x140D0] =	vst v0  }
0x32: {  	[tilespmem:s13+$0x140E0] =	vst v0  }
0x33: {  	[spmem:s5] =	stream.linear.scatter [tilespmem:s28], [sflag:$0x5], $0x4000, $0x38;
	[tilespmem:$0x1C580] =	vst v63  }
0x34: {  	_ =	swait.ge [sflag:s29], $0x4000  }
0x35: {  	[sflag:s29] =	ssyncset.done $0x0  }
0x36: {  	s16 =	rddreg [dreg:$0x9];
	[sflag:s29] =	ssyncadd.s32 $0xFFFFC000  }
0x37: {  	[spmem:s16] =	stream.linear.scatter [tilespmem:s28], [sflag:$0x5], $0x4000, $0x38;
	[tilespmem:$0x1C580] =	vst v63  }
0x38: {  	_ =	swait.ge [sflag:s29], $0x4000  }
0x39: {  	[sflag:s29] =	ssyncset.done $0x0  }
0x3a: {  	[sflag:s29] =	ssyncadd.s32 $0xFFFFC000  }
0x3b: {  	[spmem:s17] =	stream.linear.scatter [tilespmem:s28], [sflag:$0x5], $0x4000, $0x38;
	[tilespmem:$0x1C580] =	vst v63  }
0x3c: {  	_ =	swait.ge [sflag:s29], $0x4000  }
0x3d: {  	[sflag:s29] =	ssyncset.done $0x0  }
0x3e: {  	[sflag:s29] =	ssyncadd.s32 $0xFFFFC000  }
0x3f: {  	[spmem:s18] =	stream.linear.scatter [tilespmem:s28], [sflag:$0x5], $0x4000, $0x38;
	[tilespmem:$0x1C580] =	vst v63  }
0x40: {  	_ =	swait.ge [sflag:s29], $0x4000  }
0x41: {  	[sflag:s29] =	ssyncset.done $0x0  }
0x42: {  	[sflag:s29] =	ssyncadd.s32 $0xFFFFC000  }
0x43: {  	[spmem:s26] =	stream.linear.scatter [tilespmem:s28], [sflag:$0x5], $0x4000, $0x38;
	[tilespmem:$0x1C580] =	vst v63  }
0x44: {  	_ =	swait.ge [sflag:s29], $0x4000  }
0x45: {  	[sflag:s29] =	ssyncset.done $0x0  }
0x46: {  	[sflag:s29] =	ssyncadd.s32 $0xFFFFC000  }
0x47: {  	[bflag:$0x0] =	sbarrier.arrive $0xFFFF  }
0x48: {  	s23 =	simm.s32 $0x0;
	s16 =	rddreg [dreg:$0x4]  }
0x49: {  	[tilespmem:s30], [sflag:$0x1] =	stream.linear.gather [hbm4b:s16+s23], $0x80, $0x38;
	[tilespmem:$0x1C580] =	vst v63  }
0x4a: {  	s24 =	rddreg [dreg:$0x5]  }
0x4b: {  	[tilespmem:s28], [sflag:$0x2] =	stream.linear.gather [hbm4b:s24+s23], $0x4000, $0x38;
	[tilespmem:$0x1C580] =	vst v63  }
0x4c: {  	_ =	swait.ge [sflag:s31], $0x80  }
0x4d: {  	[sflag:s31] =	ssyncset.done $0x0  }
0x4e: {  	[sflag:s31] =	ssyncadd.s32 $0xFFFFFF80  }
0x4f: {  	_ =	swait.ge [sflag:s0], $0x4000  }
0x50: {  	[sflag:s0] =	ssyncset.done $0x0  }
0x51: {  	s16 =	sadd.s32 $0x0, s25;
	[sflag:s0] =	ssyncadd.s32 $0xFFFFC000  }
0x52: {  	[tilespmem:s4], [sflag:$0x3] =	stream.linear.gather [hbm4b:s16+s3], $0x80, $0x38;
	[tilespmem:$0x1C580] =	vst v63  }
0x53: {  	s23 =	sadd.s32 $0xFFFFF800, s14  }
0x54: {  	[tilespmem:s6], [sflag:$0x4] =	stream.linear.gather [hbm4b:s23+s3], $0x4000, $0x38;
	[tilespmem:$0x1C580] =	vst v63  }
0x55: {  	_ = 	snop  }
0x56: {  	[spmem:s2] =	stream.indirect.scatter.add.f32 [tilespmem:s28], [sflag:$0x5], $0x80, s30, s7, $0xb8;
	[tilespmem:$0x1C580] =	vst v63  }
0x57: {  	_ =	swait.ge [sflag:s29], $0x4000  }
0x58: {  	[sflag:s29] =	ssyncset.done $0x0  }
0x59: {  	[sflag:s29] =	ssyncadd.s32 $0xFFFFC000  }
0x5a: {  	_ =	swait.ge [sflag:s8], $0x80  }
0x5b: {  	[sflag:s8] =	ssyncset.done $0x0  }
0x5c: {  	[sflag:s8] =	ssyncadd.s32 $0xFFFFFF80  }
0x5d: {  	_ =	swait.ge [sflag:s9], $0x4000  }
0x5e: {  	s24 =	sshrl.u32 s15, $0x3;
	[sflag:s9] =	ssyncset.done $0x0  }
0x5f: {  	s13 =	sadd.s32 s1, s24;
	[sflag:s9] =	ssyncadd.s32 $0xFFFFC000  }
0x60: {  	[tilespmem:s30], [sflag:$0x1] =	stream.linear.gather [hbm4b:s13+s3], $0x80, $0x38;
	[tilespmem:$0x1C580] =	vst v63  }
0x61: {  	_ = 	snop  }
0x62: {  	[tilespmem:s28], [sflag:$0x2] =	stream.linear.gather [hbm4b:s14+s3], $0x4000, $0x38;
	[tilespmem:$0x1C580] =	vst v63  }
0x63: {  	_ = 	snop  }
0x64: {  	[spmem:s2] =	stream.indirect.scatter.add.f32 [tilespmem:s6], [sflag:$0x5], $0x80, s4, s7, $0xb8;
	[tilespmem:$0x1C580] =	vst v63  }
0x65: {  	s24 =	smov.u32 s15;
	_ =	swait.ge [sflag:s29], $0x4000  }
0x66: {  	s23 =	smov.u32 s14;
	s13 =	simm.s32 $0x20;
	[sflag:s29] =	ssyncset.done $0x0  }
.LBB2_4:
0x67: {  	[sflag:s29] =	ssyncadd.s32 $0xFFFFC000;
	s23 =	sadd.s32 $0x1000, s23;
	s24 =	sadd.s32 $0x100, s24  }
0x68: {  	p0 =	sne.s32 s13, $0x240;
	s16 =	smov.u32 s13;
	s13 =	sadd.s32 $0x20, s13  }
0x69: {  	_ =	swait.ge [sflag:s31], $0x80  }
0x6a: {  	[sflag:s31] =	ssyncset.done $0x0  }
0x6b: {  	[sflag:s31] =	ssyncadd.s32 $0xFFFFFF80  }
0x6c: {  	_ =	swait.ge [sflag:s0], $0x4000  }
0x6d: {  	[sflag:s0] =	ssyncset.done $0x0  }
0x6e: {  	s16 =	sadd.s32 s16, s25;
	[sflag:s0] =	ssyncadd.s32 $0xFFFFC000  }
0x6f: {  	[tilespmem:s4], [sflag:$0x3] =	stream.linear.gather [hbm4b:s16+s3], $0x80, $0x38;
	[tilespmem:$0x1C580] =	vst v63  }
0x70: {  	s16 =	sadd.s32 $0xFFFFF800, s23  }
0x71: {  	[tilespmem:s6], [sflag:$0x4] =	stream.linear.gather [hbm4b:s16+s3], $0x4000, $0x38;
	[tilespmem:$0x1C580] =	vst v63  }
0x72: {  	_ = 	snop  }
0x73: {  	[spmem:s2] =	stream.indirect.scatter.add.f32 [tilespmem:s28], [sflag:$0x5], $0x80, s30, s7, $0xb8;
	[tilespmem:$0x1C580] =	vst v63  }
0x74: {  	_ =	swait.ge [sflag:s29], $0x4000  }
0x75: {  	[sflag:s29] =	ssyncset.done $0x0  }
0x76: {  	[sflag:s29] =	ssyncadd.s32 $0xFFFFC000  }
0x77: {  	_ =	swait.ge [sflag:s8], $0x80  }
0x78: {  	[sflag:s8] =	ssyncset.done $0x0  }
0x79: {  	[sflag:s8] =	ssyncadd.s32 $0xFFFFFF80  }
0x7a: {  	_ =	swait.ge [sflag:s9], $0x4000  }
0x7b: {  	s16 =	sshrl.u32 s24, $0x3;
	[sflag:s9] =	ssyncset.done $0x0  }
0x7c: {  	s16 =	sadd.s32 s1, s16;
	[sflag:s9] =	ssyncadd.s32 $0xFFFFC000  }
0x7d: {  	[tilespmem:s30], [sflag:$0x1] =	stream.linear.gather [hbm4b:s16+s3], $0x80, $0x38;
	[tilespmem:$0x1C580] =	vst v63  }
0x7e: {  	_ = 	snop  }
0x7f: {  	[tilespmem:s28], [sflag:$0x2] =	stream.linear.gather [hbm4b:s23+s3], $0x4000, $0x38;
	[tilespmem:$0x1C580] =	vst v63  }
.Ltmp1:
0x80: {  	_ = 	snop;
	(pc) =	sbr.rel @p0 .LBB2_4-.Ltmp1, $4  }
0x81: {  	_ = 	snop  }
0x82: {  	[spmem:s2] =	stream.indirect.scatter.add.f32 [tilespmem:s6], [sflag:$0x5], $0x80, s4, s7, $0xb8;
	[tilespmem:$0x1C580] =	vst v63  }
0x83: {  	_ =	swait.ge [sflag:s29], $0x4000  }
0x84: {  	[sflag:s29] =	ssyncset.done $0x0  }
0x85: {  	[sflag:s29] =	ssyncadd.s32 $0xFFFFC000  }
0x86: {  	_ =	swait.ge [sflag:s31], $0x80  }
0x87: {  	[sflag:s31] =	ssyncset.done $0x0  }
0x88: {  	[sflag:s31] =	ssyncadd.s32 $0xFFFFFF80  }
0x89: {  	_ =	swait.ge [sflag:s0], $0x4000  }
0x8a: {  	[sflag:s0] =	ssyncset.done $0x0  }
0x8b: {  	[sflag:s0] =	ssyncadd.s32 $0xFFFFC000  }
0x8c: {  	[spmem:s2] =	stream.indirect.scatter.add.f32 [tilespmem:s28], [sflag:$0x5], $0x80, s30, s7, $0xb8;
	[tilespmem:$0x1C580] =	vst v63  }
0x8d: {  	_ =	swait.ge [sflag:s29], $0x4000  }
0x8e: {  	[sflag:s29] =	ssyncset.done $0x0  }
0x8f: {  	s13 =	rddreg [dreg:$0x6];
	[sflag:s29] =	ssyncadd.s32 $0xFFFFC000  }
0x90: {  	[tilespmem:s10], [sflag:$0x5] =	stream.linear.gather [hbm4b:s13+s3], $0x8, $0x38;
	[tilespmem:$0x1C580] =	vst v63  }
0x91: {  	_ =	swait.ge [sflag:s29], $0x8  }
0x92: {  	[sflag:s29] =	ssyncset.done $0x0  }
0x93: {  	s23 =	rddreg [dreg:$0x7];
	[sflag:s29] =	ssyncadd.s32 $0xFFFFFFF8  }
0x94: {  	[tilespmem:s11], [sflag:$0x5] =	stream.linear.gather [hbm4b:s23+s3], $0x400, $0x38;
	[tilespmem:$0x1C580] =	vst v63  }
0x95: {  	_ =	swait.ge [sflag:s29], $0x400  }
0x96: {  	[sflag:s29] =	ssyncset.done $0x0  }
0x97: {  	s24 =	simm.s32 $0x8;
	[sflag:s29] =	ssyncadd.s32 $0xFFFFFC00  }
0x98: {  	[spmem:s2] =	stream.indirect.scatter.add.f32 [tilespmem:s11], [sflag:$0x5], $0x80, s10, s24, $0xb8;
	[tilespmem:$0x1C580] =	vst v63  }
0x99: {  	_ =	swait.ge [sflag:s29], $0x400  }
0x9a: {  	[sflag:s29] =	ssyncset.done $0x0  }
0x9b: {  	[sflag:s29] =	ssyncadd.s32 $0xFFFFFC00  }
0x9c: {  	[bflag:$0x0] =	sbarrier.arrive $0xFFFF  }
0x9d: {  	[tilespmem:s28], [sflag:$0x5] =	stream.linear.gather [spmem:s5], $0x4000, $0x38;
	[tilespmem:$0x1C580] =	vst v63  }
0x9e: {  	_ =	swait.ge [sflag:s29], $0x4000  }
0x9f: {  	[sflag:s29] =	ssyncset.done $0x0  }
0xa0: {  	s16 =	rddreg [dreg:$0xa];
	[sflag:s29] =	ssyncadd.s32 $0xFFFFC000  }
0xa1: {  	[hbm4b:s16+s3] =	stream.linear.scatter [tilespmem:s28], [sflag:$0x5], $0x4000, $0x38;
	[tilespmem:$0x1C580] =	vst v63  }
0xa2: {  	_ =	swait.ge [sflag:s29], $0x4000  }
0xa3: {  	[sflag:s29] =	ssyncset.done $0x0  }
0xa4: {  	[sflag:s29] =	ssyncadd.s32 $0xFFFFC000  }
0xa5: {  	[tilespmem:s28], [sflag:$0x5] =	stream.linear.gather [spmem:s19], $0x4000, $0x38;
	[tilespmem:$0x1C580] =	vst v63  }
0xa6: {  	_ =	swait.ge [sflag:s29], $0x4000  }
0xa7: {  	[sflag:s29] =	ssyncset.done $0x0  }
0xa8: {  	s23 =	rddreg [dreg:$0xb];
	[sflag:s29] =	ssyncadd.s32 $0xFFFFC000  }
0xa9: {  	[hbm4b:s23+s3] =	stream.linear.scatter [tilespmem:s28], [sflag:$0x5], $0x4000, $0x38;
	[tilespmem:$0x1C580] =	vst v63  }
0xaa: {  	_ =	swait.ge [sflag:s29], $0x4000  }
0xab: {  	[sflag:s29] =	ssyncset.done $0x0  }
0xac: {  	[sflag:s29] =	ssyncadd.s32 $0xFFFFC000  }
0xad: {  	[tilespmem:s28], [sflag:$0x5] =	stream.linear.gather [spmem:s20], $0x4000, $0x38;
	[tilespmem:$0x1C580] =	vst v63  }
0xae: {  	_ =	swait.ge [sflag:s29], $0x4000  }
0xaf: {  	[sflag:s29] =	ssyncset.done $0x0  }
0xb0: {  	s24 =	rddreg [dreg:$0xc];
	[sflag:s29] =	ssyncadd.s32 $0xFFFFC000  }
0xb1: {  	[hbm4b:s24+s3] =	stream.linear.scatter [tilespmem:s28], [sflag:$0x5], $0x4000, $0x38;
	[tilespmem:$0x1C580] =	vst v63  }
0xb2: {  	_ =	swait.ge [sflag:s29], $0x4000  }
0xb3: {  	[sflag:s29] =	ssyncset.done $0x0  }
0xb4: {  	[sflag:s29] =	ssyncadd.s32 $0xFFFFC000  }
0xb5: {  	[tilespmem:s28], [sflag:$0x5] =	stream.linear.gather [spmem:s21], $0x4000, $0x38;
	[tilespmem:$0x1C580] =	vst v63  }
0xb6: {  	_ =	swait.ge [sflag:s29], $0x4000  }
0xb7: {  	[sflag:s29] =	ssyncset.done $0x0  }
0xb8: {  	s16 =	rddreg [dreg:$0xd];
	[sflag:s29] =	ssyncadd.s32 $0xFFFFC000  }
0xb9: {  	[hbm4b:s16+s3] =	stream.linear.scatter [tilespmem:s28], [sflag:$0x5], $0x4000, $0x38;
	[tilespmem:$0x1C580] =	vst v63  }
0xba: {  	_ =	swait.ge [sflag:s29], $0x4000  }
0xbb: {  	[sflag:s29] =	ssyncset.done $0x0  }
0xbc: {  	[sflag:s29] =	ssyncadd.s32 $0xFFFFC000  }
0xbd: {  	[tilespmem:s28], [sflag:$0x5] =	stream.linear.gather [spmem:s22], $0x4000, $0x38;
	[tilespmem:$0x1C580] =	vst v63  }
0xbe: {  	_ =	swait.ge [sflag:s29], $0x4000  }
0xbf: {  	[sflag:s29] =	ssyncset.done $0x0  }
0xc0: {  	s23 =	rddreg [dreg:$0xe];
	[sflag:s29] =	ssyncadd.s32 $0xFFFFC000  }
0xc1: {  	[hbm4b:s23+s3] =	stream.linear.scatter [tilespmem:s28], [sflag:$0x5], $0x4000, $0x38;
	[tilespmem:$0x1C580] =	vst v63  }
0xc2: {  	_ =	swait.ge [sflag:s29], $0x4000  }
0xc3: {  	s12 =	sadd.s32 $0x1, s12;
	s24 =	rddreg [dreg:$0x8]  }
0xc4: {  	p0 =	sne.s32 s12, s24  }
.Ltmp2:
0xc5: {  	_ = 	snop;
	(pc) =	sbr.rel @p0 .LBB2_1-.Ltmp2, $3  }
0xc6: {  	_ =	sdelay $0x1  }
0xc7: {  	[sflag:s29] =	ssyncset.done $0x0  }
0xc8: {  	[sflag:s29] =	ssyncadd.s32 $0xFFFFC000  }
0xc9: {  	_ =	sfence.sel $0x180000  }
0xca: {  	[bflag:$0x0] =	sbarrier.arrive $0xFFFF  }
0xcb: {  	_ =	strace $0x9000004A  }
0xcc: {  	s0 =	stileid.u32;
	[bflag:$0x2] =	sbarrier.arrive $0xFFFF  }
0xcd: {  	p0 =	sne.s32 s0, $0x0;
	s0 =	rddreg [dreg:$0x3]  }
0xce: {  	s0 =	sadd.s32 @!p0 $0x100000, s0  }
0xcf: {  	[sflag:s0] =	ssyncadd.tile.s32 @!p0 $0x1;
	_ =	shalt  }
.Lfunc_end2:
_tile_overlayer_lowered:
.L_overlay_start_2:
0xd0: {  	(tag) =	ssettag $0x2  }
0xd1: {  	s0 =	rddreg [dreg:$0x0];
	s2 =	stileid.u32  }
0xd2: {  	s1 =	rddreg [dreg:$0x1];
	p0 =	sne.s32 s2, $0x0  }
0xd3: {  	s3 =	rddreg [dreg:$0x2];
	[bflag:$0x3] =	sbarrier.arrive $0xFFFF;
	s2 =	simm.s32 @!p0 $0x1C05  }
0xd4: {  	[timem:s3], [sflag:s2] =	dma.local @!p0 [hbm:s0], s1  }
0xd5: {  	s0 =	simm.s32 @!p0 $0x5  }
0xd6: {  	_ =	swait.ge @!p0 [sflag:s0], s1  }
0xd7: {  	s1 =	ssub.s32 @!p0 $0x0, s1;
	[sflag:s0] =	ssyncset.done @!p0 $0x0  }
0xd8: {  	[sflag:s0] =	ssyncadd.s32 @!p0 s1  }
0xd9: {  	[bflag:$0x3] =	sbarrier.arrive $0xFFFF  }
0xda: {  	_ =	shalt  }

// kernel: kernel.15.cloned.1.call-start
scs
__scs_entry_jumppad:
0x0: {  	(pc) =	sbr.rel $0x88, $3  }
0x1: {  	(tag) =	ssettag $0x0;
	lr =	simm.s32 $0x1  }
0x2: {  	[smem:$0x3F8F] =	sst lr;
	_ =	strace $0xD0000000  }
0x3: {  	_ = 	snop  }
0x4: {  	_ = 	snop  }
0x5: {  	_ = 	snop  }
0x6: {  	_ = 	snop  }
0x7: {  	_ = 	snop  }
__scs_overlays_trampoline_lowered:
0x8: {  	[smem:$0x3F9E] =	sst s0  }
0x9: {  	[smem:$0x3F9F] =	sst s1  }
0xa: {  	[smem:$0x3FA0] =	sst s2  }
0xb: {  	[smem:$0x3FA1] =	sst s3  }
0xc: {  	[smem:$0x3FA2] =	sst s4  }
0xd: {  	[smem:$0x3FA3] =	sst s5  }
0xe: {  	[smem:$0x3FA4] =	sst s6  }
0xf: {  	[smem:$0x3FA5] =	sst s7  }
0x10: {  	[smem:$0x3FA6] =	sst s8  }
0x11: {  	[smem:$0x3FA7] =	sst s9;
	s0 =	simm.s32 @!p0 $0x0  }
0x12: {  	s1 =	sld [smem:$0x3F8D];
	s0 =	simm.s32 @p0 $0x1  }
0x13: {  	[smem:$0x3FA8] =	sst s0;
	s0 =	simm.s32 @!p1 $0x0  }
0x14: {  	s2 =	sld [smem:$0x3F8C];
	s0 =	simm.s32 @p1 $0x1  }
0x15: {  	[smem:$0x3FA9] =	sst s0;
	s0 =	simm.s32 @!p2 $0x0  }
0x16: {  	s3 =	sld [smem:$0x3FDB];
	s0 =	simm.s32 @p2 $0x1  }
0x17: {  	s4 =	simm.s32 $0x1BF5;
	[smem:$0x3FAB] =	sst s0  }
0x18: {  	s0 =	sld [smem:$0x3F8E];
	_ =	swait.ge [sflag:s4], $0x0  }
0x19: {  	s7 =	sld [smem:$0x3F8F]  }
0x1a: {  	s8 =	sadd.s32 $0xFFFFE003, lr  }
0x1b: {  	s9 =	sadd.s32 $0xFFFFFEF7, lr;
	s5 =	simm.s32 $0xFFFFFFFF;
	p2 =	slt.u32 s8, $0xFFFFF086  }
0x1c: {  	p1 =	slt.u32 s9, $0xF7A;
	s5 =	simm.s32 @!p2 $0x0  }
0x1d: {  	s5 =	simm.s32 @p1 $0x1;
	p0 =	seq.s32 s7, s2  }
0x1e: {  	s7 =	smul.u32 @!p0 $0xF7A, s2;
	p2 =	seq.s32 @!p0 s5, $0x0  }
0x1f: {  	s9 =	smul.u32 $0xF7A, s1;
	s8 =	simm.s32 @!p0 $0x1BF5;
	p2 =	por !p2, p0  }
0x20: {  	[sflag:s8] =	ssyncset.s32 @!p0 $0xFFFFF086;
	s6 =	sadd.s32 @!p0 s3, s7;
	s7 =	simm.s32 @!p0 $0x108  }
0x21: {  	s3 =	sadd.s32 s3, s9;
	s6 =	sadd.s32 @!p0 $0x88, s6;
	s7 =	simm.s32 @p2 $0x1082  }
0x22: {  	[simem:s7], [sflag:s8] =	dma.local @!p0 [hbm:s6], $0xF7A  }
0x23: {  	s9 =	sor.u32 $0xD0000000, s2;
	s6 =	simm.s32 $0x108;
	_ =	swait.ge @!p0 [sflag:s8], $0x0  }
0x24: {  	s3 =	sadd.s32 $0x88, s3;
	s6 =	simm.s32 @!p1 $0x1082;
	[sflag:s4] =	ssyncset.s32 $0xFFFFF086  }
0x25: {  	[simem:s6], [sflag:s4] =	dma.local [hbm:s3], $0xF7A  }
0x26: {  	[smem:$0x3F8F] =	sst s1;
	(tag) =	ssettag s2;
	_ =	strace s9  }
0x27: {  	s1 =	sld [smem:$0x3F9F]  }
0x28: {  	s2 =	sld [smem:$0x3FA0]  }
0x29: {  	s4 =	sld [smem:$0x3FA2]  }
0x2a: {  	p0 =	seq.s32 s5, $0x0;
	s5 =	sld [smem:$0x3FA3]  }
0x2b: {  	s6 =	sld [smem:$0x3FA4]  }
0x2c: {  	s7 =	sld [smem:$0x3FA5]  }
0x2d: {  	s3 =	simm.s32 $0x108;
	s8 =	sld [smem:$0x3FA6]  }
0x2e: {  	s3 =	simm.s32 @!p0 $0x1082;
	s9 =	sld [smem:$0x3FA7]  }
0x2f: {  	lr =	sadd.s32 s0, s3;
	s0 =	sld [smem:$0x3F9E]  }
0x30: {  	s3 =	sld [smem:$0x3FA1]  }
0x31: {  	[smem:$0x3FAA] =	sst s10  }
0x32: {  	s10 =	sld [smem:$0x3FA8];
	_ =	sdelay $0x3  }
0x33: {  	p0 =	seq.s32 s10, $0x1;
	s10 =	sld [smem:$0x3FAA];
	_ =	sdelay $0x3  }
0x34: {  	[smem:$0x3FAA] =	sst s10  }
0x35: {  	s10 =	sld [smem:$0x3FA9];
	_ =	sdelay $0x3  }
0x36: {  	p1 =	seq.s32 s10, $0x1;
	s10 =	sld [smem:$0x3FAA];
	_ =	sdelay $0x3  }
0x37: {  	[smem:$0x3FAA] =	sst s10  }
0x38: {  	s10 =	sld [smem:$0x3FAB]  }
0x39: {  	_ = 	snop;
	(pc) =	sbr.ind lr, $3  }
0x3a: {  	_ = 	snop  }
0x3b: {  	_ = 	snop  }
0x3c: {  	p2 =	seq.s32 s10, $0x1;
	s10 =	sld [smem:$0x3FAA]  }
0x3d: {  	_ =	shalt  }
0x3e: {  	_ =	shalt  }
0x3f: {  	_ =	shalt  }
0x40: {  	_ =	shalt  }
0x41: {  	_ =	shalt  }
0x42: {  	_ =	shalt  }
0x43: {  	_ =	shalt  }
0x44: {  	_ =	shalt  }
0x45: {  	_ =	shalt  }
0x46: {  	_ =	shalt  }
0x47: {  	_ =	shalt  }
0x48: {  	_ =	shalt  }
0x49: {  	_ =	shalt  }
0x4a: {  	_ =	shalt  }
0x4b: {  	_ =	shalt  }
0x4c: {  	_ =	shalt  }
0x4d: {  	_ =	shalt  }
0x4e: {  	_ =	shalt  }
0x4f: {  	_ =	shalt  }
0x50: {  	_ =	shalt  }
0x51: {  	_ =	shalt  }
0x52: {  	_ =	shalt  }
0x53: {  	_ =	shalt  }
0x54: {  	_ =	shalt  }
0x55: {  	_ =	shalt  }
0x56: {  	_ =	shalt  }
0x57: {  	_ =	shalt  }
0x58: {  	_ =	shalt  }
0x59: {  	_ =	shalt  }
0x5a: {  	_ =	shalt  }
0x5b: {  	_ =	shalt  }
0x5c: {  	_ =	shalt  }
0x5d: {  	_ =	shalt  }
0x5e: {  	_ =	shalt  }
0x5f: {  	_ =	shalt  }
0x60: {  	_ =	shalt  }
0x61: {  	_ =	shalt  }
0x62: {  	_ =	shalt  }
0x63: {  	_ =	shalt  }
0x64: {  	_ =	shalt  }
0x65: {  	_ =	shalt  }
0x66: {  	_ =	shalt  }
0x67: {  	_ =	shalt  }
0x68: {  	_ =	shalt  }
0x69: {  	_ =	shalt  }
0x6a: {  	_ =	shalt  }
0x6b: {  	_ =	shalt  }
0x6c: {  	_ =	shalt  }
0x6d: {  	_ =	shalt  }
0x6e: {  	_ =	shalt  }
0x6f: {  	_ =	shalt  }
0x70: {  	_ =	shalt  }
0x71: {  	_ =	shalt  }
0x72: {  	_ =	shalt  }
0x73: {  	_ =	shalt  }
0x74: {  	_ =	shalt  }
0x75: {  	_ =	shalt  }
0x76: {  	_ =	shalt  }
0x77: {  	_ =	shalt  }
0x78: {  	_ =	shalt  }
0x79: {  	_ =	shalt  }
0x7a: {  	_ =	shalt  }
0x7b: {  	_ =	shalt  }
0x7c: {  	_ =	shalt  }
0x7d: {  	_ =	shalt  }
0x7e: {  	_ =	shalt  }
0x7f: {  	_ =	shalt  }
0x80: {  	_ =	shalt  }
0x81: {  	_ =	shalt  }
0x82: {  	_ =	shalt  }
0x83: {  	_ =	shalt  }
0x84: {  	_ =	shalt  }
0x85: {  	_ =	shalt  }
0x86: {  	_ =	shalt  }
0x87: {  	_ =	shalt  }
.Lfunc_end0:
.L_simem_size_0:
called_computation.2_lowered:
.L_overlay_start_0:
0x88: {  	s2 =	sld [smem:$0x3FD9]  }
0x89: {  	s3 =	sld [smem:$0x3FFE];
	_ =	sdelay $0x1  }
0x8a: {  	s1 =	srdreg.scid  }
0x8b: {  	s0 =	sand.u32 $0x1, s1  }
0x8c: {  	s17 =	sshll.u32 s0, $0xA;
	s2 =	sadd.s32 s3, s2  }
0x8d: {  	s2 =	sadd.s32 s2, s17  }
0x8e: {  	[smem:$0x3FB6] =	sst s2  }
0x8f: {  	_ = 	snop  }
0x90: {  	s2 =	sld [smem:$0x3FC8];
	(tm) =	ssettm $0x1  }
0x91: {  	s18 =	sld [smem:$0x3FFB];
	_ =	sdelay $0x3  }
0x92: {  	_ =	strace s18  }
0x93: {  	s3 =	sld [smem:$0x3FFC];
	_ =	sdelay $0x3  }
0x94: {  	_ =	strace s3  }
0x95: {  	s3 =	sld [smem:$0x3FFD];
	_ =	sdelay $0x3  }
0x96: {  	_ =	strace s3  }
0x97: {  	_ =	strace $0x8FFFFFFF  }
0x98: {  	s19 =	sld [smem:$0x3FDB];
	_ =	sdelay $0x1  }
0x99: {  	s4 =	simm.s32 $_scs_section_size  }
0x9a: {  	s5 =	simm.s32 $_size__tile_overlayer_lowered;
	s6 =	simm.s32 $_tile_overlayer_lowered  }
0x9b: {  	s22 =	simm.s32 $0x1BFF;
	s21 =	sshll.u32 s6, $0x1;
	s3 =	sadd.s32 s4, s19  }
0x9c: {  	s7 =	simm.s32 $0x0;
	s20 =	sshll.u32 s5, $0x1;
	s5 =	sadd.s32 s21, s3  }
0x9d: {  	[timem:s7], [sflag:s22] =	dma.local [hbm:s5], s20  }
0x9e: {  	_ =	swait.ge [sflag:s22], s20  }
0x9f: {  	s4 =	ssub.s32 $0x0, s20;
	[sflag:s22] =	ssyncset.done $0x0  }
0xa0: {  	[sflag:s22] =	ssyncadd.s32 s4;
	_ =	sdelay $0x1  }
0xa1: {  	s23 =	simm.s32 $0x1B8B  }
0xa2: {  	_ =	swait.ge [sflag:s23], $0x1  }
0xa3: {  	[sflag:s23] =	ssyncset.done $0x0  }
0xa4: {  	s25 =	simm.s32 $0x1B8E;
	s24 =	sld [smem:$0x3FFE];
	[sflag:s23] =	ssyncadd.s32 $0xFFFFFFFF  }
0xa5: {  	s26 =	simm.s32 $execute0_lowered;
	[smem:$0x3FD2] =	sst s25  }
0xa6: {  	s5 =	sshll.u32 s26, $0x1;
	_ =	strace $0x8000004C;
	[dreg:$0x1] =	wrdreg $0xFFFFFFFF  }
0xa7: {  	s28 =	simm.s32 $_size_execute0_lowered;
	s3 =	sadd.s32 s3, s5;
	[dreg:$0x0] =	wrdreg $0x0  }
0xa8: {  	s5 =	sshll.u32 s28, $0x1;
	[dreg:$0x2] =	wrdreg s3  }
0xa9: {  	[dreg:$0x3] =	wrdreg s5  }
0xaa: {  	[dreg:$0x4] =	wrdreg $0xC0  }
0xab: {  	_ =	task [dreg:s7], $0x5FFFF  }
0xac: {  	[dreg:$0x1] =	wrdreg $0xFFFFFFFF  }
0xad: {  	[dreg:$0x0] =	wrdreg $0x60  }
0xae: {  	[dreg:$0x2] =	wrdreg s24  }
0xaf: {  	[dreg:$0x3] =	wrdreg s2  }
0xb0: {  	[dreg:$0x4] =	wrdreg $0x0  }
0xb1: {  	[dreg:$0x5] =	wrdreg $0x9  }
0xb2: {  	_ =	task.clear_ibuf [dreg:s7], $0x6FFFF;
	_ =	strace $0x9000004C  }
0xb3: {  	s29 =	simm.s32 $0x9;
	_ =	strace $0x8000004E  }
0xb4: {  	_ =	swait.ge [sflag:s29], $0x1  }
0xb5: {  	[sflag:s29] =	ssyncadd.s32 $0xFFFFFFFF  }
0xb6: {  	_ =	strace $0x9000004E  }
0xb7: {  	_ =	sfence  }
0xb8: {  	s30 =	sld [smem:$0x0];
	_ =	sdelay $0x2  }
0xb9: {  	s31 =	sshll.u32 s1, $0xD;
	s1 =	sshrl.u32 s1, $0x2  }
0xba: {  	s3 =	sand.u32 $0x4000, s31;
	s1 =	sadd.s32 s1, s30  }
0xbb: {  	s0 =	sor.u32 s3, s0;
	s1 =	sshll.u32 s1, $0x11  }
0xbc: {  	s0 =	sor.u32 s1, s0  }
0xbd: {  	s0 =	sadd.s32 $0x8F2B, s0  }
0xbe: {  	[sflag:s0] =	ssyncadd.remote.s32 $0x1  }
0xbf: {  	_ =	sfence.sel $0xFFFF  }
0xc0: {  	[dreg:$0x0] =	wrdreg $0xFFFFFFFF;
	(pc) =	sbr.abs _section_cstart, $3  }
0xc1: {  	[dreg:$0x1] =	wrdreg $0xFFFFFFFF  }
0xc2: {  	_ =	task.clear_ibuf [dreg:s7], $0x2FFFF;
	_ =	strace $0x9FFFFFFF  }
0xc3: {  	(tm) =	ssettm $0x7FFFFFFF  }
tec
execute0_lowered:
.L_overlay_start_1:
0x0: {  	(tag) =	ssettag $0x1  }
0x1: {  	s2 =	rddreg [dreg:$0x0]  }
0x2: {  	s0 =	rddreg [dreg:$0x1]  }
0x3: {  	s1 =	rddreg [dreg:$0x2];
	s3 =	srdreg.scid  }
0x4: {  	s14 =	stileid.u32;
	s28 =	simm.s32 $0x5;
	s29 =	simm.s32 $0x14000  }
0x5: {  	s30 =	simm.s32 $0x1;
	s31 =	simm.s32 $0x2;
	s5 =	sand.u32 $0x1, s3  }
0x6: {  	s3 =	simm.s32 $0x0;
	s6 =	sadd.s32 $0x5400, s2;
	s9 =	smul.u32 $0x50000, s14  }
0x7: {  	s2 =	sadd.s32 $0x318600, s2;
	s19 =	smul.u32 $0x14000, s14;
	s4 =	sshll.u32 s5, $0x4  }
0x8: {  	[smem:$0x7FF] =	sst s3;
	s17 =	smul.u32 $0x140000, s5;
	s4 =	sor.u32 s14, s4  }
0x9: {  	s8 =	ssub.s32 $0x2, s5;
	_ =	strace $0x8000004D;
	s7 =	smul.u32 $0x1388, s4  }
0xa: {  	s10 =	sshrl.u32 s8, $0x1;
	s9 =	sshrl.u32 s9, $0x2;
	s11 =	smul.u32 $0x13880, s4  }
0xb: {  	s12 =	smul.u32 $0x9C400, s4;
	s8 =	ssub.s32 s8, s10;
	s4 =	sadd.s32 s9, s1  }
0xc: {  	s23 =	sadd.s32 s17, s19;
	s9 =	sadd.s32 $0x10000, s19;
	s21 =	smax.u32 s8, $0x1  }
0xd: {  	s22 =	sadd.s32 $0x4000, s4;
	s8 =	sadd.s32 $0x4000, s19;
	s10 =	sadd.s32 s17, s9  }
0xe: {  	s7 =	sshrl.u32 s7, $0x3;
	s15 =	sadd.s32 s6, s11;
	[dreg:$0x8] =	wrdreg s21  }
0xf: {  	s16 =	sshrl.u32 s12, $0x3;
	[dreg:$0x9] =	wrdreg s22;
	s11 =	sadd.s32 $0x8000, s19  }
0x10: {  	s24 =	sadd.s32 s17, s8;
	s10 =	sshrl.u32 s10, $0x3;
	s21 =	smul.u32 $0x13880, s14  }
0x11: {  	s7 =	sadd.s32 s0, s7;
	[dreg:$0x5] =	wrdreg s15;
	s18 =	sadd.s32 s6, s16  }
0x12: {  	s25 =	sshrl.u32 s24, $0x3;
	s16 =	smul.u32 $0x13880, s5;
	s13 =	sadd.s32 $0x4E20, s7  }
0x13: {  	s5 =	smul.u32 $0x138800, s5;
	s7 =	sadd.s32 $0x5090, s7;
	[dreg:$0x4] =	wrdreg s13  }
0x14: {  	s15 =	sadd.s32 s2, s10;
	s10 =	simm.s32 $0x0;
	[dreg:$0x6] =	wrdreg s7  }
0x15: {  	s7 =	sadd.s32 $0x13800, s18;
	s13 =	sadd.s32 s17, s11;
	s5 =	sadd.s32 s5, s6  }
0x16: {  	s6 =	simm.s32 $0x3;
	[dreg:$0x7] =	wrdreg s7;
	s7 =	sshrl.u32 s23, $0x3  }
0x17: {  	s26 =	sshrl.u32 s13, $0x3;
	s13 =	sadd.s32 $0xC000, s19;
	s7 =	sadd.s32 s2, s7  }
0x18: {  	s12 =	sadd.s32 s2, s26;
	s20 =	sadd.s32 s17, s13;
	[dreg:$0xa] =	wrdreg s7  }
0x19: {  	s17 =	smul.u32 $0x1388, s14;
	s7 =	sadd.s32 s2, s25;
	[dreg:$0xc] =	wrdreg s12  }
0x1a: {  	s12 =	sshrl.u32 s20, $0x3;
	s20 =	sadd.s32 $0x10000, s4;
	[dreg:$0xb] =	wrdreg s7  }
0x1b: {  	s12 =	sadd.s32 s2, s12;
	s22 =	sadd.s32 s17, s16;
	s16 =	sadd.s32 $0x8000, s4  }
0x1c: {  	s2 =	sadd.s32 s21, s5;
	s17 =	sadd.s32 $0xC000, s4;
	s21 =	sadd.s32 s8, s1  }
0x1d: {  	s5 =	simm.s32 $0x80;
	s7 =	simm.s32 $0x4;
	s8 =	simm.s32 $0x1C100  }
0x1e: {  	[dreg:$0xd] =	wrdreg s12;
	s23 =	sadd.s32 $0x27180, s22;
	s25 =	sadd.s32 $0x27200, s22  }
0x1f: {  	s22 =	sadd.s32 s11, s1;
	s12 =	sadd.s32 $0x800, s2;
	s2 =	simm.s32 $0x18100  }
0x20: {  	s24 =	sshrl.u32 s23, $0x3;
	s26 =	sshrl.u32 s25, $0x3;
	s23 =	sadd.s32 s13, s1  }
0x21: {  	s18 =	sadd.s32 s24, s0;
	s19 =	sadd.s32 s26, s0;
	s24 =	sadd.s32 s9, s1  }
0x22: {  	v0 =	vimm.f32 $0.0e+00;
	s26 =	simm.s32 $0x14080;
	s0 =	simm.s32 $0x18080;
	s9 =	simm.s32 $0x1C180  }
.LBB2_1:
0x23: {  	s11 =	simm.s32 $0x0;
	s25 =	simm.s32 $0x200  }
.LBB2_2:
0x24: {  	p0 =	sne.s32 s25, $0xFE00;
	[tilespmem:s11+$0x140F0] =	vst v0  }
0x25: {  	[tilespmem:s11+$0x14080] =	vst v0  }
0x26: {  	[tilespmem:s11+$0x14090] =	vst v0  }
.Ltmp0:
0x27: {  	[tilespmem:s11+$0x140A0] =	vst v0;
	(pc) =	sbr.rel @p0 .LBB2_2-.Ltmp0, $4  }
0x28: {  	[tilespmem:s11+$0x140B0] =	vst v0  }
0x29: {  	[tilespmem:s11+$0x140C0] =	vst v0  }
0x2a: {  	[tilespmem:s11+$0x140D0] =	vst v0  }
0x2b: {  	[tilespmem:s11+$0x140E0] =	vst v0;
	s11 =	sshra.s32 s25, $0x2;
	s25 =	sadd.s32 $0x200, s25  }
0x2c: {  	[tilespmem:s11+$0x140F0] =	vst v0  }
0x2d: {  	[tilespmem:s11+$0x14080] =	vst v0  }
0x2e: {  	[tilespmem:s11+$0x14090] =	vst v0  }
0x2f: {  	[tilespmem:s11+$0x140A0] =	vst v0  }
0x30: {  	[tilespmem:s11+$0x140B0] =	vst v0  }
0x31: {  	[tilespmem:s11+$0x140C0] =	vst v0  }
0x32: {  	[tilespmem:s11+$0x140D0] =	vst v0  }
0x33: {  	[tilespmem:s11+$0x140E0] =	vst v0  }
0x34: {  	[spmem:s4] =	stream.linear.scatter [tilespmem:s26], [sflag:$0x5], $0x4000, $0x38;
	[tilespmem:$0x1C580] =	vst v63  }
0x35: {  	_ =	swait.ge [sflag:s28], $0x4000  }
0x36: {  	[sflag:s28] =	ssyncset.done $0x0  }
0x37: {  	s13 =	rddreg [dreg:$0x9];
	[sflag:s28] =	ssyncadd.s32 $0xFFFFC000  }
0x38: {  	[spmem:s13] =	stream.linear.scatter [tilespmem:s26], [sflag:$0x5], $0x4000, $0x38;
	[tilespmem:$0x1C580] =	vst v63  }
0x39: {  	_ =	swait.ge [sflag:s28], $0x4000  }
0x3a: {  	[sflag:s28] =	ssyncset.done $0x0  }
0x3b: {  	[sflag:s28] =	ssyncadd.s32 $0xFFFFC000  }
0x3c: {  	[spmem:s16] =	stream.linear.scatter [tilespmem:s26], [sflag:$0x5], $0x4000, $0x38;
	[tilespmem:$0x1C580] =	vst v63  }
0x3d: {  	_ =	swait.ge [sflag:s28], $0x4000  }
0x3e: {  	[sflag:s28] =	ssyncset.done $0x0  }
0x3f: {  	[sflag:s28] =	ssyncadd.s32 $0xFFFFC000  }
0x40: {  	[spmem:s17] =	stream.linear.scatter [tilespmem:s26], [sflag:$0x5], $0x4000, $0x38;
	[tilespmem:$0x1C580] =	vst v63  }
0x41: {  	_ =	swait.ge [sflag:s28], $0x4000  }
0x42: {  	[sflag:s28] =	ssyncset.done $0x0  }
0x43: {  	[sflag:s28] =	ssyncadd.s32 $0xFFFFC000  }
0x44: {  	[spmem:s20] =	stream.linear.scatter [tilespmem:s26], [sflag:$0x5], $0x4000, $0x38;
	[tilespmem:$0x1C580] =	vst v63  }
0x45: {  	_ =	swait.ge [sflag:s28], $0x4000  }
0x46: {  	[sflag:s28] =	ssyncset.done $0x0  }
0x47: {  	[sflag:s28] =	ssyncadd.s32 $0xFFFFC000  }
0x48: {  	[bflag:$0x0] =	sbarrier.arrive $0xFFFF  }
0x49: {  	s14 =	simm.s32 $0x0;
	s13 =	rddreg [dreg:$0x4]  }
0x4a: {  	[tilespmem:s29], [sflag:$0x1] =	stream.linear.gather [hbm4b:s13+s14], $0x80, $0x38;
	[tilespmem:$0x1C580] =	vst v63  }
0x4b: {  	s25 =	rddreg [dreg:$0x5]  }
0x4c: {  	[tilespmem:s26], [sflag:$0x2] =	stream.linear.gather [hbm4b:s25+s14], $0x4000, $0x38;
	[tilespmem:$0x1C580] =	vst v63  }
0x4d: {  	_ =	swait.ge [sflag:s30], $0x80  }
0x4e: {  	[sflag:s30] =	ssyncset.done $0x0  }
0x4f: {  	[sflag:s30] =	ssyncadd.s32 $0xFFFFFF80  }
0x50: {  	_ =	swait.ge [sflag:s31], $0x4000  }
0x51: {  	[sflag:s31] =	ssyncset.done $0x0  }
0x52: {  	s13 =	sadd.s32 $0x0, s18;
	[sflag:s31] =	ssyncadd.s32 $0xFFFFC000  }
0x53: {  	[tilespmem:s0], [sflag:$0x3] =	stream.linear.gather [hbm4b:s13+s3], $0x80, $0x38;
	[tilespmem:$0x1C580] =	vst v63  }
0x54: {  	_ = 	snop  }
0x55: {  	[tilespmem:s2], [sflag:$0x4] =	stream.linear.gather [hbm4b:s12+s3], $0x4000, $0x38;
	[tilespmem:$0x1C580] =	vst v63  }
0x56: {  	_ = 	snop  }
0x57: {  	[spmem:s1] =	stream.indirect.scatter.add.f32 [tilespmem:s26], [sflag:$0x5], $0x80, s29, s5, $0xb8;
	[tilespmem:$0x1C580] =	vst v63  }
0x58: {  	_ =	swait.ge [sflag:s28], $0x4000  }
0x59: {  	[sflag:s28] =	ssyncset.done $0x0  }
0x5a: {  	[sflag:s28] =	ssyncadd.s32 $0xFFFFC000  }
0x5b: {  	_ =	swait.ge [sflag:s6], $0x80  }
0x5c: {  	[sflag:s6] =	ssyncset.done $0x0  }
0x5d: {  	[sflag:s6] =	ssyncadd.s32 $0xFFFFFF80  }
0x5e: {  	_ =	swait.ge [sflag:s7], $0x4000  }
0x5f: {  	[sflag:s7] =	ssyncset.done $0x0  }
0x60: {  	s14 =	sadd.s32 $0x0, s19;
	[sflag:s7] =	ssyncadd.s32 $0xFFFFC000  }
0x61: {  	[tilespmem:s29], [sflag:$0x1] =	stream.linear.gather [hbm4b:s14+s3], $0x80, $0x38;
	[tilespmem:$0x1C580] =	vst v63  }
0x62: {  	s25 =	sadd.s32 $0x800, s12  }
0x63: {  	[tilespmem:s26], [sflag:$0x2] =	stream.linear.gather [hbm4b:s25+s3], $0x4000, $0x38;
	[tilespmem:$0x1C580] =	vst v63  }
0x64: {  	_ = 	snop  }
0x65: {  	[spmem:s1] =	stream.indirect.scatter.add.f32 [tilespmem:s2], [sflag:$0x5], $0x80, s0, s5, $0xb8;
	[tilespmem:$0x1C580] =	vst v63  }
0x66: {  	_ =	swait.ge [sflag:s28], $0x4000  }
0x67: {  	s11 =	simm.s32 $0x20;
	s25 =	smov.u32 s12;
	[sflag:s28] =	ssyncset.done $0x0  }
.LBB2_4:
0x68: {  	p0 =	sne.s32 s11, $0x240;
	[sflag:s28] =	ssyncadd.s32 $0xFFFFC000;
	s25 =	sadd.s32 $0x1000, s25  }
0x69: {  	s13 =	smov.u32 s11;
	s11 =	sadd.s32 $0x20, s11  }
0x6a: {  	_ =	swait.ge [sflag:s30], $0x80  }
0x6b: {  	[sflag:s30] =	ssyncset.done $0x0  }
0x6c: {  	[sflag:s30] =	ssyncadd.s32 $0xFFFFFF80  }
0x6d: {  	_ =	swait.ge [sflag:s31], $0x4000  }
0x6e: {  	[sflag:s31] =	ssyncset.done $0x0  }
0x6f: {  	s14 =	sadd.s32 s13, s18;
	[sflag:s31] =	ssyncadd.s32 $0xFFFFC000  }
0x70: {  	[tilespmem:s0], [sflag:$0x3] =	stream.linear.gather [hbm4b:s14+s3], $0x80, $0x38;
	[tilespmem:$0x1C580] =	vst v63  }
0x71: {  	_ = 	snop  }
0x72: {  	[tilespmem:s2], [sflag:$0x4] =	stream.linear.gather [hbm4b:s25+s3], $0x4000, $0x38;
	[tilespmem:$0x1C580] =	vst v63  }
0x73: {  	_ = 	snop  }
0x74: {  	[spmem:s1] =	stream.indirect.scatter.add.f32 [tilespmem:s26], [sflag:$0x5], $0x80, s29, s5, $0xb8;
	[tilespmem:$0x1C580] =	vst v63  }
0x75: {  	_ =	swait.ge [sflag:s28], $0x4000  }
0x76: {  	[sflag:s28] =	ssyncset.done $0x0  }
0x77: {  	[sflag:s28] =	ssyncadd.s32 $0xFFFFC000  }
0x78: {  	_ =	swait.ge [sflag:s6], $0x80  }
0x79: {  	[sflag:s6] =	ssyncset.done $0x0  }
0x7a: {  	[sflag:s6] =	ssyncadd.s32 $0xFFFFFF80  }
0x7b: {  	_ =	swait.ge [sflag:s7], $0x4000  }
0x7c: {  	[sflag:s7] =	ssyncset.done $0x0  }
0x7d: {  	s13 =	sadd.s32 s13, s19;
	[sflag:s7] =	ssyncadd.s32 $0xFFFFC000  }
0x7e: {  	[tilespmem:s29], [sflag:$0x1] =	stream.linear.gather [hbm4b:s13+s3], $0x80, $0x38;
	[tilespmem:$0x1C580] =	vst v63  }
0x7f: {  	s13 =	sadd.s32 $0x800, s25  }
0x80: {  	[tilespmem:s26], [sflag:$0x2] =	stream.linear.gather [hbm4b:s13+s3], $0x4000, $0x38;
	[tilespmem:$0x1C580] =	vst v63  }
.Ltmp1:
0x81: {  	_ = 	snop;
	(pc) =	sbr.rel @p0 .LBB2_4-.Ltmp1, $4  }
0x82: {  	_ = 	snop  }
0x83: {  	[spmem:s1] =	stream.indirect.scatter.add.f32 [tilespmem:s2], [sflag:$0x5], $0x80, s0, s5, $0xb8;
	[tilespmem:$0x1C580] =	vst v63  }
0x84: {  	_ =	swait.ge [sflag:s28], $0x4000  }
0x85: {  	[sflag:s28] =	ssyncset.done $0x0  }
0x86: {  	[sflag:s28] =	ssyncadd.s32 $0xFFFFC000  }
0x87: {  	_ =	swait.ge [sflag:s30], $0x80  }
0x88: {  	[sflag:s30] =	ssyncset.done $0x0  }
0x89: {  	[sflag:s30] =	ssyncadd.s32 $0xFFFFFF80  }
0x8a: {  	_ =	swait.ge [sflag:s31], $0x4000  }
0x8b: {  	[sflag:s31] =	ssyncset.done $0x0  }
0x8c: {  	[sflag:s31] =	ssyncadd.s32 $0xFFFFC000  }
0x8d: {  	[spmem:s1] =	stream.indirect.scatter.add.f32 [tilespmem:s26], [sflag:$0x5], $0x80, s29, s5, $0xb8;
	[tilespmem:$0x1C580] =	vst v63  }
0x8e: {  	_ =	swait.ge [sflag:s28], $0x4000  }
0x8f: {  	[sflag:s28] =	ssyncset.done $0x0  }
0x90: {  	s11 =	rddreg [dreg:$0x6];
	[sflag:s28] =	ssyncadd.s32 $0xFFFFC000  }
0x91: {  	[tilespmem:s8], [sflag:$0x5] =	stream.linear.gather [hbm4b:s11+s3], $0x8, $0x38;
	[tilespmem:$0x1C580] =	vst v63  }
0x92: {  	_ =	swait.ge [sflag:s28], $0x8  }
0x93: {  	[sflag:s28] =	ssyncset.done $0x0  }
0x94: {  	s25 =	rddreg [dreg:$0x7];
	[sflag:s28] =	ssyncadd.s32 $0xFFFFFFF8  }
0x95: {  	[tilespmem:s9], [sflag:$0x5] =	stream.linear.gather [hbm4b:s25+s3], $0x400, $0x38;
	[tilespmem:$0x1C580] =	vst v63  }
0x96: {  	_ =	swait.ge [sflag:s28], $0x400  }
0x97: {  	[sflag:s28] =	ssyncset.done $0x0  }
0x98: {  	s13 =	simm.s32 $0x8;
	[sflag:s28] =	ssyncadd.s32 $0xFFFFFC00  }
0x99: {  	[spmem:s1] =	stream.indirect.scatter.add.f32 [tilespmem:s9], [sflag:$0x5], $0x80, s8, s13, $0xb8;
	[tilespmem:$0x1C580] =	vst v63  }
0x9a: {  	_ =	swait.ge [sflag:s28], $0x400  }
0x9b: {  	[sflag:s28] =	ssyncset.done $0x0  }
0x9c: {  	[sflag:s28] =	ssyncadd.s32 $0xFFFFFC00  }
0x9d: {  	[bflag:$0x0] =	sbarrier.arrive $0xFFFF  }
0x9e: {  	[tilespmem:s26], [sflag:$0x5] =	stream.linear.gather [spmem:s4], $0x4000, $0x38;
	[tilespmem:$0x1C580] =	vst v63  }
0x9f: {  	_ =	swait.ge [sflag:s28], $0x4000  }
0xa0: {  	[sflag:s28] =	ssyncset.done $0x0  }
0xa1: {  	s14 =	rddreg [dreg:$0xa];
	[sflag:s28] =	ssyncadd.s32 $0xFFFFC000  }
0xa2: {  	[hbm4b:s14+s3] =	stream.linear.scatter [tilespmem:s26], [sflag:$0x5], $0x4000, $0x38;
	[tilespmem:$0x1C580] =	vst v63  }
0xa3: {  	_ =	swait.ge [sflag:s28], $0x4000  }
0xa4: {  	[sflag:s28] =	ssyncset.done $0x0  }
0xa5: {  	[sflag:s28] =	ssyncadd.s32 $0xFFFFC000  }
0xa6: {  	[tilespmem:s26], [sflag:$0x5] =	stream.linear.gather [spmem:s21], $0x4000, $0x38;
	[tilespmem:$0x1C580] =	vst v63  }
0xa7: {  	_ =	swait.ge [sflag:s28], $0x4000  }
0xa8: {  	[sflag:s28] =	ssyncset.done $0x0  }
0xa9: {  	s25 =	rddreg [dreg:$0xb];
	[sflag:s28] =	ssyncadd.s32 $0xFFFFC000  }
0xaa: {  	[hbm4b:s25+s3] =	stream.linear.scatter [tilespmem:s26], [sflag:$0x5], $0x4000, $0x38;
	[tilespmem:$0x1C580] =	vst v63  }
0xab: {  	_ =	swait.ge [sflag:s28], $0x4000  }
0xac: {  	[sflag:s28] =	ssyncset.done $0x0  }
0xad: {  	[sflag:s28] =	ssyncadd.s32 $0xFFFFC000  }
0xae: {  	[tilespmem:s26], [sflag:$0x5] =	stream.linear.gather [spmem:s22], $0x4000, $0x38;
	[tilespmem:$0x1C580] =	vst v63  }
0xaf: {  	_ =	swait.ge [sflag:s28], $0x4000  }
0xb0: {  	[sflag:s28] =	ssyncset.done $0x0  }
0xb1: {  	s13 =	rddreg [dreg:$0xc];
	[sflag:s28] =	ssyncadd.s32 $0xFFFFC000  }
0xb2: {  	[hbm4b:s13+s3] =	stream.linear.scatter [tilespmem:s26], [sflag:$0x5], $0x4000, $0x38;
	[tilespmem:$0x1C580] =	vst v63  }
0xb3: {  	_ =	swait.ge [sflag:s28], $0x4000  }
0xb4: {  	[sflag:s28] =	ssyncset.done $0x0  }
0xb5: {  	[sflag:s28] =	ssyncadd.s32 $0xFFFFC000  }
0xb6: {  	[tilespmem:s26], [sflag:$0x5] =	stream.linear.gather [spmem:s23], $0x4000, $0x38;
	[tilespmem:$0x1C580] =	vst v63  }
0xb7: {  	_ =	swait.ge [sflag:s28], $0x4000  }
0xb8: {  	[sflag:s28] =	ssyncset.done $0x0  }
0xb9: {  	s14 =	rddreg [dreg:$0xd];
	[sflag:s28] =	ssyncadd.s32 $0xFFFFC000  }
0xba: {  	[hbm4b:s14+s3] =	stream.linear.scatter [tilespmem:s26], [sflag:$0x5], $0x4000, $0x38;
	[tilespmem:$0x1C580] =	vst v63  }
0xbb: {  	_ =	swait.ge [sflag:s28], $0x4000  }
0xbc: {  	[sflag:s28] =	ssyncset.done $0x0  }
0xbd: {  	[sflag:s28] =	ssyncadd.s32 $0xFFFFC000  }
0xbe: {  	[tilespmem:s26], [sflag:$0x5] =	stream.linear.gather [spmem:s24], $0x4000, $0x38;
	[tilespmem:$0x1C580] =	vst v63  }
0xbf: {  	_ =	swait.ge [sflag:s28], $0x4000  }
0xc0: {  	[sflag:s28] =	ssyncset.done $0x0  }
0xc1: {  	[sflag:s28] =	ssyncadd.s32 $0xFFFFC000  }
0xc2: {  	[hbm4b:s15+s3] =	stream.linear.scatter [tilespmem:s26], [sflag:$0x5], $0x4000, $0x38;
	[tilespmem:$0x1C580] =	vst v63  }
0xc3: {  	_ =	swait.ge [sflag:s28], $0x4000  }
0xc4: {  	s10 =	sadd.s32 $0x1, s10;
	s25 =	rddreg [dreg:$0x8]  }
0xc5: {  	p0 =	sne.s32 s10, s25  }
.Ltmp2:
0xc6: {  	_ = 	snop;
	(pc) =	sbr.rel @p0 .LBB2_1-.Ltmp2, $3  }
0xc7: {  	_ =	sdelay $0x1  }
0xc8: {  	[sflag:s28] =	ssyncset.done $0x0  }
0xc9: {  	[sflag:s28] =	ssyncadd.s32 $0xFFFFC000  }
0xca: {  	_ =	sfence.sel $0x180000  }
0xcb: {  	[bflag:$0x0] =	sbarrier.arrive $0xFFFF  }
0xcc: {  	_ =	strace $0x9000004D  }
0xcd: {  	s0 =	stileid.u32;
	[bflag:$0x2] =	sbarrier.arrive $0xFFFF  }
0xce: {  	p0 =	sne.s32 s0, $0x0;
	s0 =	rddreg [dreg:$0x3]  }
0xcf: {  	s0 =	sadd.s32 @!p0 $0x100000, s0  }
0xd0: {  	[sflag:s0] =	ssyncadd.tile.s32 @!p0 $0x1;
	_ =	shalt  }
.Lfunc_end2:
_tile_overlayer_lowered:
.L_overlay_start_2:
0xd1: {  	(tag) =	ssettag $0x2  }
0xd2: {  	s0 =	rddreg [dreg:$0x0];
	s2 =	stileid.u32  }
0xd3: {  	s1 =	rddreg [dreg:$0x1];
	p0 =	sne.s32 s2, $0x0  }
0xd4: {  	s3 =	rddreg [dreg:$0x2];
	[bflag:$0x3] =	sbarrier.arrive $0xFFFF;
	s2 =	simm.s32 @!p0 $0x1C05  }
0xd5: {  	[timem:s3], [sflag:s2] =	dma.local @!p0 [hbm:s0], s1  }
0xd6: {  	s0 =	simm.s32 @!p0 $0x5  }
0xd7: {  	_ =	swait.ge @!p0 [sflag:s0], s1  }
0xd8: {  	s1 =	ssub.s32 @!p0 $0x0, s1;
	[sflag:s0] =	ssyncset.done @!p0 $0x0  }
0xd9: {  	[sflag:s0] =	ssyncadd.s32 @!p0 s1  }
0xda: {  	[bflag:$0x3] =	sbarrier.arrive $0xFFFF  }
0xdb: {  	_ =	shalt  }

// kernel: kernel.18.cloned.1.call-start
scs
__scs_entry_jumppad:
0x0: {  	(pc) =	sbr.rel $0x88, $3  }
0x1: {  	(tag) =	ssettag $0x0;
	lr =	simm.s32 $0x1  }
0x2: {  	[smem:$0x3F8F] =	sst lr;
	_ =	strace $0xD0000000  }
0x3: {  	_ = 	snop  }
0x4: {  	_ = 	snop  }
0x5: {  	_ = 	snop  }
0x6: {  	_ = 	snop  }
0x7: {  	_ = 	snop  }
__scs_overlays_trampoline_lowered:
0x8: {  	[smem:$0x3F9E] =	sst s0  }
0x9: {  	[smem:$0x3F9F] =	sst s1  }
0xa: {  	[smem:$0x3FA0] =	sst s2  }
0xb: {  	[smem:$0x3FA1] =	sst s3  }
0xc: {  	[smem:$0x3FA2] =	sst s4  }
0xd: {  	[smem:$0x3FA3] =	sst s5  }
0xe: {  	[smem:$0x3FA4] =	sst s6  }
0xf: {  	[smem:$0x3FA5] =	sst s7  }
0x10: {  	[smem:$0x3FA6] =	sst s8  }
0x11: {  	[smem:$0x3FA7] =	sst s9;
	s0 =	simm.s32 @!p0 $0x0  }
0x12: {  	s1 =	sld [smem:$0x3F8D];
	s0 =	simm.s32 @p0 $0x1  }
0x13: {  	[smem:$0x3FA8] =	sst s0;
	s0 =	simm.s32 @!p1 $0x0  }
0x14: {  	s2 =	sld [smem:$0x3F8C];
	s0 =	simm.s32 @p1 $0x1  }
0x15: {  	[smem:$0x3FA9] =	sst s0;
	s0 =	simm.s32 @!p2 $0x0  }
0x16: {  	s3 =	sld [smem:$0x3FDB];
	s0 =	simm.s32 @p2 $0x1  }
0x17: {  	s4 =	simm.s32 $0x1BF5;
	[smem:$0x3FAB] =	sst s0  }
0x18: {  	s0 =	sld [smem:$0x3F8E];
	_ =	swait.ge [sflag:s4], $0x0  }
0x19: {  	s7 =	sld [smem:$0x3F8F]  }
0x1a: {  	s8 =	sadd.s32 $0xFFFFE003, lr  }
0x1b: {  	s9 =	sadd.s32 $0xFFFFFEF7, lr;
	s5 =	simm.s32 $0xFFFFFFFF;
	p2 =	slt.u32 s8, $0xFFFFF086  }
0x1c: {  	p1 =	slt.u32 s9, $0xF7A;
	s5 =	simm.s32 @!p2 $0x0  }
0x1d: {  	s5 =	simm.s32 @p1 $0x1;
	p0 =	seq.s32 s7, s2  }
0x1e: {  	s7 =	smul.u32 @!p0 $0xF7A, s2;
	p2 =	seq.s32 @!p0 s5, $0x0  }
0x1f: {  	s9 =	smul.u32 $0xF7A, s1;
	s8 =	simm.s32 @!p0 $0x1BF5;
	p2 =	por !p2, p0  }
0x20: {  	[sflag:s8] =	ssyncset.s32 @!p0 $0xFFFFF086;
	s6 =	sadd.s32 @!p0 s3, s7;
	s7 =	simm.s32 @!p0 $0x108  }
0x21: {  	s3 =	sadd.s32 s3, s9;
	s6 =	sadd.s32 @!p0 $0x88, s6;
	s7 =	simm.s32 @p2 $0x1082  }
0x22: {  	[simem:s7], [sflag:s8] =	dma.local @!p0 [hbm:s6], $0xF7A  }
0x23: {  	s9 =	sor.u32 $0xD0000000, s2;
	s6 =	simm.s32 $0x108;
	_ =	swait.ge @!p0 [sflag:s8], $0x0  }
0x24: {  	s3 =	sadd.s32 $0x88, s3;
	s6 =	simm.s32 @!p1 $0x1082;
	[sflag:s4] =	ssyncset.s32 $0xFFFFF086  }
0x25: {  	[simem:s6], [sflag:s4] =	dma.local [hbm:s3], $0xF7A  }
0x26: {  	[smem:$0x3F8F] =	sst s1;
	(tag) =	ssettag s2;
	_ =	strace s9  }
0x27: {  	s1 =	sld [smem:$0x3F9F]  }
0x28: {  	s2 =	sld [smem:$0x3FA0]  }
0x29: {  	s4 =	sld [smem:$0x3FA2]  }
0x2a: {  	p0 =	seq.s32 s5, $0x0;
	s5 =	sld [smem:$0x3FA3]  }
0x2b: {  	s6 =	sld [smem:$0x3FA4]  }
0x2c: {  	s7 =	sld [smem:$0x3FA5]  }
0x2d: {  	s3 =	simm.s32 $0x108;
	s8 =	sld [smem:$0x3FA6]  }
0x2e: {  	s3 =	simm.s32 @!p0 $0x1082;
	s9 =	sld [smem:$0x3FA7]  }
0x2f: {  	lr =	sadd.s32 s0, s3;
	s0 =	sld [smem:$0x3F9E]  }
0x30: {  	s3 =	sld [smem:$0x3FA1]  }
0x31: {  	[smem:$0x3FAA] =	sst s10  }
0x32: {  	s10 =	sld [smem:$0x3FA8];
	_ =	sdelay $0x3  }
0x33: {  	p0 =	seq.s32 s10, $0x1;
	s10 =	sld [smem:$0x3FAA];
	_ =	sdelay $0x3  }
0x34: {  	[smem:$0x3FAA] =	sst s10  }
0x35: {  	s10 =	sld [smem:$0x3FA9];
	_ =	sdelay $0x3  }
0x36: {  	p1 =	seq.s32 s10, $0x1;
	s10 =	sld [smem:$0x3FAA];
	_ =	sdelay $0x3  }
0x37: {  	[smem:$0x3FAA] =	sst s10  }
0x38: {  	s10 =	sld [smem:$0x3FAB]  }
0x39: {  	_ = 	snop;
	(pc) =	sbr.ind lr, $3  }
0x3a: {  	_ = 	snop  }
0x3b: {  	_ = 	snop  }
0x3c: {  	p2 =	seq.s32 s10, $0x1;
	s10 =	sld [smem:$0x3FAA]  }
0x3d: {  	_ =	shalt  }
0x3e: {  	_ =	shalt  }
0x3f: {  	_ =	shalt  }
0x40: {  	_ =	shalt  }
0x41: {  	_ =	shalt  }
0x42: {  	_ =	shalt  }
0x43: {  	_ =	shalt  }
0x44: {  	_ =	shalt  }
0x45: {  	_ =	shalt  }
0x46: {  	_ =	shalt  }
0x47: {  	_ =	shalt  }
0x48: {  	_ =	shalt  }
0x49: {  	_ =	shalt  }
0x4a: {  	_ =	shalt  }
0x4b: {  	_ =	shalt  }
0x4c: {  	_ =	shalt  }
0x4d: {  	_ =	shalt  }
0x4e: {  	_ =	shalt  }
0x4f: {  	_ =	shalt  }
0x50: {  	_ =	shalt  }
0x51: {  	_ =	shalt  }
0x52: {  	_ =	shalt  }
0x53: {  	_ =	shalt  }
0x54: {  	_ =	shalt  }
0x55: {  	_ =	shalt  }
0x56: {  	_ =	shalt  }
0x57: {  	_ =	shalt  }
0x58: {  	_ =	shalt  }
0x59: {  	_ =	shalt  }
0x5a: {  	_ =	shalt  }
0x5b: {  	_ =	shalt  }
0x5c: {  	_ =	shalt  }
0x5d: {  	_ =	shalt  }
0x5e: {  	_ =	shalt  }
0x5f: {  	_ =	shalt  }
0x60: {  	_ =	shalt  }
0x61: {  	_ =	shalt  }
0x62: {  	_ =	shalt  }
0x63: {  	_ =	shalt  }
0x64: {  	_ =	shalt  }
0x65: {  	_ =	shalt  }
0x66: {  	_ =	shalt  }
0x67: {  	_ =	shalt  }
0x68: {  	_ =	shalt  }
0x69: {  	_ =	shalt  }
0x6a: {  	_ =	shalt  }
0x6b: {  	_ =	shalt  }
0x6c: {  	_ =	shalt  }
0x6d: {  	_ =	shalt  }
0x6e: {  	_ =	shalt  }
0x6f: {  	_ =	shalt  }
0x70: {  	_ =	shalt  }
0x71: {  	_ =	shalt  }
0x72: {  	_ =	shalt  }
0x73: {  	_ =	shalt  }
0x74: {  	_ =	shalt  }
0x75: {  	_ =	shalt  }
0x76: {  	_ =	shalt  }
0x77: {  	_ =	shalt  }
0x78: {  	_ =	shalt  }
0x79: {  	_ =	shalt  }
0x7a: {  	_ =	shalt  }
0x7b: {  	_ =	shalt  }
0x7c: {  	_ =	shalt  }
0x7d: {  	_ =	shalt  }
0x7e: {  	_ =	shalt  }
0x7f: {  	_ =	shalt  }
0x80: {  	_ =	shalt  }
0x81: {  	_ =	shalt  }
0x82: {  	_ =	shalt  }
0x83: {  	_ =	shalt  }
0x84: {  	_ =	shalt  }
0x85: {  	_ =	shalt  }
0x86: {  	_ =	shalt  }
0x87: {  	_ =	shalt  }
.Lfunc_end0:
.L_simem_size_0:
called_computation.3_lowered:
.L_overlay_start_0:
0x88: {  	s2 =	sld [smem:$0x3FD9]  }
0x89: {  	s3 =	sld [smem:$0x3FFE];
	_ =	sdelay $0x1  }
0x8a: {  	s1 =	srdreg.scid  }
0x8b: {  	s0 =	sand.u32 $0x1, s1  }
0x8c: {  	s17 =	sshll.u32 s0, $0xA;
	s2 =	sadd.s32 s3, s2  }
0x8d: {  	s2 =	sadd.s32 s2, s17  }
0x8e: {  	[smem:$0x3FB6] =	sst s2  }
0x8f: {  	_ = 	snop  }
0x90: {  	s2 =	sld [smem:$0x3FC8];
	(tm) =	ssettm $0x1  }
0x91: {  	s18 =	sld [smem:$0x3FFB];
	_ =	sdelay $0x3  }
0x92: {  	_ =	strace s18  }
0x93: {  	s3 =	sld [smem:$0x3FFC];
	_ =	sdelay $0x3  }
0x94: {  	_ =	strace s3  }
0x95: {  	s3 =	sld [smem:$0x3FFD];
	_ =	sdelay $0x3  }
0x96: {  	_ =	strace s3  }
0x97: {  	_ =	strace $0x8FFFFFFF  }
0x98: {  	s19 =	sld [smem:$0x3FDB];
	_ =	sdelay $0x1  }
0x99: {  	s4 =	simm.s32 $_scs_section_size  }
0x9a: {  	s5 =	simm.s32 $_size__tile_overlayer_lowered;
	s6 =	simm.s32 $_tile_overlayer_lowered  }
0x9b: {  	s22 =	simm.s32 $0x1BFF;
	s21 =	sshll.u32 s6, $0x1;
	s3 =	sadd.s32 s4, s19  }
0x9c: {  	s7 =	simm.s32 $0x0;
	s20 =	sshll.u32 s5, $0x1;
	s5 =	sadd.s32 s21, s3  }
0x9d: {  	[timem:s7], [sflag:s22] =	dma.local [hbm:s5], s20  }
0x9e: {  	_ =	swait.ge [sflag:s22], s20  }
0x9f: {  	s4 =	ssub.s32 $0x0, s20;
	[sflag:s22] =	ssyncset.done $0x0  }
0xa0: {  	[sflag:s22] =	ssyncadd.s32 s4;
	_ =	sdelay $0x1  }
0xa1: {  	s23 =	simm.s32 $0x1B8B  }
0xa2: {  	_ =	swait.ge [sflag:s23], $0x1  }
0xa3: {  	[sflag:s23] =	ssyncset.done $0x0  }
0xa4: {  	s25 =	simm.s32 $0x1B8E;
	s24 =	sld [smem:$0x3FFE];
	[sflag:s23] =	ssyncadd.s32 $0xFFFFFFFF  }
0xa5: {  	s26 =	simm.s32 $execute0_lowered;
	[smem:$0x3FD2] =	sst s25  }
0xa6: {  	s5 =	sshll.u32 s26, $0x1;
	_ =	strace $0x8000004F;
	[dreg:$0x1] =	wrdreg $0xFFFFFFFF  }
0xa7: {  	s28 =	simm.s32 $_size_execute0_lowered;
	s3 =	sadd.s32 s3, s5;
	[dreg:$0x0] =	wrdreg $0x0  }
0xa8: {  	s5 =	sshll.u32 s28, $0x1;
	[dreg:$0x2] =	wrdreg s3  }
0xa9: {  	[dreg:$0x3] =	wrdreg s5  }
0xaa: {  	[dreg:$0x4] =	wrdreg $0xC0  }
0xab: {  	_ =	task [dreg:s7], $0x5FFFF  }
0xac: {  	[dreg:$0x1] =	wrdreg $0xFFFFFFFF  }
0xad: {  	[dreg:$0x0] =	wrdreg $0x60  }
0xae: {  	[dreg:$0x2] =	wrdreg s24  }
0xaf: {  	[dreg:$0x3] =	wrdreg s2  }
0xb0: {  	[dreg:$0x4] =	wrdreg $0x0  }
0xb1: {  	[dreg:$0x5] =	wrdreg $0x9  }
0xb2: {  	_ =	task.clear_ibuf [dreg:s7], $0x6FFFF;
	_ =	strace $0x9000004F  }
0xb3: {  	s29 =	simm.s32 $0x9;
	_ =	strace $0x80000051  }
0xb4: {  	_ =	swait.ge [sflag:s29], $0x1  }
0xb5: {  	[sflag:s29] =	ssyncadd.s32 $0xFFFFFFFF  }
0xb6: {  	_ =	strace $0x90000051  }
0xb7: {  	_ =	sfence  }
0xb8: {  	s30 =	sld [smem:$0x0];
	_ =	sdelay $0x2  }
0xb9: {  	s31 =	sshll.u32 s1, $0xD;
	s1 =	sshrl.u32 s1, $0x2  }
0xba: {  	s3 =	sand.u32 $0x4000, s31;
	s1 =	sadd.s32 s1, s30  }
0xbb: {  	s0 =	sor.u32 s3, s0;
	s1 =	sshll.u32 s1, $0x11  }
0xbc: {  	s0 =	sor.u32 s1, s0  }
0xbd: {  	s0 =	sadd.s32 $0x8F2B, s0  }
0xbe: {  	[sflag:s0] =	ssyncadd.remote.s32 $0x1  }
0xbf: {  	_ =	sfence.sel $0xFFFF  }
0xc0: {  	[dreg:$0x0] =	wrdreg $0xFFFFFFFF;
	(pc) =	sbr.abs _section_cstart, $3  }
0xc1: {  	[dreg:$0x1] =	wrdreg $0xFFFFFFFF  }
0xc2: {  	_ =	task.clear_ibuf [dreg:s7], $0x2FFFF;
	_ =	strace $0x9FFFFFFF  }
0xc3: {  	(tm) =	ssettm $0x7FFFFFFF  }
tec
execute0_lowered:
.L_overlay_start_1:
0x0: {  	(tag) =	ssettag $0x1  }
0x1: {  	s2 =	rddreg [dreg:$0x0]  }
0x2: {  	s0 =	rddreg [dreg:$0x1]  }
0x3: {  	s1 =	rddreg [dreg:$0x2];
	s4 =	srdreg.scid  }
0x4: {  	s3 =	simm.s32 $0x0;
	s14 =	stileid.u32;
	s28 =	simm.s32 $0x5  }
0x5: {  	s29 =	simm.s32 $0x14000;
	s30 =	simm.s32 $0x1;
	s31 =	simm.s32 $0x2  }
0x6: {  	s5 =	sand.u32 $0x1, s4;
	[smem:$0x7FF] =	sst s3;
	s9 =	smul.u32 $0x50000, s14  }
0x7: {  	s6 =	sadd.s32 $0x9CA400, s2;
	s19 =	smul.u32 $0x14000, s14;
	s4 =	sshll.u32 s5, $0x4  }
0x8: {  	s2 =	sadd.s32 $0x5400, s2;
	s17 =	smul.u32 $0x140000, s5;
	s4 =	sor.u32 s14, s4  }
0x9: {  	_ =	strace $0x80000050;
	s8 =	ssub.s32 $0x2, s5;
	s7 =	smul.u32 $0x1388, s4  }
0xa: {  	s10 =	sshrl.u32 s8, $0x1;
	s9 =	sshrl.u32 s9, $0x2;
	s11 =	smul.u32 $0x13880, s4  }
0xb: {  	s12 =	smul.u32 $0x9C400, s4;
	s8 =	ssub.s32 s8, s10;
	s4 =	sadd.s32 s9, s1  }
0xc: {  	s23 =	sadd.s32 s17, s19;
	s9 =	sadd.s32 $0x10000, s19;
	s21 =	smax.u32 s8, $0x1  }
0xd: {  	s22 =	sadd.s32 $0x4000, s4;
	s8 =	sadd.s32 $0x4000, s19;
	s10 =	sadd.s32 s17, s9  }
0xe: {  	s7 =	sshrl.u32 s7, $0x3;
	s15 =	sadd.s32 s6, s11;
	[dreg:$0x8] =	wrdreg s21  }
0xf: {  	s16 =	sshrl.u32 s12, $0x3;
	[dreg:$0x9] =	wrdreg s22;
	s11 =	sadd.s32 $0x8000, s19  }
0x10: {  	s24 =	sadd.s32 s17, s8;
	s10 =	sshrl.u32 s10, $0x3;
	s21 =	smul.u32 $0x13880, s14  }
0x11: {  	s7 =	sadd.s32 s0, s7;
	[dreg:$0x5] =	wrdreg s15;
	s18 =	sadd.s32 s6, s16  }
0x12: {  	s25 =	sshrl.u32 s24, $0x3;
	s16 =	smul.u32 $0x13880, s5;
	s13 =	sadd.s32 $0x4E20, s7  }
0x13: {  	s5 =	smul.u32 $0x138800, s5;
	s7 =	sadd.s32 $0x5090, s7;
	[dreg:$0x4] =	wrdreg s13  }
0x14: {  	s15 =	sadd.s32 s2, s10;
	s10 =	simm.s32 $0x0;
	[dreg:$0x6] =	wrdreg s7  }
0x15: {  	s7 =	sadd.s32 $0x13800, s18;
	s13 =	sadd.s32 s17, s11;
	s5 =	sadd.s32 s5, s6  }
0x16: {  	s6 =	simm.s32 $0x3;
	[dreg:$0x7] =	wrdreg s7;
	s7 =	sshrl.u32 s23, $0x3  }
0x17: {  	s26 =	sshrl.u32 s13, $0x3;
	s13 =	sadd.s32 $0xC000, s19;
	s7 =	sadd.s32 s2, s7  }
0x18: {  	s12 =	sadd.s32 s2, s26;
	s20 =	sadd.s32 s17, s13;
	[dreg:$0xa] =	wrdreg s7  }
0x19: {  	s17 =	smul.u32 $0x1388, s14;
	s7 =	sadd.s32 s2, s25;
	[dreg:$0xc] =	wrdreg s12  }
0x1a: {  	s12 =	sshrl.u32 s20, $0x3;
	s20 =	sadd.s32 $0x10000, s4;
	[dreg:$0xb] =	wrdreg s7  }
0x1b: {  	s12 =	sadd.s32 s2, s12;
	s22 =	sadd.s32 s17, s16;
	s16 =	sadd.s32 $0x8000, s4  }
0x1c: {  	s2 =	sadd.s32 s21, s5;
	s17 =	sadd.s32 $0xC000, s4;
	s21 =	sadd.s32 s8, s1  }
0x1d: {  	s5 =	simm.s32 $0x80;
	s7 =	simm.s32 $0x4;
	s8 =	simm.s32 $0x1C100  }
0x1e: {  	[dreg:$0xd] =	wrdreg s12;
	s23 =	sadd.s32 $0x27180, s22;
	s25 =	sadd.s32 $0x27200, s22  }
0x1f: {  	s22 =	sadd.s32 s11, s1;
	s12 =	sadd.s32 $0x800, s2;
	s2 =	simm.s32 $0x18100  }
0x20: {  	s24 =	sshrl.u32 s23, $0x3;
	s26 =	sshrl.u32 s25, $0x3;
	s23 =	sadd.s32 s13, s1  }
0x21: {  	s18 =	sadd.s32 s24, s0;
	s19 =	sadd.s32 s26, s0;
	s24 =	sadd.s32 s9, s1  }
0x22: {  	v0 =	vimm.f32 $0.0e+00;
	s26 =	simm.s32 $0x14080;
	s0 =	simm.s32 $0x18080;
	s9 =	simm.s32 $0x1C180  }
.LBB2_1:
0x23: {  	s11 =	simm.s32 $0x0;
	s25 =	simm.s32 $0x200  }
.LBB2_2:
0x24: {  	p0 =	sne.s32 s25, $0xFE00;
	[tilespmem:s11+$0x140F0] =	vst v0  }
0x25: {  	[tilespmem:s11+$0x14080] =	vst v0  }
0x26: {  	[tilespmem:s11+$0x14090] =	vst v0  }
.Ltmp0:
0x27: {  	[tilespmem:s11+$0x140A0] =	vst v0;
	(pc) =	sbr.rel @p0 .LBB2_2-.Ltmp0, $4  }
0x28: {  	[tilespmem:s11+$0x140B0] =	vst v0  }
0x29: {  	[tilespmem:s11+$0x140C0] =	vst v0  }
0x2a: {  	[tilespmem:s11+$0x140D0] =	vst v0  }
0x2b: {  	[tilespmem:s11+$0x140E0] =	vst v0;
	s11 =	sshra.s32 s25, $0x2;
	s25 =	sadd.s32 $0x200, s25  }
0x2c: {  	[tilespmem:s11+$0x140F0] =	vst v0  }
0x2d: {  	[tilespmem:s11+$0x14080] =	vst v0  }
0x2e: {  	[tilespmem:s11+$0x14090] =	vst v0  }
0x2f: {  	[tilespmem:s11+$0x140A0] =	vst v0  }
0x30: {  	[tilespmem:s11+$0x140B0] =	vst v0  }
0x31: {  	[tilespmem:s11+$0x140C0] =	vst v0  }
0x32: {  	[tilespmem:s11+$0x140D0] =	vst v0  }
0x33: {  	[tilespmem:s11+$0x140E0] =	vst v0  }
0x34: {  	[spmem:s4] =	stream.linear.scatter [tilespmem:s26], [sflag:$0x5], $0x4000, $0x38;
	[tilespmem:$0x1C580] =	vst v63  }
0x35: {  	_ =	swait.ge [sflag:s28], $0x4000  }
0x36: {  	[sflag:s28] =	ssyncset.done $0x0  }
0x37: {  	s13 =	rddreg [dreg:$0x9];
	[sflag:s28] =	ssyncadd.s32 $0xFFFFC000  }
0x38: {  	[spmem:s13] =	stream.linear.scatter [tilespmem:s26], [sflag:$0x5], $0x4000, $0x38;
	[tilespmem:$0x1C580] =	vst v63  }
0x39: {  	_ =	swait.ge [sflag:s28], $0x4000  }
0x3a: {  	[sflag:s28] =	ssyncset.done $0x0  }
0x3b: {  	[sflag:s28] =	ssyncadd.s32 $0xFFFFC000  }
0x3c: {  	[spmem:s16] =	stream.linear.scatter [tilespmem:s26], [sflag:$0x5], $0x4000, $0x38;
	[tilespmem:$0x1C580] =	vst v63  }
0x3d: {  	_ =	swait.ge [sflag:s28], $0x4000  }
0x3e: {  	[sflag:s28] =	ssyncset.done $0x0  }
0x3f: {  	[sflag:s28] =	ssyncadd.s32 $0xFFFFC000  }
0x40: {  	[spmem:s17] =	stream.linear.scatter [tilespmem:s26], [sflag:$0x5], $0x4000, $0x38;
	[tilespmem:$0x1C580] =	vst v63  }
0x41: {  	_ =	swait.ge [sflag:s28], $0x4000  }
0x42: {  	[sflag:s28] =	ssyncset.done $0x0  }
0x43: {  	[sflag:s28] =	ssyncadd.s32 $0xFFFFC000  }
0x44: {  	[spmem:s20] =	stream.linear.scatter [tilespmem:s26], [sflag:$0x5], $0x4000, $0x38;
	[tilespmem:$0x1C580] =	vst v63  }
0x45: {  	_ =	swait.ge [sflag:s28], $0x4000  }
0x46: {  	[sflag:s28] =	ssyncset.done $0x0  }
0x47: {  	[sflag:s28] =	ssyncadd.s32 $0xFFFFC000  }
0x48: {  	[bflag:$0x0] =	sbarrier.arrive $0xFFFF  }
0x49: {  	s14 =	simm.s32 $0x0;
	s13 =	rddreg [dreg:$0x4]  }
0x4a: {  	[tilespmem:s29], [sflag:$0x1] =	stream.linear.gather [hbm4b:s13+s14], $0x80, $0x38;
	[tilespmem:$0x1C580] =	vst v63  }
0x4b: {  	s25 =	rddreg [dreg:$0x5]  }
0x4c: {  	[tilespmem:s26], [sflag:$0x2] =	stream.linear.gather [hbm4b:s25+s14], $0x4000, $0x38;
	[tilespmem:$0x1C580] =	vst v63  }
0x4d: {  	_ =	swait.ge [sflag:s30], $0x80  }
0x4e: {  	[sflag:s30] =	ssyncset.done $0x0  }
0x4f: {  	[sflag:s30] =	ssyncadd.s32 $0xFFFFFF80  }
0x50: {  	_ =	swait.ge [sflag:s31], $0x4000  }
0x51: {  	[sflag:s31] =	ssyncset.done $0x0  }
0x52: {  	s13 =	sadd.s32 $0x0, s18;
	[sflag:s31] =	ssyncadd.s32 $0xFFFFC000  }
0x53: {  	[tilespmem:s0], [sflag:$0x3] =	stream.linear.gather [hbm4b:s13+s3], $0x80, $0x38;
	[tilespmem:$0x1C580] =	vst v63  }
0x54: {  	_ = 	snop  }
0x55: {  	[tilespmem:s2], [sflag:$0x4] =	stream.linear.gather [hbm4b:s12+s3], $0x4000, $0x38;
	[tilespmem:$0x1C580] =	vst v63  }
0x56: {  	_ = 	snop  }
0x57: {  	[spmem:s1] =	stream.indirect.scatter.add.f32 [tilespmem:s26], [sflag:$0x5], $0x80, s29, s5, $0xb8;
	[tilespmem:$0x1C580] =	vst v63  }
0x58: {  	_ =	swait.ge [sflag:s28], $0x4000  }
0x59: {  	[sflag:s28] =	ssyncset.done $0x0  }
0x5a: {  	[sflag:s28] =	ssyncadd.s32 $0xFFFFC000  }
0x5b: {  	_ =	swait.ge [sflag:s6], $0x80  }
0x5c: {  	[sflag:s6] =	ssyncset.done $0x0  }
0x5d: {  	[sflag:s6] =	ssyncadd.s32 $0xFFFFFF80  }
0x5e: {  	_ =	swait.ge [sflag:s7], $0x4000  }
0x5f: {  	[sflag:s7] =	ssyncset.done $0x0  }
0x60: {  	s14 =	sadd.s32 $0x0, s19;
	[sflag:s7] =	ssyncadd.s32 $0xFFFFC000  }
0x61: {  	[tilespmem:s29], [sflag:$0x1] =	stream.linear.gather [hbm4b:s14+s3], $0x80, $0x38;
	[tilespmem:$0x1C580] =	vst v63  }
0x62: {  	s25 =	sadd.s32 $0x800, s12  }
0x63: {  	[tilespmem:s26], [sflag:$0x2] =	stream.linear.gather [hbm4b:s25+s3], $0x4000, $0x38;
	[tilespmem:$0x1C580] =	vst v63  }
0x64: {  	_ = 	snop  }
0x65: {  	[spmem:s1] =	stream.indirect.scatter.add.f32 [tilespmem:s2], [sflag:$0x5], $0x80, s0, s5, $0xb8;
	[tilespmem:$0x1C580] =	vst v63  }
0x66: {  	_ =	swait.ge [sflag:s28], $0x4000  }
0x67: {  	s11 =	simm.s32 $0x20;
	s25 =	smov.u32 s12;
	[sflag:s28] =	ssyncset.done $0x0  }
.LBB2_4:
0x68: {  	p0 =	sne.s32 s11, $0x240;
	[sflag:s28] =	ssyncadd.s32 $0xFFFFC000;
	s25 =	sadd.s32 $0x1000, s25  }
0x69: {  	s13 =	smov.u32 s11;
	s11 =	sadd.s32 $0x20, s11  }
0x6a: {  	_ =	swait.ge [sflag:s30], $0x80  }
0x6b: {  	[sflag:s30] =	ssyncset.done $0x0  }
0x6c: {  	[sflag:s30] =	ssyncadd.s32 $0xFFFFFF80  }
0x6d: {  	_ =	swait.ge [sflag:s31], $0x4000  }
0x6e: {  	[sflag:s31] =	ssyncset.done $0x0  }
0x6f: {  	s14 =	sadd.s32 s13, s18;
	[sflag:s31] =	ssyncadd.s32 $0xFFFFC000  }
0x70: {  	[tilespmem:s0], [sflag:$0x3] =	stream.linear.gather [hbm4b:s14+s3], $0x80, $0x38;
	[tilespmem:$0x1C580] =	vst v63  }
0x71: {  	_ = 	snop  }
0x72: {  	[tilespmem:s2], [sflag:$0x4] =	stream.linear.gather [hbm4b:s25+s3], $0x4000, $0x38;
	[tilespmem:$0x1C580] =	vst v63  }
0x73: {  	_ = 	snop  }
0x74: {  	[spmem:s1] =	stream.indirect.scatter.add.f32 [tilespmem:s26], [sflag:$0x5], $0x80, s29, s5, $0xb8;
	[tilespmem:$0x1C580] =	vst v63  }
0x75: {  	_ =	swait.ge [sflag:s28], $0x4000  }
0x76: {  	[sflag:s28] =	ssyncset.done $0x0  }
0x77: {  	[sflag:s28] =	ssyncadd.s32 $0xFFFFC000  }
0x78: {  	_ =	swait.ge [sflag:s6], $0x80  }
0x79: {  	[sflag:s6] =	ssyncset.done $0x0  }
0x7a: {  	[sflag:s6] =	ssyncadd.s32 $0xFFFFFF80  }
0x7b: {  	_ =	swait.ge [sflag:s7], $0x4000  }
0x7c: {  	[sflag:s7] =	ssyncset.done $0x0  }
0x7d: {  	s13 =	sadd.s32 s13, s19;
	[sflag:s7] =	ssyncadd.s32 $0xFFFFC000  }
0x7e: {  	[tilespmem:s29], [sflag:$0x1] =	stream.linear.gather [hbm4b:s13+s3], $0x80, $0x38;
	[tilespmem:$0x1C580] =	vst v63  }
0x7f: {  	s13 =	sadd.s32 $0x800, s25  }
0x80: {  	[tilespmem:s26], [sflag:$0x2] =	stream.linear.gather [hbm4b:s13+s3], $0x4000, $0x38;
	[tilespmem:$0x1C580] =	vst v63  }
.Ltmp1:
0x81: {  	_ = 	snop;
	(pc) =	sbr.rel @p0 .LBB2_4-.Ltmp1, $4  }
0x82: {  	_ = 	snop  }
0x83: {  	[spmem:s1] =	stream.indirect.scatter.add.f32 [tilespmem:s2], [sflag:$0x5], $0x80, s0, s5, $0xb8;
	[tilespmem:$0x1C580] =	vst v63  }
0x84: {  	_ =	swait.ge [sflag:s28], $0x4000  }
0x85: {  	[sflag:s28] =	ssyncset.done $0x0  }
0x86: {  	[sflag:s28] =	ssyncadd.s32 $0xFFFFC000  }
0x87: {  	_ =	swait.ge [sflag:s30], $0x80  }
0x88: {  	[sflag:s30] =	ssyncset.done $0x0  }
0x89: {  	[sflag:s30] =	ssyncadd.s32 $0xFFFFFF80  }
0x8a: {  	_ =	swait.ge [sflag:s31], $0x4000  }
0x8b: {  	[sflag:s31] =	ssyncset.done $0x0  }
0x8c: {  	[sflag:s31] =	ssyncadd.s32 $0xFFFFC000  }
0x8d: {  	[spmem:s1] =	stream.indirect.scatter.add.f32 [tilespmem:s26], [sflag:$0x5], $0x80, s29, s5, $0xb8;
	[tilespmem:$0x1C580] =	vst v63  }
0x8e: {  	_ =	swait.ge [sflag:s28], $0x4000  }
0x8f: {  	[sflag:s28] =	ssyncset.done $0x0  }
0x90: {  	s11 =	rddreg [dreg:$0x6];
	[sflag:s28] =	ssyncadd.s32 $0xFFFFC000  }
0x91: {  	[tilespmem:s8], [sflag:$0x5] =	stream.linear.gather [hbm4b:s11+s3], $0x8, $0x38;
	[tilespmem:$0x1C580] =	vst v63  }
0x92: {  	_ =	swait.ge [sflag:s28], $0x8  }
0x93: {  	[sflag:s28] =	ssyncset.done $0x0  }
0x94: {  	s25 =	rddreg [dreg:$0x7];
	[sflag:s28] =	ssyncadd.s32 $0xFFFFFFF8  }
0x95: {  	[tilespmem:s9], [sflag:$0x5] =	stream.linear.gather [hbm4b:s25+s3], $0x400, $0x38;
	[tilespmem:$0x1C580] =	vst v63  }
0x96: {  	_ =	swait.ge [sflag:s28], $0x400  }
0x97: {  	[sflag:s28] =	ssyncset.done $0x0  }
0x98: {  	s13 =	simm.s32 $0x8;
	[sflag:s28] =	ssyncadd.s32 $0xFFFFFC00  }
0x99: {  	[spmem:s1] =	stream.indirect.scatter.add.f32 [tilespmem:s9], [sflag:$0x5], $0x80, s8, s13, $0xb8;
	[tilespmem:$0x1C580] =	vst v63  }
0x9a: {  	_ =	swait.ge [sflag:s28], $0x400  }
0x9b: {  	[sflag:s28] =	ssyncset.done $0x0  }
0x9c: {  	[sflag:s28] =	ssyncadd.s32 $0xFFFFFC00  }
0x9d: {  	[bflag:$0x0] =	sbarrier.arrive $0xFFFF  }
0x9e: {  	[tilespmem:s26], [sflag:$0x5] =	stream.linear.gather [spmem:s4], $0x4000, $0x38;
	[tilespmem:$0x1C580] =	vst v63  }
0x9f: {  	_ =	swait.ge [sflag:s28], $0x4000  }
0xa0: {  	[sflag:s28] =	ssyncset.done $0x0  }
0xa1: {  	s14 =	rddreg [dreg:$0xa];
	[sflag:s28] =	ssyncadd.s32 $0xFFFFC000  }
0xa2: {  	[hbm4b:s14+s3] =	stream.linear.scatter [tilespmem:s26], [sflag:$0x5], $0x4000, $0x38;
	[tilespmem:$0x1C580] =	vst v63  }
0xa3: {  	_ =	swait.ge [sflag:s28], $0x4000  }
0xa4: {  	[sflag:s28] =	ssyncset.done $0x0  }
0xa5: {  	[sflag:s28] =	ssyncadd.s32 $0xFFFFC000  }
0xa6: {  	[tilespmem:s26], [sflag:$0x5] =	stream.linear.gather [spmem:s21], $0x4000, $0x38;
	[tilespmem:$0x1C580] =	vst v63  }
0xa7: {  	_ =	swait.ge [sflag:s28], $0x4000  }
0xa8: {  	[sflag:s28] =	ssyncset.done $0x0  }
0xa9: {  	s25 =	rddreg [dreg:$0xb];
	[sflag:s28] =	ssyncadd.s32 $0xFFFFC000  }
0xaa: {  	[hbm4b:s25+s3] =	stream.linear.scatter [tilespmem:s26], [sflag:$0x5], $0x4000, $0x38;
	[tilespmem:$0x1C580] =	vst v63  }
0xab: {  	_ =	swait.ge [sflag:s28], $0x4000  }
0xac: {  	[sflag:s28] =	ssyncset.done $0x0  }
0xad: {  	[sflag:s28] =	ssyncadd.s32 $0xFFFFC000  }
0xae: {  	[tilespmem:s26], [sflag:$0x5] =	stream.linear.gather [spmem:s22], $0x4000, $0x38;
	[tilespmem:$0x1C580] =	vst v63  }
0xaf: {  	_ =	swait.ge [sflag:s28], $0x4000  }
0xb0: {  	[sflag:s28] =	ssyncset.done $0x0  }
0xb1: {  	s13 =	rddreg [dreg:$0xc];
	[sflag:s28] =	ssyncadd.s32 $0xFFFFC000  }
0xb2: {  	[hbm4b:s13+s3] =	stream.linear.scatter [tilespmem:s26], [sflag:$0x5], $0x4000, $0x38;
	[tilespmem:$0x1C580] =	vst v63  }
0xb3: {  	_ =	swait.ge [sflag:s28], $0x4000  }
0xb4: {  	[sflag:s28] =	ssyncset.done $0x0  }
0xb5: {  	[sflag:s28] =	ssyncadd.s32 $0xFFFFC000  }
0xb6: {  	[tilespmem:s26], [sflag:$0x5] =	stream.linear.gather [spmem:s23], $0x4000, $0x38;
	[tilespmem:$0x1C580] =	vst v63  }
0xb7: {  	_ =	swait.ge [sflag:s28], $0x4000  }
0xb8: {  	[sflag:s28] =	ssyncset.done $0x0  }
0xb9: {  	s14 =	rddreg [dreg:$0xd];
	[sflag:s28] =	ssyncadd.s32 $0xFFFFC000  }
0xba: {  	[hbm4b:s14+s3] =	stream.linear.scatter [tilespmem:s26], [sflag:$0x5], $0x4000, $0x38;
	[tilespmem:$0x1C580] =	vst v63  }
0xbb: {  	_ =	swait.ge [sflag:s28], $0x4000  }
0xbc: {  	[sflag:s28] =	ssyncset.done $0x0  }
0xbd: {  	[sflag:s28] =	ssyncadd.s32 $0xFFFFC000  }
0xbe: {  	[tilespmem:s26], [sflag:$0x5] =	stream.linear.gather [spmem:s24], $0x4000, $0x38;
	[tilespmem:$0x1C580] =	vst v63  }
0xbf: {  	_ =	swait.ge [sflag:s28], $0x4000  }
0xc0: {  	[sflag:s28] =	ssyncset.done $0x0  }
0xc1: {  	[sflag:s28] =	ssyncadd.s32 $0xFFFFC000  }
0xc2: {  	[hbm4b:s15+s3] =	stream.linear.scatter [tilespmem:s26], [sflag:$0x5], $0x4000, $0x38;
	[tilespmem:$0x1C580] =	vst v63  }
0xc3: {  	_ =	swait.ge [sflag:s28], $0x4000  }
0xc4: {  	s10 =	sadd.s32 $0x1, s10;
	s25 =	rddreg [dreg:$0x8]  }
0xc5: {  	p0 =	sne.s32 s10, s25  }
.Ltmp2:
0xc6: {  	_ = 	snop;
	(pc) =	sbr.rel @p0 .LBB2_1-.Ltmp2, $3  }
0xc7: {  	_ =	sdelay $0x1  }
0xc8: {  	[sflag:s28] =	ssyncset.done $0x0  }
0xc9: {  	[sflag:s28] =	ssyncadd.s32 $0xFFFFC000  }
0xca: {  	_ =	sfence.sel $0x180000  }
0xcb: {  	[bflag:$0x0] =	sbarrier.arrive $0xFFFF  }
0xcc: {  	_ =	strace $0x90000050  }
0xcd: {  	s0 =	stileid.u32;
	[bflag:$0x2] =	sbarrier.arrive $0xFFFF  }
0xce: {  	p0 =	sne.s32 s0, $0x0;
	s0 =	rddreg [dreg:$0x3]  }
0xcf: {  	s0 =	sadd.s32 @!p0 $0x100000, s0  }
0xd0: {  	[sflag:s0] =	ssyncadd.tile.s32 @!p0 $0x1;
	_ =	shalt  }
.Lfunc_end2:
_tile_overlayer_lowered:
.L_overlay_start_2:
0xd1: {  	(tag) =	ssettag $0x2  }
0xd2: {  	s0 =	rddreg [dreg:$0x0];
	s2 =	stileid.u32  }
0xd3: {  	s1 =	rddreg [dreg:$0x1];
	p0 =	sne.s32 s2, $0x0  }
0xd4: {  	s3 =	rddreg [dreg:$0x2];
	[bflag:$0x3] =	sbarrier.arrive $0xFFFF;
	s2 =	simm.s32 @!p0 $0x1C05  }
0xd5: {  	[timem:s3], [sflag:s2] =	dma.local @!p0 [hbm:s0], s1  }
0xd6: {  	s0 =	simm.s32 @!p0 $0x5  }
0xd7: {  	_ =	swait.ge @!p0 [sflag:s0], s1  }
0xd8: {  	s1 =	ssub.s32 @!p0 $0x0, s1;
	[sflag:s0] =	ssyncset.done @!p0 $0x0  }
0xd9: {  	[sflag:s0] =	ssyncadd.s32 @!p0 s1  }
0xda: {  	[bflag:$0x3] =	sbarrier.arrive $0xFFFF  }
0xdb: {  	_ =	shalt  }

// kernel: kernel.9.cloned.1.call-start
scs
__scs_entry_jumppad:
0x0: {  	(pc) =	sbr.rel $0x88, $3  }
0x1: {  	(tag) =	ssettag $0x0;
	lr =	simm.s32 $0x1  }
0x2: {  	[smem:$0x3F8F] =	sst lr;
	_ =	strace $0xD0000000  }
0x3: {  	_ = 	snop  }
0x4: {  	_ = 	snop  }
0x5: {  	_ = 	snop  }
0x6: {  	_ = 	snop  }
0x7: {  	_ = 	snop  }
__scs_overlays_trampoline_lowered:
0x8: {  	[smem:$0x3F9E] =	sst s0  }
0x9: {  	[smem:$0x3F9F] =	sst s1  }
0xa: {  	[smem:$0x3FA0] =	sst s2  }
0xb: {  	[smem:$0x3FA1] =	sst s3  }
0xc: {  	[smem:$0x3FA2] =	sst s4  }
0xd: {  	[smem:$0x3FA3] =	sst s5  }
0xe: {  	[smem:$0x3FA4] =	sst s6  }
0xf: {  	[smem:$0x3FA5] =	sst s7  }
0x10: {  	[smem:$0x3FA6] =	sst s8  }
0x11: {  	[smem:$0x3FA7] =	sst s9;
	s0 =	simm.s32 @!p0 $0x0  }
0x12: {  	s1 =	sld [smem:$0x3F8D];
	s0 =	simm.s32 @p0 $0x1  }
0x13: {  	[smem:$0x3FA8] =	sst s0;
	s0 =	simm.s32 @!p1 $0x0  }
0x14: {  	s2 =	sld [smem:$0x3F8C];
	s0 =	simm.s32 @p1 $0x1  }
0x15: {  	[smem:$0x3FA9] =	sst s0;
	s0 =	simm.s32 @!p2 $0x0  }
0x16: {  	s3 =	sld [smem:$0x3FDB];
	s0 =	simm.s32 @p2 $0x1  }
0x17: {  	s4 =	simm.s32 $0x1BF5;
	[smem:$0x3FAB] =	sst s0  }
0x18: {  	s0 =	sld [smem:$0x3F8E];
	_ =	swait.ge [sflag:s4], $0x0  }
0x19: {  	s7 =	sld [smem:$0x3F8F]  }
0x1a: {  	s8 =	sadd.s32 $0xFFFFE003, lr  }
0x1b: {  	s9 =	sadd.s32 $0xFFFFFEF7, lr;
	s5 =	simm.s32 $0xFFFFFFFF;
	p2 =	slt.u32 s8, $0xFFFFF086  }
0x1c: {  	p1 =	slt.u32 s9, $0xF7A;
	s5 =	simm.s32 @!p2 $0x0  }
0x1d: {  	s5 =	simm.s32 @p1 $0x1;
	p0 =	seq.s32 s7, s2  }
0x1e: {  	s7 =	smul.u32 @!p0 $0xF7A, s2;
	p2 =	seq.s32 @!p0 s5, $0x0  }
0x1f: {  	s9 =	smul.u32 $0xF7A, s1;
	s8 =	simm.s32 @!p0 $0x1BF5;
	p2 =	por !p2, p0  }
0x20: {  	[sflag:s8] =	ssyncset.s32 @!p0 $0xFFFFF086;
	s6 =	sadd.s32 @!p0 s3, s7;
	s7 =	simm.s32 @!p0 $0x108  }
0x21: {  	s3 =	sadd.s32 s3, s9;
	s6 =	sadd.s32 @!p0 $0x88, s6;
	s7 =	simm.s32 @p2 $0x1082  }
0x22: {  	[simem:s7], [sflag:s8] =	dma.local @!p0 [hbm:s6], $0xF7A  }
0x23: {  	s9 =	sor.u32 $0xD0000000, s2;
	s6 =	simm.s32 $0x108;
	_ =	swait.ge @!p0 [sflag:s8], $0x0  }
0x24: {  	s3 =	sadd.s32 $0x88, s3;
	s6 =	simm.s32 @!p1 $0x1082;
	[sflag:s4] =	ssyncset.s32 $0xFFFFF086  }
0x25: {  	[simem:s6], [sflag:s4] =	dma.local [hbm:s3], $0xF7A  }
0x26: {  	[smem:$0x3F8F] =	sst s1;
	(tag) =	ssettag s2;
	_ =	strace s9  }
0x27: {  	s1 =	sld [smem:$0x3F9F]  }
0x28: {  	s2 =	sld [smem:$0x3FA0]  }
0x29: {  	s4 =	sld [smem:$0x3FA2]  }
0x2a: {  	p0 =	seq.s32 s5, $0x0;
	s5 =	sld [smem:$0x3FA3]  }
0x2b: {  	s6 =	sld [smem:$0x3FA4]  }
0x2c: {  	s7 =	sld [smem:$0x3FA5]  }
0x2d: {  	s3 =	simm.s32 $0x108;
	s8 =	sld [smem:$0x3FA6]  }
0x2e: {  	s3 =	simm.s32 @!p0 $0x1082;
	s9 =	sld [smem:$0x3FA7]  }
0x2f: {  	lr =	sadd.s32 s0, s3;
	s0 =	sld [smem:$0x3F9E]  }
0x30: {  	s3 =	sld [smem:$0x3FA1]  }
0x31: {  	[smem:$0x3FAA] =	sst s10  }
0x32: {  	s10 =	sld [smem:$0x3FA8];
	_ =	sdelay $0x3  }
0x33: {  	p0 =	seq.s32 s10, $0x1;
	s10 =	sld [smem:$0x3FAA];
	_ =	sdelay $0x3  }
0x34: {  	[smem:$0x3FAA] =	sst s10  }
0x35: {  	s10 =	sld [smem:$0x3FA9];
	_ =	sdelay $0x3  }
0x36: {  	p1 =	seq.s32 s10, $0x1;
	s10 =	sld [smem:$0x3FAA];
	_ =	sdelay $0x3  }
0x37: {  	[smem:$0x3FAA] =	sst s10  }
0x38: {  	s10 =	sld [smem:$0x3FAB]  }
0x39: {  	_ = 	snop;
	(pc) =	sbr.ind lr, $3  }
0x3a: {  	_ = 	snop  }
0x3b: {  	_ = 	snop  }
0x3c: {  	p2 =	seq.s32 s10, $0x1;
	s10 =	sld [smem:$0x3FAA]  }
0x3d: {  	_ =	shalt  }
0x3e: {  	_ =	shalt  }
0x3f: {  	_ =	shalt  }
0x40: {  	_ =	shalt  }
0x41: {  	_ =	shalt  }
0x42: {  	_ =	shalt  }
0x43: {  	_ =	shalt  }
0x44: {  	_ =	shalt  }
0x45: {  	_ =	shalt  }
0x46: {  	_ =	shalt  }
0x47: {  	_ =	shalt  }
0x48: {  	_ =	shalt  }
0x49: {  	_ =	shalt  }
0x4a: {  	_ =	shalt  }
0x4b: {  	_ =	shalt  }
0x4c: {  	_ =	shalt  }
0x4d: {  	_ =	shalt  }
0x4e: {  	_ =	shalt  }
0x4f: {  	_ =	shalt  }
0x50: {  	_ =	shalt  }
0x51: {  	_ =	shalt  }
0x52: {  	_ =	shalt  }
0x53: {  	_ =	shalt  }
0x54: {  	_ =	shalt  }
0x55: {  	_ =	shalt  }
0x56: {  	_ =	shalt  }
0x57: {  	_ =	shalt  }
0x58: {  	_ =	shalt  }
0x59: {  	_ =	shalt  }
0x5a: {  	_ =	shalt  }
0x5b: {  	_ =	shalt  }
0x5c: {  	_ =	shalt  }
0x5d: {  	_ =	shalt  }
0x5e: {  	_ =	shalt  }
0x5f: {  	_ =	shalt  }
0x60: {  	_ =	shalt  }
0x61: {  	_ =	shalt  }
0x62: {  	_ =	shalt  }
0x63: {  	_ =	shalt  }
0x64: {  	_ =	shalt  }
0x65: {  	_ =	shalt  }
0x66: {  	_ =	shalt  }
0x67: {  	_ =	shalt  }
0x68: {  	_ =	shalt  }
0x69: {  	_ =	shalt  }
0x6a: {  	_ =	shalt  }
0x6b: {  	_ =	shalt  }
0x6c: {  	_ =	shalt  }
0x6d: {  	_ =	shalt  }
0x6e: {  	_ =	shalt  }
0x6f: {  	_ =	shalt  }
0x70: {  	_ =	shalt  }
0x71: {  	_ =	shalt  }
0x72: {  	_ =	shalt  }
0x73: {  	_ =	shalt  }
0x74: {  	_ =	shalt  }
0x75: {  	_ =	shalt  }
0x76: {  	_ =	shalt  }
0x77: {  	_ =	shalt  }
0x78: {  	_ =	shalt  }
0x79: {  	_ =	shalt  }
0x7a: {  	_ =	shalt  }
0x7b: {  	_ =	shalt  }
0x7c: {  	_ =	shalt  }
0x7d: {  	_ =	shalt  }
0x7e: {  	_ =	shalt  }
0x7f: {  	_ =	shalt  }
0x80: {  	_ =	shalt  }
0x81: {  	_ =	shalt  }
0x82: {  	_ =	shalt  }
0x83: {  	_ =	shalt  }
0x84: {  	_ =	shalt  }
0x85: {  	_ =	shalt  }
0x86: {  	_ =	shalt  }
0x87: {  	_ =	shalt  }
.Lfunc_end0:
.L_simem_size_0:
called_computation_lowered:
.L_overlay_start_0:
0x88: {  	s2 =	sld [smem:$0x3FD9]  }
0x89: {  	s3 =	sld [smem:$0x3FFE];
	_ =	sdelay $0x1  }
0x8a: {  	s1 =	srdreg.scid  }
0x8b: {  	s0 =	sand.u32 $0x1, s1  }
0x8c: {  	s17 =	sshll.u32 s0, $0xA;
	s2 =	sadd.s32 s3, s2  }
0x8d: {  	s2 =	sadd.s32 s2, s17  }
0x8e: {  	[smem:$0x3FB6] =	sst s2  }
0x8f: {  	_ = 	snop  }
0x90: {  	s2 =	sld [smem:$0x3FC8];
	(tm) =	ssettm $0x1  }
0x91: {  	s18 =	sld [smem:$0x3FFB];
	_ =	sdelay $0x3  }
0x92: {  	_ =	strace s18  }
0x93: {  	s3 =	sld [smem:$0x3FFC];
	_ =	sdelay $0x3  }
0x94: {  	_ =	strace s3  }
0x95: {  	s3 =	sld [smem:$0x3FFD];
	_ =	sdelay $0x3  }
0x96: {  	_ =	strace s3  }
0x97: {  	_ =	strace $0x8FFFFFFF  }
0x98: {  	s19 =	sld [smem:$0x3FDB];
	_ =	sdelay $0x1  }
0x99: {  	s4 =	simm.s32 $_scs_section_size  }
0x9a: {  	s5 =	simm.s32 $_size__tile_overlayer_lowered;
	s6 =	simm.s32 $_tile_overlayer_lowered  }
0x9b: {  	s22 =	simm.s32 $0x1BFF;
	s21 =	sshll.u32 s6, $0x1;
	s3 =	sadd.s32 s4, s19  }
0x9c: {  	s7 =	simm.s32 $0x0;
	s20 =	sshll.u32 s5, $0x1;
	s5 =	sadd.s32 s21, s3  }
0x9d: {  	[timem:s7], [sflag:s22] =	dma.local [hbm:s5], s20  }
0x9e: {  	_ =	swait.ge [sflag:s22], s20  }
0x9f: {  	s4 =	ssub.s32 $0x0, s20;
	[sflag:s22] =	ssyncset.done $0x0  }
0xa0: {  	[sflag:s22] =	ssyncadd.s32 s4;
	_ =	sdelay $0x1  }
0xa1: {  	s23 =	simm.s32 $0x1B8B  }
0xa2: {  	_ =	swait.ge [sflag:s23], $0x1  }
0xa3: {  	[sflag:s23] =	ssyncset.done $0x0  }
0xa4: {  	s25 =	simm.s32 $0x1B8E;
	s24 =	sld [smem:$0x3FFE];
	[sflag:s23] =	ssyncadd.s32 $0xFFFFFFFF  }
0xa5: {  	s26 =	simm.s32 $execute0_lowered;
	[smem:$0x3FD2] =	sst s25  }
0xa6: {  	s5 =	sshll.u32 s26, $0x1;
	_ =	strace $0x80000046;
	[dreg:$0x1] =	wrdreg $0xFFFFFFFF  }
0xa7: {  	s28 =	simm.s32 $_size_execute0_lowered;
	s3 =	sadd.s32 s3, s5;
	[dreg:$0x0] =	wrdreg $0x0  }
0xa8: {  	s5 =	sshll.u32 s28, $0x1;
	[dreg:$0x2] =	wrdreg s3  }
0xa9: {  	[dreg:$0x3] =	wrdreg s5  }
0xaa: {  	[dreg:$0x4] =	wrdreg $0xC0  }
0xab: {  	_ =	task [dreg:s7], $0x5FFFF  }
0xac: {  	[dreg:$0x1] =	wrdreg $0xFFFFFFFF  }
0xad: {  	[dreg:$0x0] =	wrdreg $0x60  }
0xae: {  	[dreg:$0x2] =	wrdreg s24  }
0xaf: {  	[dreg:$0x3] =	wrdreg s2  }
0xb0: {  	[dreg:$0x4] =	wrdreg $0x0  }
0xb1: {  	[dreg:$0x5] =	wrdreg $0x9  }
0xb2: {  	_ =	task.clear_ibuf [dreg:s7], $0x6FFFF;
	_ =	strace $0x90000046  }
0xb3: {  	s29 =	simm.s32 $0x9;
	_ =	strace $0x80000048  }
0xb4: {  	_ =	swait.ge [sflag:s29], $0x1  }
0xb5: {  	[sflag:s29] =	ssyncadd.s32 $0xFFFFFFFF  }
0xb6: {  	_ =	strace $0x90000048  }
0xb7: {  	_ =	sfence  }
0xb8: {  	s30 =	sld [smem:$0x0];
	_ =	sdelay $0x2  }
0xb9: {  	s31 =	sshll.u32 s1, $0xD;
	s1 =	sshrl.u32 s1, $0x2  }
0xba: {  	s3 =	sand.u32 $0x4000, s31;
	s1 =	sadd.s32 s1, s30  }
0xbb: {  	s0 =	sor.u32 s3, s0;
	s1 =	sshll.u32 s1, $0x11  }
0xbc: {  	s0 =	sor.u32 s1, s0  }
0xbd: {  	s0 =	sadd.s32 $0x8F2B, s0  }
0xbe: {  	[sflag:s0] =	ssyncadd.remote.s32 $0x1  }
0xbf: {  	_ =	sfence.sel $0xFFFF  }
0xc0: {  	[dreg:$0x0] =	wrdreg $0xFFFFFFFF;
	(pc) =	sbr.abs _section_cstart, $3  }
0xc1: {  	[dreg:$0x1] =	wrdreg $0xFFFFFFFF  }
0xc2: {  	_ =	task.clear_ibuf [dreg:s7], $0x2FFFF;
	_ =	strace $0x9FFFFFFF  }
0xc3: {  	(tm) =	ssettm $0x7FFFFFFF  }
tec
execute0_lowered:
.L_overlay_start_1:
0x0: {  	(tag) =	ssettag $0x1  }
0x1: {  	s0 =	rddreg [dreg:$0x0]  }
0x2: {  	s1 =	rddreg [dreg:$0x1]  }
0x3: {  	s2 =	rddreg [dreg:$0x2];
	s3 =	simm.s32 $0x0;
	s14 =	stileid.u32  }
0x4: {  	s4 =	srdreg.scid;
	s28 =	simm.s32 $0x14080;
	s7 =	smul.u32 $0x50000, s14  }
0x5: {  	s29 =	simm.s32 $0x5;
	s30 =	simm.s32 $0x14000;
	s17 =	smul.u32 $0x14000, s14  }
0x6: {  	[smem:$0x7FF] =	sst s3;
	s4 =	sand.u32 $0x1, s4;
	s23 =	smul.u32 $0x1388, s14  }
0x7: {  	s6 =	sadd.s32 $0x7600, s0;
	s0 =	sadd.s32 $0x278600, s0;
	s24 =	smul.u32 $0x13880, s14  }
0x8: {  	s31 =	simm.s32 $0x1;
	_ =	strace $0x80000047;
	s18 =	smul.u32 $0x140000, s4  }
0x9: {  	s5 =	sshll.u32 s4, $0x4;
	s8 =	ssub.s32 $0x2, s4;
	s22 =	smul.u32 $0x138800, s4  }
0xa: {  	s4 =	smul.u32 $0x13880, s4;
	s5 =	sor.u32 s14, s5;
	s10 =	sshrl.u32 s8, $0x1  }
0xb: {  	s7 =	sshrl.u32 s7, $0x2;
	s20 =	sadd.s32 $0x4000, s17;
	s9 =	smul.u32 $0x1388, s5  }
0xc: {  	s12 =	sadd.s32 $0x8000, s17;
	s11 =	smul.u32 $0x13880, s5;
	s8 =	ssub.s32 s8, s10  }
0xd: {  	s5 =	sadd.s32 s7, s2;
	s25 =	sadd.s32 s18, s17;
	s26 =	sadd.s32 s18, s20  }
0xe: {  	s10 =	sadd.s32 $0x10000, s17;
	s8 =	smax.u32 s8, $0x1;
	s19 =	sadd.s32 $0x4000, s5  }
0xf: {  	s13 =	sshrl.u32 s9, $0x3;
	s15 =	sadd.s32 s6, s11;
	[dreg:$0x8] =	wrdreg s8  }
0x10: {  	s16 =	sadd.s32 $0x1380, s9;
	[dreg:$0x9] =	wrdreg s19;
	s11 =	sshrl.u32 s26, $0x3  }
0x11: {  	s19 =	sadd.s32 s20, s2;
	s20 =	sadd.s32 s12, s2;
	s8 =	simm.s32 $0x3  }
0x12: {  	s7 =	sadd.s32 s1, s13;
	[dreg:$0x5] =	wrdreg s15;
	s9 =	sshrl.u32 s16, $0x3  }
0x13: {  	s13 =	sadd.s32 s18, s12;
	s11 =	sadd.s32 s0, s11;
	s12 =	simm.s32 $0x0  }
0x14: {  	[dreg:$0x4] =	wrdreg s7;
	s7 =	sshll.u32 s16, $0x4;
	s9 =	sadd.s32 s1, s9  }
0x15: {  	[dreg:$0xb] =	wrdreg s11;
	s15 =	sshrl.u32 s13, $0x3;
	s16 =	sadd.s32 $0xC000, s17  }
0x16: {  	s17 =	sadd.s32 $0x8000, s5;
	[dreg:$0x6] =	wrdreg s9;
	s7 =	sadd.s32 s6, s7  }
0x17: {  	s9 =	sshrl.u32 s25, $0x3;
	s21 =	sadd.s32 s18, s16;
	s6 =	sadd.s32 s22, s6  }
0x18: {  	s22 =	sadd.s32 s10, s2;
	[dreg:$0x7] =	wrdreg s7;
	s9 =	sadd.s32 s0, s9  }
0x19: {  	s7 =	sadd.s32 s18, s10;
	s11 =	sshrl.u32 s21, $0x3;
	s18 =	sadd.s32 $0xC000, s5  }
0x1a: {  	s25 =	sadd.s32 s24, s6;
	s21 =	sadd.s32 s16, s2;
	s10 =	simm.s32 $0x1C100  }
0x1b: {  	[dreg:$0xa] =	wrdreg s9;
	s9 =	sadd.s32 s0, s15;
	s7 =	sshrl.u32 s7, $0x3  }
0x1c: {  	s11 =	sadd.s32 s0, s11;
	s14 =	sadd.s32 $0x1000, s25;
	[dreg:$0xc] =	wrdreg s9  }
0x1d: {  	[dreg:$0xd] =	wrdreg s11;
	s0 =	sadd.s32 s0, s7;
	s7 =	simm.s32 $0x80  }
0x1e: {  	s9 =	simm.s32 $0x4;
	[dreg:$0xe] =	wrdreg s0;
	s0 =	sadd.s32 s23, s4  }
0x1f: {  	s11 =	simm.s32 $0x1C180;
	s4 =	simm.s32 $0x18080;
	s26 =	sadd.s32 $0x80, s0  }
0x20: {  	s15 =	sadd.s32 $0x100, s0;
	s0 =	simm.s32 $0x2;
	s6 =	sshrl.u32 s26, $0x3  }
0x21: {  	v0 =	vimm.f32 $0.0e+00;
	s26 =	sadd.s32 $0x10000, s5;
	s25 =	sadd.s32 s6, s1;
	s6 =	simm.s32 $0x18100  }
.LBB2_1:
0x22: {  	s13 =	simm.s32 $0x0;
	s23 =	simm.s32 $0x200  }
.LBB2_2:
0x23: {  	p0 =	sne.s32 s23, $0xFE00;
	[tilespmem:s13+$0x140F0] =	vst v0  }
0x24: {  	[tilespmem:s13+$0x14080] =	vst v0  }
0x25: {  	[tilespmem:s13+$0x14090] =	vst v0  }
.Ltmp0:
0x26: {  	[tilespmem:s13+$0x140A0] =	vst v0;
	(pc) =	sbr.rel @p0 .LBB2_2-.Ltmp0, $4  }
0x27: {  	[tilespmem:s13+$0x140B0] =	vst v0  }
0x28: {  	[tilespmem:s13+$0x140C0] =	vst v0  }
0x29: {  	[tilespmem:s13+$0x140D0] =	vst v0  }
0x2a: {  	[tilespmem:s13+$0x140E0] =	vst v0;
	s13 =	sshra.s32 s23, $0x2;
	s23 =	sadd.s32 $0x200, s23  }
0x2b: {  	[tilespmem:s13+$0x140F0] =	vst v0  }
0x2c: {  	[tilespmem:s13+$0x14080] =	vst v0  }
0x2d: {  	[tilespmem:s13+$0x14090] =	vst v0  }
0x2e: {  	[tilespmem:s13+$0x140A0] =	vst v0  }
0x2f: {  	[tilespmem:s13+$0x140B0] =	vst v0  }
0x30: {  	[tilespmem:s13+$0x140C0] =	vst v0  }
0x31: {  	[tilespmem:s13+$0x140D0] =	vst v0  }
0x32: {  	[tilespmem:s13+$0x140E0] =	vst v0  }
0x33: {  	[spmem:s5] =	stream.linear.scatter [tilespmem:s28], [sflag:$0x5], $0x4000, $0x38;
	[tilespmem:$0x1C580] =	vst v63  }
0x34: {  	_ =	swait.ge [sflag:s29], $0x4000  }
0x35: {  	[sflag:s29] =	ssyncset.done $0x0  }
0x36: {  	s16 =	rddreg [dreg:$0x9];
	[sflag:s29] =	ssyncadd.s32 $0xFFFFC000  }
0x37: {  	[spmem:s16] =	stream.linear.scatter [tilespmem:s28], [sflag:$0x5], $0x4000, $0x38;
	[tilespmem:$0x1C580] =	vst v63  }
0x38: {  	_ =	swait.ge [sflag:s29], $0x4000  }
0x39: {  	[sflag:s29] =	ssyncset.done $0x0  }
0x3a: {  	[sflag:s29] =	ssyncadd.s32 $0xFFFFC000  }
0x3b: {  	[spmem:s17] =	stream.linear.scatter [tilespmem:s28], [sflag:$0x5], $0x4000, $0x38;
	[tilespmem:$0x1C580] =	vst v63  }
0x3c: {  	_ =	swait.ge [sflag:s29], $0x4000  }
0x3d: {  	[sflag:s29] =	ssyncset.done $0x0  }
0x3e: {  	[sflag:s29] =	ssyncadd.s32 $0xFFFFC000  }
0x3f: {  	[spmem:s18] =	stream.linear.scatter [tilespmem:s28], [sflag:$0x5], $0x4000, $0x38;
	[tilespmem:$0x1C580] =	vst v63  }
0x40: {  	_ =	swait.ge [sflag:s29], $0x4000  }
0x41: {  	[sflag:s29] =	ssyncset.done $0x0  }
0x42: {  	[sflag:s29] =	ssyncadd.s32 $0xFFFFC000  }
0x43: {  	[spmem:s26] =	stream.linear.scatter [tilespmem:s28], [sflag:$0x5], $0x4000, $0x38;
	[tilespmem:$0x1C580] =	vst v63  }
0x44: {  	_ =	swait.ge [sflag:s29], $0x4000  }
0x45: {  	[sflag:s29] =	ssyncset.done $0x0  }
0x46: {  	[sflag:s29] =	ssyncadd.s32 $0xFFFFC000  }
0x47: {  	[bflag:$0x0] =	sbarrier.arrive $0xFFFF  }
0x48: {  	s23 =	simm.s32 $0x0;
	s16 =	rddreg [dreg:$0x4]  }
0x49: {  	[tilespmem:s30], [sflag:$0x1] =	stream.linear.gather [hbm4b:s16+s23], $0x80, $0x38;
	[tilespmem:$0x1C580] =	vst v63  }
0x4a: {  	s24 =	rddreg [dreg:$0x5]  }
0x4b: {  	[tilespmem:s28], [sflag:$0x2] =	stream.linear.gather [hbm4b:s24+s23], $0x4000, $0x38;
	[tilespmem:$0x1C580] =	vst v63  }
0x4c: {  	_ =	swait.ge [sflag:s31], $0x80  }
0x4d: {  	[sflag:s31] =	ssyncset.done $0x0  }
0x4e: {  	[sflag:s31] =	ssyncadd.s32 $0xFFFFFF80  }
0x4f: {  	_ =	swait.ge [sflag:s0], $0x4000  }
0x50: {  	[sflag:s0] =	ssyncset.done $0x0  }
0x51: {  	s16 =	sadd.s32 $0x0, s25;
	[sflag:s0] =	ssyncadd.s32 $0xFFFFC000  }
0x52: {  	[tilespmem:s4], [sflag:$0x3] =	stream.linear.gather [hbm4b:s16+s3], $0x80, $0x38;
	[tilespmem:$0x1C580] =	vst v63  }
0x53: {  	s23 =	sadd.s32 $0xFFFFF800, s14  }
0x54: {  	[tilespmem:s6], [sflag:$0x4] =	stream.linear.gather [hbm4b:s23+s3], $0x4000, $0x38;
	[tilespmem:$0x1C580] =	vst v63  }
0x55: {  	_ = 	snop  }
0x56: {  	[spmem:s2] =	stream.indirect.scatter.add.f32 [tilespmem:s28], [sflag:$0x5], $0x80, s30, s7, $0xb8;
	[tilespmem:$0x1C580] =	vst v63  }
0x57: {  	_ =	swait.ge [sflag:s29], $0x4000  }
0x58: {  	[sflag:s29] =	ssyncset.done $0x0  }
0x59: {  	[sflag:s29] =	ssyncadd.s32 $0xFFFFC000  }
0x5a: {  	_ =	swait.ge [sflag:s8], $0x80  }
0x5b: {  	[sflag:s8] =	ssyncset.done $0x0  }
0x5c: {  	[sflag:s8] =	ssyncadd.s32 $0xFFFFFF80  }
0x5d: {  	_ =	swait.ge [sflag:s9], $0x4000  }
0x5e: {  	s24 =	sshrl.u32 s15, $0x3;
	[sflag:s9] =	ssyncset.done $0x0  }
0x5f: {  	s13 =	sadd.s32 s1, s24;
	[sflag:s9] =	ssyncadd.s32 $0xFFFFC000  }
0x60: {  	[tilespmem:s30], [sflag:$0x1] =	stream.linear.gather [hbm4b:s13+s3], $0x80, $0x38;
	[tilespmem:$0x1C580] =	vst v63  }
0x61: {  	_ = 	snop  }
0x62: {  	[tilespmem:s28], [sflag:$0x2] =	stream.linear.gather [hbm4b:s14+s3], $0x4000, $0x38;
	[tilespmem:$0x1C580] =	vst v63  }
0x63: {  	_ = 	snop  }
0x64: {  	[spmem:s2] =	stream.indirect.scatter.add.f32 [tilespmem:s6], [sflag:$0x5], $0x80, s4, s7, $0xb8;
	[tilespmem:$0x1C580] =	vst v63  }
0x65: {  	s24 =	smov.u32 s15;
	_ =	swait.ge [sflag:s29], $0x4000  }
0x66: {  	s23 =	smov.u32 s14;
	s13 =	simm.s32 $0x20;
	[sflag:s29] =	ssyncset.done $0x0  }
.LBB2_4:
0x67: {  	[sflag:s29] =	ssyncadd.s32 $0xFFFFC000;
	s23 =	sadd.s32 $0x1000, s23;
	s24 =	sadd.s32 $0x100, s24  }
0x68: {  	p0 =	sne.s32 s13, $0x240;
	s16 =	smov.u32 s13;
	s13 =	sadd.s32 $0x20, s13  }
0x69: {  	_ =	swait.ge [sflag:s31], $0x80  }
0x6a: {  	[sflag:s31] =	ssyncset.done $0x0  }
0x6b: {  	[sflag:s31] =	ssyncadd.s32 $0xFFFFFF80  }
0x6c: {  	_ =	swait.ge [sflag:s0], $0x4000  }
0x6d: {  	[sflag:s0] =	ssyncset.done $0x0  }
0x6e: {  	s16 =	sadd.s32 s16, s25;
	[sflag:s0] =	ssyncadd.s32 $0xFFFFC000  }
0x6f: {  	[tilespmem:s4], [sflag:$0x3] =	stream.linear.gather [hbm4b:s16+s3], $0x80, $0x38;
	[tilespmem:$0x1C580] =	vst v63  }
0x70: {  	s16 =	sadd.s32 $0xFFFFF800, s23  }
0x71: {  	[tilespmem:s6], [sflag:$0x4] =	stream.linear.gather [hbm4b:s16+s3], $0x4000, $0x38;
	[tilespmem:$0x1C580] =	vst v63  }
0x72: {  	_ = 	snop  }
0x73: {  	[spmem:s2] =	stream.indirect.scatter.add.f32 [tilespmem:s28], [sflag:$0x5], $0x80, s30, s7, $0xb8;
	[tilespmem:$0x1C580] =	vst v63  }
0x74: {  	_ =	swait.ge [sflag:s29], $0x4000  }
0x75: {  	[sflag:s29] =	ssyncset.done $0x0  }
0x76: {  	[sflag:s29] =	ssyncadd.s32 $0xFFFFC000  }
0x77: {  	_ =	swait.ge [sflag:s8], $0x80  }
0x78: {  	[sflag:s8] =	ssyncset.done $0x0  }
0x79: {  	[sflag:s8] =	ssyncadd.s32 $0xFFFFFF80  }
0x7a: {  	_ =	swait.ge [sflag:s9], $0x4000  }
0x7b: {  	s16 =	sshrl.u32 s24, $0x3;
	[sflag:s9] =	ssyncset.done $0x0  }
0x7c: {  	s16 =	sadd.s32 s1, s16;
	[sflag:s9] =	ssyncadd.s32 $0xFFFFC000  }
0x7d: {  	[tilespmem:s30], [sflag:$0x1] =	stream.linear.gather [hbm4b:s16+s3], $0x80, $0x38;
	[tilespmem:$0x1C580] =	vst v63  }
0x7e: {  	_ = 	snop  }
0x7f: {  	[tilespmem:s28], [sflag:$0x2] =	stream.linear.gather [hbm4b:s23+s3], $0x4000, $0x38;
	[tilespmem:$0x1C580] =	vst v63  }
.Ltmp1:
0x80: {  	_ = 	snop;
	(pc) =	sbr.rel @p0 .LBB2_4-.Ltmp1, $4  }
0x81: {  	_ = 	snop  }
0x82: {  	[spmem:s2] =	stream.indirect.scatter.add.f32 [tilespmem:s6], [sflag:$0x5], $0x80, s4, s7, $0xb8;
	[tilespmem:$0x1C580] =	vst v63  }
0x83: {  	_ =	swait.ge [sflag:s29], $0x4000  }
0x84: {  	[sflag:s29] =	ssyncset.done $0x0  }
0x85: {  	[sflag:s29] =	ssyncadd.s32 $0xFFFFC000  }
0x86: {  	_ =	swait.ge [sflag:s31], $0x80  }
0x87: {  	[sflag:s31] =	ssyncset.done $0x0  }
0x88: {  	[sflag:s31] =	ssyncadd.s32 $0xFFFFFF80  }
0x89: {  	_ =	swait.ge [sflag:s0], $0x4000  }
0x8a: {  	[sflag:s0] =	ssyncset.done $0x0  }
0x8b: {  	[sflag:s0] =	ssyncadd.s32 $0xFFFFC000  }
0x8c: {  	[spmem:s2] =	stream.indirect.scatter.add.f32 [tilespmem:s28], [sflag:$0x5], $0x80, s30, s7, $0xb8;
	[tilespmem:$0x1C580] =	vst v63  }
0x8d: {  	_ =	swait.ge [sflag:s29], $0x4000  }
0x8e: {  	[sflag:s29] =	ssyncset.done $0x0  }
0x8f: {  	s13 =	rddreg [dreg:$0x6];
	[sflag:s29] =	ssyncadd.s32 $0xFFFFC000  }
0x90: {  	[tilespmem:s10], [sflag:$0x5] =	stream.linear.gather [hbm4b:s13+s3], $0x8, $0x38;
	[tilespmem:$0x1C580] =	vst v63  }
0x91: {  	_ =	swait.ge [sflag:s29], $0x8  }
0x92: {  	[sflag:s29] =	ssyncset.done $0x0  }
0x93: {  	s23 =	rddreg [dreg:$0x7];
	[sflag:s29] =	ssyncadd.s32 $0xFFFFFFF8  }
0x94: {  	[tilespmem:s11], [sflag:$0x5] =	stream.linear.gather [hbm4b:s23+s3], $0x400, $0x38;
	[tilespmem:$0x1C580] =	vst v63  }
0x95: {  	_ =	swait.ge [sflag:s29], $0x400  }
0x96: {  	[sflag:s29] =	ssyncset.done $0x0  }
0x97: {  	s24 =	simm.s32 $0x8;
	[sflag:s29] =	ssyncadd.s32 $0xFFFFFC00  }
0x98: {  	[spmem:s2] =	stream.indirect.scatter.add.f32 [tilespmem:s11], [sflag:$0x5], $0x80, s10, s24, $0xb8;
	[tilespmem:$0x1C580] =	vst v63  }
0x99: {  	_ =	swait.ge [sflag:s29], $0x400  }
0x9a: {  	[sflag:s29] =	ssyncset.done $0x0  }
0x9b: {  	[sflag:s29] =	ssyncadd.s32 $0xFFFFFC00  }
0x9c: {  	[bflag:$0x0] =	sbarrier.arrive $0xFFFF  }
0x9d: {  	[tilespmem:s28], [sflag:$0x5] =	stream.linear.gather [spmem:s5], $0x4000, $0x38;
	[tilespmem:$0x1C580] =	vst v63  }
0x9e: {  	_ =	swait.ge [sflag:s29], $0x4000  }
0x9f: {  	[sflag:s29] =	ssyncset.done $0x0  }
0xa0: {  	s16 =	rddreg [dreg:$0xa];
	[sflag:s29] =	ssyncadd.s32 $0xFFFFC000  }
0xa1: {  	[hbm4b:s16+s3] =	stream.linear.scatter [tilespmem:s28], [sflag:$0x5], $0x4000, $0x38;
	[tilespmem:$0x1C580] =	vst v63  }
0xa2: {  	_ =	swait.ge [sflag:s29], $0x4000  }
0xa3: {  	[sflag:s29] =	ssyncset.done $0x0  }
0xa4: {  	[sflag:s29] =	ssyncadd.s32 $0xFFFFC000  }
0xa5: {  	[tilespmem:s28], [sflag:$0x5] =	stream.linear.gather [spmem:s19], $0x4000, $0x38;
	[tilespmem:$0x1C580] =	vst v63  }
0xa6: {  	_ =	swait.ge [sflag:s29], $0x4000  }
0xa7: {  	[sflag:s29] =	ssyncset.done $0x0  }
0xa8: {  	s23 =	rddreg [dreg:$0xb];
	[sflag:s29] =	ssyncadd.s32 $0xFFFFC000  }
0xa9: {  	[hbm4b:s23+s3] =	stream.linear.scatter [tilespmem:s28], [sflag:$0x5], $0x4000, $0x38;
	[tilespmem:$0x1C580] =	vst v63  }
0xaa: {  	_ =	swait.ge [sflag:s29], $0x4000  }
0xab: {  	[sflag:s29] =	ssyncset.done $0x0  }
0xac: {  	[sflag:s29] =	ssyncadd.s32 $0xFFFFC000  }
0xad: {  	[tilespmem:s28], [sflag:$0x5] =	stream.linear.gather [spmem:s20], $0x4000, $0x38;
	[tilespmem:$0x1C580] =	vst v63  }
0xae: {  	_ =	swait.ge [sflag:s29], $0x4000  }
0xaf: {  	[sflag:s29] =	ssyncset.done $0x0  }
0xb0: {  	s24 =	rddreg [dreg:$0xc];
	[sflag:s29] =	ssyncadd.s32 $0xFFFFC000  }
0xb1: {  	[hbm4b:s24+s3] =	stream.linear.scatter [tilespmem:s28], [sflag:$0x5], $0x4000, $0x38;
	[tilespmem:$0x1C580] =	vst v63  }
0xb2: {  	_ =	swait.ge [sflag:s29], $0x4000  }
0xb3: {  	[sflag:s29] =	ssyncset.done $0x0  }
0xb4: {  	[sflag:s29] =	ssyncadd.s32 $0xFFFFC000  }
0xb5: {  	[tilespmem:s28], [sflag:$0x5] =	stream.linear.gather [spmem:s21], $0x4000, $0x38;
	[tilespmem:$0x1C580] =	vst v63  }
0xb6: {  	_ =	swait.ge [sflag:s29], $0x4000  }
0xb7: {  	[sflag:s29] =	ssyncset.done $0x0  }
0xb8: {  	s16 =	rddreg [dreg:$0xd];
	[sflag:s29] =	ssyncadd.s32 $0xFFFFC000  }
0xb9: {  	[hbm4b:s16+s3] =	stream.linear.scatter [tilespmem:s28], [sflag:$0x5], $0x4000, $0x38;
	[tilespmem:$0x1C580] =	vst v63  }
0xba: {  	_ =	swait.ge [sflag:s29], $0x4000  }
0xbb: {  	[sflag:s29] =	ssyncset.done $0x0  }
0xbc: {  	[sflag:s29] =	ssyncadd.s32 $0xFFFFC000  }
0xbd: {  	[tilespmem:s28], [sflag:$0x5] =	stream.linear.gather [spmem:s22], $0x4000, $0x38;
	[tilespmem:$0x1C580] =	vst v63  }
0xbe: {  	_ =	swait.ge [sflag:s29], $0x4000  }
0xbf: {  	[sflag:s29] =	ssyncset.done $0x0  }
0xc0: {  	s23 =	rddreg [dreg:$0xe];
	[sflag:s29] =	ssyncadd.s32 $0xFFFFC000  }
0xc1: {  	[hbm4b:s23+s3] =	stream.linear.scatter [tilespmem:s28], [sflag:$0x5], $0x4000, $0x38;
	[tilespmem:$0x1C580] =	vst v63  }
0xc2: {  	_ =	swait.ge [sflag:s29], $0x4000  }
0xc3: {  	s12 =	sadd.s32 $0x1, s12;
	s24 =	rddreg [dreg:$0x8]  }
0xc4: {  	p0 =	sne.s32 s12, s24  }
.Ltmp2:
0xc5: {  	_ = 	snop;
	(pc) =	sbr.rel @p0 .LBB2_1-.Ltmp2, $3  }
0xc6: {  	_ =	sdelay $0x1  }
0xc7: {  	[sflag:s29] =	ssyncset.done $0x0  }
0xc8: {  	[sflag:s29] =	ssyncadd.s32 $0xFFFFC000  }
0xc9: {  	_ =	sfence.sel $0x180000  }
0xca: {  	[bflag:$0x0] =	sbarrier.arrive $0xFFFF  }
0xcb: {  	_ =	strace $0x90000047  }
0xcc: {  	s0 =	stileid.u32;
	[bflag:$0x2] =	sbarrier.arrive $0xFFFF  }
0xcd: {  	p0 =	sne.s32 s0, $0x0;
	s0 =	rddreg [dreg:$0x3]  }
0xce: {  	s0 =	sadd.s32 @!p0 $0x100000, s0  }
0xcf: {  	[sflag:s0] =	ssyncadd.tile.s32 @!p0 $0x1;
	_ =	shalt  }
.Lfunc_end2:
_tile_overlayer_lowered:
.L_overlay_start_2:
0xd0: {  	(tag) =	ssettag $0x2  }
0xd1: {  	s0 =	rddreg [dreg:$0x0];
	s2 =	stileid.u32  }
0xd2: {  	s1 =	rddreg [dreg:$0x1];
	p0 =	sne.s32 s2, $0x0  }
0xd3: {  	s3 =	rddreg [dreg:$0x2];
	[bflag:$0x3] =	sbarrier.arrive $0xFFFF;
	s2 =	simm.s32 @!p0 $0x1C05  }
0xd4: {  	[timem:s3], [sflag:s2] =	dma.local @!p0 [hbm:s0], s1  }
0xd5: {  	s0 =	simm.s32 @!p0 $0x5  }
0xd6: {  	_ =	swait.ge @!p0 [sflag:s0], s1  }
0xd7: {  	s1 =	ssub.s32 @!p0 $0x0, s1;
	[sflag:s0] =	ssyncset.done @!p0 $0x0  }
0xd8: {  	[sflag:s0] =	ssyncadd.s32 @!p0 s1  }
0xd9: {  	[bflag:$0x3] =	sbarrier.arrive $0xFFFF  }
0xda: {  	_ =	shalt  }

</sc_bundles>
